<compile_context>
chip_gen: v7x
topology: tpu7x:2x2x1
jax: 0.10.2.dev20260603
libtpu: 0.0.44.dev20260713+nightly
codegen_flags: <defaults>
</compile_context>

<pallas_src>
import functools

import jax
import jax.numpy as jnp
from jax import lax
from jax.experimental import pallas as pl
from jax.experimental.pallas import tpu as pltpu
from jax.experimental.pallas import tpu_sc as plsc

_N = 10000
_E = 320000
_D = 128
_H = 256

_NW = 32
_K = 128
_CHK = 80
_HCHK = _CHK // 2
_E_PAD = _NW * _K * _CHK
_N_PAD = 10240
_RPS = _N_PAD // 16

_mesh = plsc.VectorSubcoreMesh(core_axis_name="c", subcore_axis_name="s")


@functools.partial(
    pl.kernel,
    out_type=jax.ShapeDtypeStruct((2, 2, _N_PAD), jnp.float32),
    mesh=_mesh,
    scratch_types=[
        pltpu.VMEM((2, _HCHK, _K), jnp.int32),
        pltpu.VMEM((2, _HCHK, _K), jnp.int32),
        pltpu.VMEM((_K,), jnp.float32),
        pltpu.VMEM((_K,), jnp.float32),
        pltpu.VMEM_SHARED((_N_PAD,), jnp.float32),
        pltpu.VMEM_SHARED((_N_PAD,), jnp.float32),
        pltpu.SemaphoreType.DMA,
    ],
)
def _sc_degrees(src_hbm, dst_hbm, ones_hbm, zeros_hbm, out_hbm,
                src_v, dst_v, ones_v, zeros_v, dego_sh, degi_sh, dsem):
    c = lax.axis_index("c")
    s = lax.axis_index("s")
    pltpu.sync_copy(ones_hbm, ones_v)
    pltpu.sync_copy(zeros_hbm, zeros_v)
    @pl.loop(0, _RPS // _K)
    def _z(k):
        pltpu.async_copy(zeros_v, dego_sh.at[pl.ds(s * _RPS + k * _K, _K)],
                         dsem)
        pltpu.async_copy(zeros_v, degi_sh.at[pl.ds(s * _RPS + k * _K, _K)],
                         dsem)
    pltpu.sync_copy(src_hbm.at[c].at[s], src_v)
    pltpu.sync_copy(dst_hbm.at[c].at[s], dst_v)
    @pl.loop(0, 2 * (_RPS // _K))
    def _zdrain(k):
        pltpu.make_async_copy(ones_hbm, zeros_v, dsem).wait()
    plsc.subcore_barrier()
    @pl.loop(0, 2)
    def _half(hh):
        @pl.loop(0, _HCHK)
        def _e(j):
            pltpu.async_copy(ones_v, dego_sh.at[src_v.at[hh].at[j]], dsem,
                             add=True)
            pltpu.async_copy(ones_v, degi_sh.at[dst_v.at[hh].at[j]], dsem,
                             add=True)
    @pl.loop(0, 4)
    def _drain(k):
        pltpu.make_async_copy(src_hbm.at[c].at[s].at[0], src_v.at[0],
                              dsem).wait()
    plsc.subcore_barrier()
    pltpu.sync_copy(dego_sh.at[pl.ds(s * _RPS, _RPS)],
                    out_hbm.at[c].at[0].at[pl.ds(s * _RPS, _RPS)])
    pltpu.sync_copy(degi_sh.at[pl.ds(s * _RPS, _RPS)],
                    out_hbm.at[c].at[1].at[pl.ds(s * _RPS, _RPS)])


def _make_spmm(nx):
    @functools.partial(
        pl.kernel,
        out_type=jax.ShapeDtypeStruct((nx, 2, _N_PAD, _D), jnp.float32),
        mesh=_mesh,
        scratch_types=[
            pltpu.VMEM((_HCHK, _K), jnp.int32),
            pltpu.VMEM((_HCHK, _K), jnp.int32),
            pltpu.VMEM((_K, _D), jnp.float32),
            pltpu.VMEM((_K, _D), jnp.float32),
            pltpu.VMEM((16, _D), jnp.float32),
            pltpu.VMEM_SHARED((_N_PAD, _D), jnp.float32),
            pltpu.SemaphoreType.DMA,
            pltpu.SemaphoreType.DMA,
            pltpu.SemaphoreType.DMA,
        ],
    )
    def _spmm(x_hbm, src_hbm, dst_hbm, z16_hbm, out_hbm,
              src_v, dst_v, rows0_v, rows1_v, zeros_v, agg_sh,
              gsem0, gsem1, zsem):
        c = lax.axis_index("c")
        s = lax.axis_index("s")
        pltpu.sync_copy(z16_hbm, zeros_v)
        @pl.loop(0, nx)
        def _pass(hx):
            @pl.loop(0, _RPS // 16)
            def _z(k):
                pltpu.async_copy(zeros_v,
                                 agg_sh.at[pl.ds(s * _RPS + k * 16, 16)], zsem)
            pltpu.sync_copy(src_hbm.at[c].at[s].at[0], src_v)
            pltpu.sync_copy(dst_hbm.at[c].at[s].at[0], dst_v)
            pltpu.async_copy(x_hbm.at[hx].at[src_v.at[0]], rows0_v, gsem0)
            pltpu.async_copy(x_hbm.at[hx].at[src_v.at[1]], rows1_v, gsem1)
            pltpu.make_async_copy(x_hbm.at[0].at[pl.ds(0, _RPS)],
                                  agg_sh.at[pl.ds(s * _RPS, _RPS)], zsem).wait()
            plsc.subcore_barrier()
            @pl.loop(0, 2)
            def _half(hh):
                @pl.when(hh == 1)
                def _():
                    pltpu.sync_copy(src_hbm.at[c].at[s].at[1], src_v)
                    pltpu.sync_copy(dst_hbm.at[c].at[s].at[1], dst_v)
                    pltpu.async_copy(x_hbm.at[hx].at[src_v.at[0]],
                                     rows0_v, gsem0)
                    pltpu.async_copy(x_hbm.at[hx].at[src_v.at[1]],
                                     rows1_v, gsem1)
                @pl.loop(0, _HCHK, step=2)
                def _e(j):
                    pltpu.make_async_copy(x_hbm.at[hx].at[src_v.at[j]],
                                          rows0_v, gsem0).wait()
                    pltpu.sync_copy(rows0_v, agg_sh.at[dst_v.at[j]], add=True)
                    @pl.when(j + 2 < _HCHK)
                    def _():
                        pltpu.async_copy(x_hbm.at[hx].at[src_v.at[j + 2]],
                                         rows0_v, gsem0)
                    pltpu.make_async_copy(x_hbm.at[hx].at[src_v.at[j + 1]],
                                          rows1_v, gsem1).wait()
                    pltpu.sync_copy(rows1_v, agg_sh.at[dst_v.at[j + 1]],
                                    add=True)
                    @pl.when(j + 3 < _HCHK)
                    def _():
                        pltpu.async_copy(x_hbm.at[hx].at[src_v.at[j + 3]],
                                         rows1_v, gsem1)
            plsc.subcore_barrier()
            pltpu.sync_copy(agg_sh.at[pl.ds(s * _RPS, _RPS)],
                            out_hbm.at[hx].at[c].at[pl.ds(s * _RPS, _RPS)])
    return _spmm


_sc_spmm1 = _make_spmm(1)
_sc_spmm2 = _make_spmm(2)


_R = 2048


def _prep_body(deg_ref, h_ref, invout_ref, invin_ref, xs_ref):
    d = deg_ref[...]
    io = lax.rsqrt(jnp.maximum(d[0, 0] + d[1, 0], 1.0))[:, None]
    ii = lax.rsqrt(jnp.maximum(d[0, 1] + d[1, 1], 1.0))[:, None]
    invout_ref[...] = io
    invin_ref[...] = ii
    xs_ref[...] = h_ref[...] * io


def _mid_body(pa_ref, invin_ref, invout_ref, w1_ref, b1_ref, h1_ref):
    agg = (pa_ref[0] + pa_ref[1]) * invin_ref[...]
    y = jnp.dot(agg, w1_ref[...], preferred_element_type=jnp.float32)
    y = jnp.maximum(y + b1_ref[...], 0.0) * invout_ref[...]
    h1_ref[0] = y[:, :_D]
    h1_ref[1] = y[:, _D:]


def _fin_body(p_ref, invin_ref, w2a_ref, w2b_ref, b2_ref,
              wc_ref, bc_ref, out_ref, pool_ref):
    i = pl.program_id(0)
    ii = invin_ref[...]
    agg_a = (p_ref[0, 0] + p_ref[0, 1]) * ii
    agg_b = (p_ref[1, 0] + p_ref[1, 1]) * ii
    y = (jnp.dot(agg_a, w2a_ref[...], preferred_element_type=jnp.float32)
         + jnp.dot(agg_b, w2b_ref[...], preferred_element_type=jnp.float32))
    y = jnp.maximum(y + b2_ref[...], 0.0)
    rows = lax.broadcasted_iota(jnp.int32, (_R, 1), 0) + i * _R
    y = jnp.where(rows < _N, y, 0.0)
    bm = jnp.max(y, axis=0, keepdims=True)
    @pl.when(i == 0)
    def _():
        pool_ref[...] = bm
    @pl.when(i > 0)
    def _():
        pool_ref[...] = jnp.maximum(pool_ref[...], bm)
    @pl.when(i == pl.num_programs(0) - 1)
    def _():
        out_ref[...] = (jnp.dot(pool_ref[...], wc_ref[...],
                                preferred_element_type=jnp.float32)
                        + bc_ref[...])


def _tc_prep(deg_parts, h_pad):
    g = _N_PAD // _R
    return pl.pallas_call(
        _prep_body,
        grid=(g,),
        in_specs=[
            pl.BlockSpec((2, 2, _R), lambda i: (0, 0, i)),
            pl.BlockSpec((_R, _D), lambda i: (i, 0)),
        ],
        out_specs=[
            pl.BlockSpec((_R, 1), lambda i: (i, 0)),
            pl.BlockSpec((_R, 1), lambda i: (i, 0)),
            pl.BlockSpec((_R, _D), lambda i: (i, 0)),
        ],
        out_shape=[
            jax.ShapeDtypeStruct((_N_PAD, 1), jnp.float32),
            jax.ShapeDtypeStruct((_N_PAD, 1), jnp.float32),
            jax.ShapeDtypeStruct((_N_PAD, _D), jnp.float32),
        ],
    )(deg_parts, h_pad)


def _tc_mid(parts, invin, invout, w1, b1r):
    g = _N_PAD // _R
    return pl.pallas_call(
        _mid_body,
        grid=(g,),
        in_specs=[
            pl.BlockSpec((2, _R, _D), lambda i: (0, i, 0)),
            pl.BlockSpec((_R, 1), lambda i: (i, 0)),
            pl.BlockSpec((_R, 1), lambda i: (i, 0)),
            pl.BlockSpec((_D, _H), lambda i: (0, 0)),
            pl.BlockSpec((1, _H), lambda i: (0, 0)),
        ],
        out_specs=[
            pl.BlockSpec((2, _R, _D), lambda i: (0, i, 0)),
        ],
        out_shape=[
            jax.ShapeDtypeStruct((2, _N_PAD, _D), jnp.float32),
        ],
    )(parts, invin, invout, w1, b1r)


def _tc_final(parts, invin, w2a, w2b, b2r, wc_pad, bc_pad):
    g = _N_PAD // _R
    return pl.pallas_call(
        _fin_body,
        grid=(g,),
        in_specs=[
            pl.BlockSpec((2, 2, _R, _D), lambda i: (0, 0, i, 0)),
            pl.BlockSpec((_R, 1), lambda i: (i, 0)),
            pl.BlockSpec((_D, _H), lambda i: (0, 0)),
            pl.BlockSpec((_D, _H), lambda i: (0, 0)),
            pl.BlockSpec((1, _H), lambda i: (0, 0)),
            pl.BlockSpec((_H, 128), lambda i: (0, 0)),
            pl.BlockSpec((1, 128), lambda i: (0, 0)),
        ],
        out_specs=pl.BlockSpec((1, 128), lambda i: (0, 0)),
        out_shape=jax.ShapeDtypeStruct((1, 128), jnp.float32),
        scratch_shapes=[pltpu.VMEM((1, _H), jnp.float32)],
    )(parts, invin, w2a, w2b, b2r, wc_pad, bc_pad)


def kernel(h, edge_index, W1, b1, W2, b2, Wc, bc):
    src = edge_index[0]
    dst = edge_index[1]
    ppt = _E_PAD // _NW - _E // _NW
    pads = jnp.broadcast_to(_N + jnp.arange(ppt, dtype=jnp.int32), (_NW, ppt))
    srcp = jnp.concatenate([src.reshape(_NW, _E // _NW), pads],
                           axis=1).reshape(2, 16, 2, _HCHK, _K)
    dstp = jnp.concatenate([dst.reshape(_NW, _E // _NW), pads],
                           axis=1).reshape(2, 16, 2, _HCHK, _K)

    ones128 = jnp.ones((_K,), jnp.float32)
    zeros128 = jnp.zeros((_K,), jnp.float32)
    z16 = jnp.zeros((16, _D), jnp.float32)

    deg_parts = _sc_degrees(srcp, dstp, ones128, zeros128)

    h_pad = jnp.pad(h, ((0, _N_PAD - _N), (0, 0)))
    invout, invin, xs = _tc_prep(deg_parts, h_pad)

    agg1_parts = _sc_spmm1(xs[None], srcp, dstp, z16)

    (h1,) = _tc_mid(agg1_parts[0], invin, invout, W1, b1.reshape(1, _H))

    agg2_parts = _sc_spmm2(h1, srcp, dstp, z16)

    wc_pad = jnp.pad(Wc, ((0, 0), (0, 128 - Wc.shape[1])))
    bc_pad = jnp.pad(bc, (0, 128 - bc.shape[0])).reshape(1, 128)
    out = _tc_final(agg2_parts, invin,
                    W2[:_D], W2[_D:], b2.reshape(1, _H), wc_pad, bc_pad)
    return out[0, :Wc.shape[1]]

# --- scband reference (transcript-rebuilt; emitter-appended) ---
"""Pipeline reference for scband-gcnclassifier-69999376990322 (READ-ONLY COPY).

The authoritative reference and input builder live on the scoring server;
editing this copy changes nothing except your own understanding.
"""

import jax, jax.numpy as jnp
import numpy as np

N, E, D, H, C = 10000, 320000, 128, 256, 10

def setup_inputs(seed: int = 0) -> dict:
    key = jax.random.key(seed)
    ks = jax.random.split(key, 8)
    h = jax.random.normal(ks[0], (N, D), dtype=jnp.float32)
    edge_index = jax.random.randint(ks[1], (2, E), 0, N, dtype=jnp.int32)
    # GraphConv weights (glorot-ish scaling) and biases
    W1 = jax.random.normal(ks[2], (D, H), dtype=jnp.float32) * (1.0 / np.sqrt(D))
    b1 = jnp.zeros((H,), dtype=jnp.float32)
    W2 = jax.random.normal(ks[3], (H, H), dtype=jnp.float32) * (1.0 / np.sqrt(H))
    b2 = jnp.zeros((H,), dtype=jnp.float32)
    Wc = jax.random.normal(ks[4], (H, C), dtype=jnp.float32) * (1.0 / np.sqrt(H))
    bc = jnp.zeros((C,), dtype=jnp.float32)
    return {"h": h, "edge_index": edge_index, "W1": W1, "b1": b1, "W2": W2, "b2": b2, "Wc": Wc, "bc": bc}

def reference(h, edge_index, W1, b1, W2, b2, Wc, bc):
    n = h.shape[0]
    src = edge_index[0]
    dst = edge_index[1]
    ones = jnp.ones(src.shape[0], dtype=h.dtype)
    # DGL GraphConv norm='both': symmetric normalization with degree clamped to >= 1
    deg_out = jnp.maximum(jax.ops.segment_sum(ones, src, num_segments=n), 1.0)
    deg_in = jnp.maximum(jax.ops.segment_sum(ones, dst, num_segments=n), 1.0)
    inv_sqrt_out = jax.lax.rsqrt(deg_out)[:, None]
    inv_sqrt_in = jax.lax.rsqrt(deg_in)[:, None]

    def graph_conv(x, W, b):
        # in_feats <= out_feats for both layers -> aggregate first, then matmul (DGL order)
        x = x * inv_sqrt_out
        agg = jax.ops.segment_sum(x[src], dst, num_segments=n)
        agg = agg * inv_sqrt_in
        return agg @ W + b

    h1 = jax.nn.relu(graph_conv(h, W1, b1))
    h2 = jax.nn.relu(graph_conv(h1, W2, b2))
    # MaxPooling readout over all nodes (single graph)
    pooled = jnp.max(h2, axis=0)
    return pooled @ Wc + bc

if __name__ == "__main__":
    import jax
    _d = setup_inputs()
    print(jax.jit(kernel)(*tuple(_d.values())))

</pallas_src>

<mosaic_0001>
#map = affine_map<(d0, d1) -> (0, 0, 0, 0, 0)>
#map1 = affine_map<(d0, d1) -> (0)>
#map2 = affine_map<(d0, d1) -> (0, 0, 0)>
module attributes {stable_mosaic.version = 14 : i64} {
  func.func @_sc_degrees(%arg0: i32, %arg1: i32, %arg2: memref<2x16x2x40x128xi32, #tpu.memory_space<hbm>>, %arg3: memref<2x16x2x40x128xi32, #tpu.memory_space<hbm>>, %arg4: memref<128xf32, #tpu.memory_space<hbm>>, %arg5: memref<128xf32, #tpu.memory_space<hbm>>, %arg6: memref<2x2x10240xf32, #tpu.memory_space<hbm>>, %arg7: memref<2x40x128xi32, #tpu.memory_space<vmem>>, %arg8: memref<2x40x128xi32, #tpu.memory_space<vmem>>, %arg9: memref<128xf32, #tpu.memory_space<vmem>>, %arg10: memref<128xf32, #tpu.memory_space<vmem>>, %arg11: memref<10240xf32, #tpu.memory_space<vmem_shared>>, %arg12: memref<10240xf32, #tpu.memory_space<vmem_shared>>, %arg13: memref<!tpu.dma_semaphore, #tpu.memory_space<semaphore_mem>>) attributes {dimension_semantics = [#tpu.dimension_semantics<core_parallel>, #tpu.dimension_semantics<subcore_parallel>], iteration_bounds = array<i64: 2, 16>, scalar_prefetch = 0 : i64, scratch_operands = 7 : i64, tpu.core_type = #tpu.core_type<sc_vector_subcore>, window_params = [{transform_indices = #map}, {transform_indices = #map}, {transform_indices = #map1}, {transform_indices = #map1}, {transform_indices = #map2}]} {
    "tpu.region"() ({
      %run_scoped3A_28 = tpu.sem_alloc : memref<!tpu.dma_semaphore, #tpu.memory_space<semaphore_mem>>
      tpu.enqueue_dma source(%arg4 : memref<128xf32, #tpu.memory_space<hbm>>) target(%arg9 : memref<128xf32, #tpu.memory_space<vmem>>) target_semaphore(%run_scoped3A_28 : memref<!tpu.dma_semaphore, #tpu.memory_space<semaphore_mem>>)
      tpu.wait_dma2 semaphore(%run_scoped3A_28 : memref<!tpu.dma_semaphore, #tpu.memory_space<semaphore_mem>>) src(%arg4 : memref<128xf32, #tpu.memory_space<hbm>>) dst(%arg9 : memref<128xf32, #tpu.memory_space<vmem>>)
      tpu.yield
    }) : () -> ()
    "tpu.region"() ({
      %run_scoped3A_28 = tpu.sem_alloc : memref<!tpu.dma_semaphore, #tpu.memory_space<semaphore_mem>>
      tpu.enqueue_dma source(%arg5 : memref<128xf32, #tpu.memory_space<hbm>>) target(%arg10 : memref<128xf32, #tpu.memory_space<vmem>>) target_semaphore(%run_scoped3A_28 : memref<!tpu.dma_semaphore, #tpu.memory_space<semaphore_mem>>)
      tpu.wait_dma2 semaphore(%run_scoped3A_28 : memref<!tpu.dma_semaphore, #tpu.memory_space<semaphore_mem>>) src(%arg5 : memref<128xf32, #tpu.memory_space<hbm>>) dst(%arg10 : memref<128xf32, #tpu.memory_space<vmem>>)
      tpu.yield
    }) : () -> ()
    %scan3A = arith.constant 0 : i32
    %scan3A_0 = arith.constant 5 : i32
    %scan3A_1 = arith.addi %scan3A, %scan3A_0 : i32
    %scan3A_2 = arith.constant 1 : i32
    scf.for %scan3A_28 = %scan3A to %scan3A_1 step %scan3A_2  : i32 {
      %mul3A_29 = arith.constant 1 : i32
      %mul3A_30 = arith.muli %scan3A_28, %mul3A_29 : i32
      %add3A = arith.constant 0 : i32
      %add3A_31 = arith.addi %add3A, %mul3A_30 : i32
      %mul3A_32 = arith.constant 640 : i32
      %mul3A_33 = arith.muli %arg1, %mul3A_32 : i32
      %mul3A_34 = arith.constant 128 : i32
      %mul3A_35 = arith.muli %add3A_31, %mul3A_34 : i32
      %add3A_36 = arith.addi %mul3A_33, %mul3A_35 : i32
      %dma_start3A = tpu.memref_slice %arg11[%add3A_36] : memref<10240xf32, #tpu.memory_space<vmem_shared>> -> memref<128xf32, #tpu.memory_space<vmem_shared>>
      %dma_start3A_37 = tpu.memref_slice %arg11[%add3A_36] : memref<10240xf32, #tpu.memory_space<vmem_shared>> -> memref<128xf32, #tpu.memory_space<vmem_shared>>
      tpu.enqueue_dma source(%arg10 : memref<128xf32, #tpu.memory_space<vmem>>) target(%dma_start3A_37 : memref<128xf32, #tpu.memory_space<vmem_shared>>) target_semaphore(%arg13 : memref<!tpu.dma_semaphore, #tpu.memory_space<semaphore_mem>>)
      %mul3A_38 = arith.constant 640 : i32
      %mul3A_39 = arith.muli %arg1, %mul3A_38 : i32
      %mul3A_40 = arith.constant 128 : i32
      %mul3A_41 = arith.muli %add3A_31, %mul3A_40 : i32
      %add3A_42 = arith.addi %mul3A_39, %mul3A_41 : i32
      %dma_start3A_43 = tpu.memref_slice %arg12[%add3A_42] : memref<10240xf32, #tpu.memory_space<vmem_shared>> -> memref<128xf32, #tpu.memory_space<vmem_shared>>
      %dma_start3A_44 = tpu.memref_slice %arg12[%add3A_42] : memref<10240xf32, #tpu.memory_space<vmem_shared>> -> memref<128xf32, #tpu.memory_space<vmem_shared>>
      tpu.enqueue_dma source(%arg10 : memref<128xf32, #tpu.memory_space<vmem>>) target(%dma_start3A_44 : memref<128xf32, #tpu.memory_space<vmem_shared>>) target_semaphore(%arg13 : memref<!tpu.dma_semaphore, #tpu.memory_space<semaphore_mem>>)
    }
    %scan3A_3 = arith.constant 5 : i32
    "tpu.region"() ({
      %run_scoped3A_28 = tpu.sem_alloc : memref<!tpu.dma_semaphore, #tpu.memory_space<semaphore_mem>>
      %dma_start3A = arith.constant 0 : i32
      %dma_start3A_29 = arith.constant 0 : i32
      %dma_start3A_30 = arith.constant 0 : i32
      %dma_start3A_31 = arith.constant 0 : i32
      %dma_start3A_32 = tpu.memref_slice %arg2[%arg0, %dma_start3A, %dma_start3A_29, %dma_start3A_30, %dma_start3A_31] : memref<2x16x2x40x128xi32, #tpu.memory_space<hbm>> -> memref<1x16x2x40x128xi32, #tpu.memory_space<hbm>>
      %dma_start3A_33 = tpu.memref_squeeze %dma_start3A_32 : memref<1x16x2x40x128xi32, #tpu.memory_space<hbm>> -> memref<16x2x40x128xi32, #tpu.memory_space<hbm>>
      %dma_start3A_34 = arith.constant 0 : i32
      %dma_start3A_35 = arith.constant 0 : i32
      %dma_start3A_36 = arith.constant 0 : i32
      %dma_start3A_37 = tpu.memref_slice %dma_start3A_33[%arg1, %dma_start3A_34, %dma_start3A_35, %dma_start3A_36] : memref<16x2x40x128xi32, #tpu.memory_space<hbm>> -> memref<1x2x40x128xi32, #tpu.memory_space<hbm>>
      %dma_start3A_38 = tpu.memref_squeeze %dma_start3A_37 : memref<1x2x40x128xi32, #tpu.memory_space<hbm>> -> memref<2x40x128xi32, #tpu.memory_space<hbm>>
      %dma_start3A_39 = arith.constant 0 : i32
      %dma_start3A_40 = arith.constant 0 : i32
      %dma_start3A_41 = arith.constant 0 : i32
      %dma_start3A_42 = arith.constant 0 : i32
      %dma_start3A_43 = tpu.memref_slice %arg2[%arg0, %dma_start3A_39, %dma_start3A_40, %dma_start3A_41, %dma_start3A_42] : memref<2x16x2x40x128xi32, #tpu.memory_space<hbm>> -> memref<1x16x2x40x128xi32, #tpu.memory_space<hbm>>
      %dma_start3A_44 = tpu.memref_squeeze %dma_start3A_43 : memref<1x16x2x40x128xi32, #tpu.memory_space<hbm>> -> memref<16x2x40x128xi32, #tpu.memory_space<hbm>>
      %dma_start3A_45 = arith.constant 0 : i32
      %dma_start3A_46 = arith.constant 0 : i32
      %dma_start3A_47 = arith.constant 0 : i32
      %dma_start3A_48 = tpu.memref_slice %dma_start3A_44[%arg1, %dma_start3A_45, %dma_start3A_46, %dma_start3A_47] : memref<16x2x40x128xi32, #tpu.memory_space<hbm>> -> memref<1x2x40x128xi32, #tpu.memory_space<hbm>>
      %dma_start3A_49 = tpu.memref_squeeze %dma_start3A_48 : memref<1x2x40x128xi32, #tpu.memory_space<hbm>> -> memref<2x40x128xi32, #tpu.memory_space<hbm>>
      tpu.enqueue_dma source(%dma_start3A_49 : memref<2x40x128xi32, #tpu.memory_space<hbm>>) target(%arg7 : memref<2x40x128xi32, #tpu.memory_space<vmem>>) target_semaphore(%run_scoped3A_28 : memref<!tpu.dma_semaphore, #tpu.memory_space<semaphore_mem>>)
      %dma_wait3A = arith.constant 0 : i32
      %dma_wait3A_50 = arith.constant 0 : i32
      %dma_wait3A_51 = arith.constant 0 : i32
      %dma_wait3A_52 = arith.constant 0 : i32
      %dma_wait3A_53 = tpu.memref_slice %arg2[%arg0, %dma_wait3A, %dma_wait3A_50, %dma_wait3A_51, %dma_wait3A_52] : memref<2x16x2x40x128xi32, #tpu.memory_space<hbm>> -> memref<1x16x2x40x128xi32, #tpu.memory_space<hbm>>
      %dma_wait3A_54 = tpu.memref_squeeze %dma_wait3A_53 : memref<1x16x2x40x128xi32, #tpu.memory_space<hbm>> -> memref<16x2x40x128xi32, #tpu.memory_space<hbm>>
      %dma_wait3A_55 = arith.constant 0 : i32
      %dma_wait3A_56 = arith.constant 0 : i32
      %dma_wait3A_57 = arith.constant 0 : i32
      %dma_wait3A_58 = tpu.memref_slice %dma_wait3A_54[%arg1, %dma_wait3A_55, %dma_wait3A_56, %dma_wait3A_57] : memref<16x2x40x128xi32, #tpu.memory_space<hbm>> -> memref<1x2x40x128xi32, #tpu.memory_space<hbm>>
      %dma_wait3A_59 = tpu.memref_squeeze %dma_wait3A_58 : memref<1x2x40x128xi32, #tpu.memory_space<hbm>> -> memref<2x40x128xi32, #tpu.memory_space<hbm>>
      %dma_wait3A_60 = arith.constant 0 : i32
      %dma_wait3A_61 = arith.constant 0 : i32
      %dma_wait3A_62 = arith.constant 0 : i32
      %dma_wait3A_63 = arith.constant 0 : i32
      %dma_wait3A_64 = tpu.memref_slice %arg2[%arg0, %dma_wait3A_60, %dma_wait3A_61, %dma_wait3A_62, %dma_wait3A_63] : memref<2x16x2x40x128xi32, #tpu.memory_space<hbm>> -> memref<1x16x2x40x128xi32, #tpu.memory_space<hbm>>
      %dma_wait3A_65 = tpu.memref_squeeze %dma_wait3A_64 : memref<1x16x2x40x128xi32, #tpu.memory_space<hbm>> -> memref<16x2x40x128xi32, #tpu.memory_space<hbm>>
      %dma_wait3A_66 = arith.constant 0 : i32
      %dma_wait3A_67 = arith.constant 0 : i32
      %dma_wait3A_68 = arith.constant 0 : i32
      %dma_wait3A_69 = tpu.memref_slice %dma_wait3A_65[%arg1, %dma_wait3A_66, %dma_wait3A_67, %dma_wait3A_68] : memref<16x2x40x128xi32, #tpu.memory_space<hbm>> -> memref<1x2x40x128xi32, #tpu.memory_space<hbm>>
      %dma_wait3A_70 = tpu.memref_squeeze %dma_wait3A_69 : memref<1x2x40x128xi32, #tpu.memory_space<hbm>> -> memref<2x40x128xi32, #tpu.memory_space<hbm>>
      tpu.wait_dma2 semaphore(%run_scoped3A_28 : memref<!tpu.dma_semaphore, #tpu.memory_space<semaphore_mem>>) src(%dma_wait3A_70 : memref<2x40x128xi32, #tpu.memory_space<hbm>>) dst(%arg7 : memref<2x40x128xi32, #tpu.memory_space<vmem>>)
      tpu.yield
    }) : () -> ()
    "tpu.region"() ({
      %run_scoped3A_28 = tpu.sem_alloc : memref<!tpu.dma_semaphore, #tpu.memory_space<semaphore_mem>>
      %dma_start3A = arith.constant 0 : i32
      %dma_start3A_29 = arith.constant 0 : i32
      %dma_start3A_30 = arith.constant 0 : i32
      %dma_start3A_31 = arith.constant 0 : i32
      %dma_start3A_32 = tpu.memref_slice %arg3[%arg0, %dma_start3A, %dma_start3A_29, %dma_start3A_30, %dma_start3A_31] : memref<2x16x2x40x128xi32, #tpu.memory_space<hbm>> -> memref<1x16x2x40x128xi32, #tpu.memory_space<hbm>>
      %dma_start3A_33 = tpu.memref_squeeze %dma_start3A_32 : memref<1x16x2x40x128xi32, #tpu.memory_space<hbm>> -> memref<16x2x40x128xi32, #tpu.memory_space<hbm>>
      %dma_start3A_34 = arith.constant 0 : i32
      %dma_start3A_35 = arith.constant 0 : i32
      %dma_start3A_36 = arith.constant 0 : i32
      %dma_start3A_37 = tpu.memref_slice %dma_start3A_33[%arg1, %dma_start3A_34, %dma_start3A_35, %dma_start3A_36] : memref<16x2x40x128xi32, #tpu.memory_space<hbm>> -> memref<1x2x40x128xi32, #tpu.memory_space<hbm>>
      %dma_start3A_38 = tpu.memref_squeeze %dma_start3A_37 : memref<1x2x40x128xi32, #tpu.memory_space<hbm>> -> memref<2x40x128xi32, #tpu.memory_space<hbm>>
      %dma_start3A_39 = arith.constant 0 : i32
      %dma_start3A_40 = arith.constant 0 : i32
      %dma_start3A_41 = arith.constant 0 : i32
      %dma_start3A_42 = arith.constant 0 : i32
      %dma_start3A_43 = tpu.memref_slice %arg3[%arg0, %dma_start3A_39, %dma_start3A_40, %dma_start3A_41, %dma_start3A_42] : memref<2x16x2x40x128xi32, #tpu.memory_space<hbm>> -> memref<1x16x2x40x128xi32, #tpu.memory_space<hbm>>
      %dma_start3A_44 = tpu.memref_squeeze %dma_start3A_43 : memref<1x16x2x40x128xi32, #tpu.memory_space<hbm>> -> memref<16x2x40x128xi32, #tpu.memory_space<hbm>>
      %dma_start3A_45 = arith.constant 0 : i32
      %dma_start3A_46 = arith.constant 0 : i32
      %dma_start3A_47 = arith.constant 0 : i32
      %dma_start3A_48 = tpu.memref_slice %dma_start3A_44[%arg1, %dma_start3A_45, %dma_start3A_46, %dma_start3A_47] : memref<16x2x40x128xi32, #tpu.memory_space<hbm>> -> memref<1x2x40x128xi32, #tpu.memory_space<hbm>>
      %dma_start3A_49 = tpu.memref_squeeze %dma_start3A_48 : memref<1x2x40x128xi32, #tpu.memory_space<hbm>> -> memref<2x40x128xi32, #tpu.memory_space<hbm>>
      tpu.enqueue_dma source(%dma_start3A_49 : memref<2x40x128xi32, #tpu.memory_space<hbm>>) target(%arg8 : memref<2x40x128xi32, #tpu.memory_space<vmem>>) target_semaphore(%run_scoped3A_28 : memref<!tpu.dma_semaphore, #tpu.memory_space<semaphore_mem>>)
      %dma_wait3A = arith.constant 0 : i32
      %dma_wait3A_50 = arith.constant 0 : i32
      %dma_wait3A_51 = arith.constant 0 : i32
      %dma_wait3A_52 = arith.constant 0 : i32
      %dma_wait3A_53 = tpu.memref_slice %arg3[%arg0, %dma_wait3A, %dma_wait3A_50, %dma_wait3A_51, %dma_wait3A_52] : memref<2x16x2x40x128xi32, #tpu.memory_space<hbm>> -> memref<1x16x2x40x128xi32, #tpu.memory_space<hbm>>
      %dma_wait3A_54 = tpu.memref_squeeze %dma_wait3A_53 : memref<1x16x2x40x128xi32, #tpu.memory_space<hbm>> -> memref<16x2x40x128xi32, #tpu.memory_space<hbm>>
      %dma_wait3A_55 = arith.constant 0 : i32
      %dma_wait3A_56 = arith.constant 0 : i32
      %dma_wait3A_57 = arith.constant 0 : i32
      %dma_wait3A_58 = tpu.memref_slice %dma_wait3A_54[%arg1, %dma_wait3A_55, %dma_wait3A_56, %dma_wait3A_57] : memref<16x2x40x128xi32, #tpu.memory_space<hbm>> -> memref<1x2x40x128xi32, #tpu.memory_space<hbm>>
      %dma_wait3A_59 = tpu.memref_squeeze %dma_wait3A_58 : memref<1x2x40x128xi32, #tpu.memory_space<hbm>> -> memref<2x40x128xi32, #tpu.memory_space<hbm>>
      %dma_wait3A_60 = arith.constant 0 : i32
      %dma_wait3A_61 = arith.constant 0 : i32
      %dma_wait3A_62 = arith.constant 0 : i32
      %dma_wait3A_63 = arith.constant 0 : i32
      %dma_wait3A_64 = tpu.memref_slice %arg3[%arg0, %dma_wait3A_60, %dma_wait3A_61, %dma_wait3A_62, %dma_wait3A_63] : memref<2x16x2x40x128xi32, #tpu.memory_space<hbm>> -> memref<1x16x2x40x128xi32, #tpu.memory_space<hbm>>
      %dma_wait3A_65 = tpu.memref_squeeze %dma_wait3A_64 : memref<1x16x2x40x128xi32, #tpu.memory_space<hbm>> -> memref<16x2x40x128xi32, #tpu.memory_space<hbm>>
      %dma_wait3A_66 = arith.constant 0 : i32
      %dma_wait3A_67 = arith.constant 0 : i32
      %dma_wait3A_68 = arith.constant 0 : i32
      %dma_wait3A_69 = tpu.memref_slice %dma_wait3A_65[%arg1, %dma_wait3A_66, %dma_wait3A_67, %dma_wait3A_68] : memref<16x2x40x128xi32, #tpu.memory_space<hbm>> -> memref<1x2x40x128xi32, #tpu.memory_space<hbm>>
      %dma_wait3A_70 = tpu.memref_squeeze %dma_wait3A_69 : memref<1x2x40x128xi32, #tpu.memory_space<hbm>> -> memref<2x40x128xi32, #tpu.memory_space<hbm>>
      tpu.wait_dma2 semaphore(%run_scoped3A_28 : memref<!tpu.dma_semaphore, #tpu.memory_space<semaphore_mem>>) src(%dma_wait3A_70 : memref<2x40x128xi32, #tpu.memory_space<hbm>>) dst(%arg8 : memref<2x40x128xi32, #tpu.memory_space<vmem>>)
      tpu.yield
    }) : () -> ()
    %scan3A_4 = arith.constant 0 : i32
    %scan3A_5 = arith.constant 10 : i32
    %scan3A_6 = arith.addi %scan3A_4, %scan3A_5 : i32
    %scan3A_7 = arith.constant 1 : i32
    scf.for %scan3A_28 = %scan3A_4 to %scan3A_6 step %scan3A_7  : i32 {
      %mul3A_29 = arith.constant 1 : i32
      %mul3A_30 = arith.muli %scan3A_28, %mul3A_29 : i32
      %add3A = arith.constant 0 : i32
      %add3A_31 = arith.addi %add3A, %mul3A_30 : i32
      tpu.wait_dma2 semaphore(%arg13 : memref<!tpu.dma_semaphore, #tpu.memory_space<semaphore_mem>>) src(%arg4 : memref<128xf32, #tpu.memory_space<hbm>>) dst(%arg10 : memref<128xf32, #tpu.memory_space<vmem>>)
    }
    %scan3A_8 = arith.constant 10 : i32
    %barrier3A = arith.constant 0 : index
    tpu.barrier barrier_id(%barrier3A)
    %scan3A_9 = arith.constant 0 : i32
    %scan3A_10 = arith.constant 2 : i32
    %scan3A_11 = arith.addi %scan3A_9, %scan3A_10 : i32
    %scan3A_12 = arith.constant 1 : i32
    scf.for %scan3A_28 = %scan3A_9 to %scan3A_11 step %scan3A_12  : i32 {
      %mul3A_29 = arith.constant 1 : i32
      %mul3A_30 = arith.muli %scan3A_28, %mul3A_29 : i32
      %add3A = arith.constant 0 : i32
      %add3A_31 = arith.addi %add3A, %mul3A_30 : i32
      %scan3A_32 = arith.constant 0 : i32
      %scan3A_33 = arith.constant 40 : i32
      %scan3A_34 = arith.addi %scan3A_32, %scan3A_33 : i32
      %scan3A_35 = arith.constant 1 : i32
      scf.for %scan3A_37 = %scan3A_32 to %scan3A_34 step %scan3A_35  : i32 {
        %mul3A_38 = arith.constant 1 : i32
        %mul3A_39 = arith.muli %scan3A_37, %mul3A_38 : i32
        %add3A_40 = arith.constant 0 : i32
        %add3A_41 = arith.addi %add3A_40, %mul3A_39 : i32
        %dma_start3A = arith.constant 0 : i32
        %dma_start3A_42 = arith.constant 0 : i32
        %dma_start3A_43 = tpu.memref_slice %arg7[%add3A_31, %dma_start3A, %dma_start3A_42] : memref<2x40x128xi32, #tpu.memory_space<vmem>> -> memref<1x40x128xi32, #tpu.memory_space<vmem>>
        %dma_start3A_44 = tpu.memref_squeeze %dma_start3A_43 : memref<1x40x128xi32, #tpu.memory_space<vmem>> -> memref<40x128xi32, #tpu.memory_space<vmem>>
        %dma_start3A_45 = arith.constant 0 : i32
        %dma_start3A_46 = tpu.memref_slice %dma_start3A_44[%add3A_41, %dma_start3A_45] : memref<40x128xi32, #tpu.memory_space<vmem>> -> memref<1x128xi32, #tpu.memory_space<vmem>>
        %dma_start3A_47 = tpu.memref_squeeze %dma_start3A_46 : memref<1x128xi32, #tpu.memory_space<vmem>> -> memref<128xi32, #tpu.memory_space<vmem>>
        %dma_start3A_48 = arith.constant 0 : i32
        %dma_start3A_49 = tpu.memref_slice %arg11[%dma_start3A_48] : memref<10240xf32, #tpu.memory_space<vmem_shared>> -> memref<10240xf32, #tpu.memory_space<vmem_shared>>
        tpu.enqueue_indirect_dma source(%arg9 : memref<128xf32, #tpu.memory_space<vmem>>) target(%dma_start3A_49 : memref<10240xf32, #tpu.memory_space<vmem_shared>>) offsets(%dma_start3A_47 : memref<128xi32, #tpu.memory_space<vmem>>) semaphore(%arg13 : memref<!tpu.dma_semaphore, #tpu.memory_space<semaphore_mem>>) {add = true}
        %dma_start3A_50 = arith.constant 0 : i32
        %dma_start3A_51 = arith.constant 0 : i32
        %dma_start3A_52 = tpu.memref_slice %arg8[%add3A_31, %dma_start3A_50, %dma_start3A_51] : memref<2x40x128xi32, #tpu.memory_space<vmem>> -> memref<1x40x128xi32, #tpu.memory_space<vmem>>
        %dma_start3A_53 = tpu.memref_squeeze %dma_start3A_52 : memref<1x40x128xi32, #tpu.memory_space<vmem>> -> memref<40x128xi32, #tpu.memory_space<vmem>>
        %dma_start3A_54 = arith.constant 0 : i32
        %dma_start3A_55 = tpu.memref_slice %dma_start3A_53[%add3A_41, %dma_start3A_54] : memref<40x128xi32, #tpu.memory_space<vmem>> -> memref<1x128xi32, #tpu.memory_space<vmem>>
        %dma_start3A_56 = tpu.memref_squeeze %dma_start3A_55 : memref<1x128xi32, #tpu.memory_space<vmem>> -> memref<128xi32, #tpu.memory_space<vmem>>
        %dma_start3A_57 = arith.constant 0 : i32
        %dma_start3A_58 = tpu.memref_slice %arg12[%dma_start3A_57] : memref<10240xf32, #tpu.memory_space<vmem_shared>> -> memref<10240xf32, #tpu.memory_space<vmem_shared>>
        tpu.enqueue_indirect_dma source(%arg9 : memref<128xf32, #tpu.memory_space<vmem>>) target(%dma_start3A_58 : memref<10240xf32, #tpu.memory_space<vmem_shared>>) offsets(%dma_start3A_56 : memref<128xi32, #tpu.memory_space<vmem>>) semaphore(%arg13 : memref<!tpu.dma_semaphore, #tpu.memory_space<semaphore_mem>>) {add = true}
      }
      %scan3A_36 = arith.constant 40 : i32
    }
    %scan3A_13 = arith.constant 2 : i32
    %scan3A_14 = arith.constant 0 : i32
    %scan3A_15 = arith.constant 4 : i32
    %scan3A_16 = arith.addi %scan3A_14, %scan3A_15 : i32
    %scan3A_17 = arith.constant 1 : i32
    scf.for %scan3A_28 = %scan3A_14 to %scan3A_16 step %scan3A_17  : i32 {
      %mul3A_29 = arith.constant 1 : i32
      %mul3A_30 = arith.muli %scan3A_28, %mul3A_29 : i32
      %add3A = arith.constant 0 : i32
      %add3A_31 = arith.addi %add3A, %mul3A_30 : i32
      %dma_wait3A = arith.constant 0 : i32
      %dma_wait3A_32 = arith.constant 0 : i32
      %dma_wait3A_33 = arith.constant 0 : i32
      %dma_wait3A_34 = arith.constant 0 : i32
      %dma_wait3A_35 = tpu.memref_slice %arg7[%dma_wait3A_32, %dma_wait3A_33, %dma_wait3A_34] : memref<2x40x128xi32, #tpu.memory_space<vmem>> -> memref<1x40x128xi32, #tpu.memory_space<vmem>>
      %dma_wait3A_36 = tpu.memref_squeeze %dma_wait3A_35 : memref<1x40x128xi32, #tpu.memory_space<vmem>> -> memref<40x128xi32, #tpu.memory_space<vmem>>
      %dma_wait3A_37 = arith.constant 0 : i32
      %dma_wait3A_38 = arith.constant 0 : i32
      %dma_wait3A_39 = arith.constant 0 : i32
      %dma_wait3A_40 = arith.constant 0 : i32
      %dma_wait3A_41 = tpu.memref_slice %arg2[%arg0, %dma_wait3A_37, %dma_wait3A_38, %dma_wait3A_39, %dma_wait3A_40] : memref<2x16x2x40x128xi32, #tpu.memory_space<hbm>> -> memref<1x16x2x40x128xi32, #tpu.memory_space<hbm>>
      %dma_wait3A_42 = tpu.memref_squeeze %dma_wait3A_41 : memref<1x16x2x40x128xi32, #tpu.memory_space<hbm>> -> memref<16x2x40x128xi32, #tpu.memory_space<hbm>>
      %dma_wait3A_43 = arith.constant 0 : i32
      %dma_wait3A_44 = arith.constant 0 : i32
      %dma_wait3A_45 = arith.constant 0 : i32
      %dma_wait3A_46 = tpu.memref_slice %dma_wait3A_42[%arg1, %dma_wait3A_43, %dma_wait3A_44, %dma_wait3A_45] : memref<16x2x40x128xi32, #tpu.memory_space<hbm>> -> memref<1x2x40x128xi32, #tpu.memory_space<hbm>>
      %dma_wait3A_47 = tpu.memref_squeeze %dma_wait3A_46 : memref<1x2x40x128xi32, #tpu.memory_space<hbm>> -> memref<2x40x128xi32, #tpu.memory_space<hbm>>
      %dma_wait3A_48 = arith.constant 0 : i32
      %dma_wait3A_49 = arith.constant 0 : i32
      %dma_wait3A_50 = tpu.memref_slice %dma_wait3A_47[%dma_wait3A, %dma_wait3A_48, %dma_wait3A_49] : memref<2x40x128xi32, #tpu.memory_space<hbm>> -> memref<1x40x128xi32, #tpu.memory_space<hbm>>
      %dma_wait3A_51 = tpu.memref_squeeze %dma_wait3A_50 : memref<1x40x128xi32, #tpu.memory_space<hbm>> -> memref<40x128xi32, #tpu.memory_space<hbm>>
      %dma_wait3A_52 = arith.constant 0 : i32
      %dma_wait3A_53 = arith.constant 0 : i32
      %dma_wait3A_54 = tpu.memref_slice %arg7[%dma_wait3A_32, %dma_wait3A_52, %dma_wait3A_53] : memref<2x40x128xi32, #tpu.memory_space<vmem>> -> memref<1x40x128xi32, #tpu.memory_space<vmem>>
      %dma_wait3A_55 = tpu.memref_squeeze %dma_wait3A_54 : memref<1x40x128xi32, #tpu.memory_space<vmem>> -> memref<40x128xi32, #tpu.memory_space<vmem>>
      %dma_wait3A_56 = arith.constant 0 : i32
      %dma_wait3A_57 = arith.constant 0 : i32
      %dma_wait3A_58 = arith.constant 0 : i32
      %dma_wait3A_59 = arith.constant 0 : i32
      %dma_wait3A_60 = tpu.memref_slice %arg2[%arg0, %dma_wait3A_56, %dma_wait3A_57, %dma_wait3A_58, %dma_wait3A_59] : memref<2x16x2x40x128xi32, #tpu.memory_space<hbm>> -> memref<1x16x2x40x128xi32, #tpu.memory_space<hbm>>
      %dma_wait3A_61 = tpu.memref_squeeze %dma_wait3A_60 : memref<1x16x2x40x128xi32, #tpu.memory_space<hbm>> -> memref<16x2x40x128xi32, #tpu.memory_space<hbm>>
      %dma_wait3A_62 = arith.constant 0 : i32
      %dma_wait3A_63 = arith.constant 0 : i32
      %dma_wait3A_64 = arith.constant 0 : i32
      %dma_wait3A_65 = tpu.memref_slice %dma_wait3A_61[%arg1, %dma_wait3A_62, %dma_wait3A_63, %dma_wait3A_64] : memref<16x2x40x128xi32, #tpu.memory_space<hbm>> -> memref<1x2x40x128xi32, #tpu.memory_space<hbm>>
      %dma_wait3A_66 = tpu.memref_squeeze %dma_wait3A_65 : memref<1x2x40x128xi32, #tpu.memory_space<hbm>> -> memref<2x40x128xi32, #tpu.memory_space<hbm>>
      %dma_wait3A_67 = arith.constant 0 : i32
      %dma_wait3A_68 = arith.constant 0 : i32
      %dma_wait3A_69 = tpu.memref_slice %dma_wait3A_66[%dma_wait3A, %dma_wait3A_67, %dma_wait3A_68] : memref<2x40x128xi32, #tpu.memory_space<hbm>> -> memref<1x40x128xi32, #tpu.memory_space<hbm>>
      %dma_wait3A_70 = tpu.memref_squeeze %dma_wait3A_69 : memref<1x40x128xi32, #tpu.memory_space<hbm>> -> memref<40x128xi32, #tpu.memory_space<hbm>>
      tpu.wait_dma2 semaphore(%arg13 : memref<!tpu.dma_semaphore, #tpu.memory_space<semaphore_mem>>) src(%dma_wait3A_70 : memref<40x128xi32, #tpu.memory_space<hbm>>) dst(%dma_wait3A_55 : memref<40x128xi32, #tpu.memory_space<vmem>>)
    }
    %scan3A_18 = arith.constant 4 : i32
    %barrier3A_19 = arith.constant 0 : index
    tpu.barrier barrier_id(%barrier3A_19)
    %mul3A = arith.constant 640 : i32
    %mul3A_20 = arith.muli %arg1, %mul3A : i32
    %mul3A_21 = arith.constant 640 : i32
    %mul3A_22 = arith.muli %arg1, %mul3A_21 : i32
    %run_scoped3A = arith.constant 0 : i32
    "tpu.region"() ({
      %run_scoped3A_28 = tpu.sem_alloc : memref<!tpu.dma_semaphore, #tpu.memory_space<semaphore_mem>>
      %dma_start3A = arith.constant 0 : i32
      %dma_start3A_29 = arith.constant 0 : i32
      %dma_start3A_30 = tpu.memref_slice %arg6[%arg0, %dma_start3A, %dma_start3A_29] : memref<2x2x10240xf32, #tpu.memory_space<hbm>> -> memref<1x2x10240xf32, #tpu.memory_space<hbm>>
      %dma_start3A_31 = tpu.memref_squeeze %dma_start3A_30 : memref<1x2x10240xf32, #tpu.memory_space<hbm>> -> memref<2x10240xf32, #tpu.memory_space<hbm>>
      %dma_start3A_32 = arith.constant 0 : i32
      %dma_start3A_33 = tpu.memref_slice %dma_start3A_31[%run_scoped3A, %dma_start3A_32] : memref<2x10240xf32, #tpu.memory_space<hbm>> -> memref<1x10240xf32, #tpu.memory_space<hbm>>
      %dma_start3A_34 = tpu.memref_squeeze %dma_start3A_33 : memref<1x10240xf32, #tpu.memory_space<hbm>> -> memref<10240xf32, #tpu.memory_space<hbm>>
      %dma_start3A_35 = tpu.memref_slice %dma_start3A_34[%mul3A_22] : memref<10240xf32, #tpu.memory_space<hbm>> -> memref<640xf32, #tpu.memory_space<hbm>>
      %dma_start3A_36 = tpu.memref_slice %arg11[%mul3A_20] : memref<10240xf32, #tpu.memory_space<vmem_shared>> -> memref<640xf32, #tpu.memory_space<vmem_shared>>
      tpu.enqueue_dma source(%dma_start3A_36 : memref<640xf32, #tpu.memory_space<vmem_shared>>) target(%dma_start3A_35 : memref<640xf32, #tpu.memory_space<hbm>>) target_semaphore(%run_scoped3A_28 : memref<!tpu.dma_semaphore, #tpu.memory_space<semaphore_mem>>)
      %dma_wait3A = arith.constant 0 : i32
      %dma_wait3A_37 = arith.constant 0 : i32
      %dma_wait3A_38 = tpu.memref_slice %arg6[%arg0, %dma_wait3A, %dma_wait3A_37] : memref<2x2x10240xf32, #tpu.memory_space<hbm>> -> memref<1x2x10240xf32, #tpu.memory_space<hbm>>
      %dma_wait3A_39 = tpu.memref_squeeze %dma_wait3A_38 : memref<1x2x10240xf32, #tpu.memory_space<hbm>> -> memref<2x10240xf32, #tpu.memory_space<hbm>>
      %dma_wait3A_40 = arith.constant 0 : i32
      %dma_wait3A_41 = tpu.memref_slice %dma_wait3A_39[%run_scoped3A, %dma_wait3A_40] : memref<2x10240xf32, #tpu.memory_space<hbm>> -> memref<1x10240xf32, #tpu.memory_space<hbm>>
      %dma_wait3A_42 = tpu.memref_squeeze %dma_wait3A_41 : memref<1x10240xf32, #tpu.memory_space<hbm>> -> memref<10240xf32, #tpu.memory_space<hbm>>
      %dma_wait3A_43 = tpu.memref_slice %dma_wait3A_42[%mul3A_22] : memref<10240xf32, #tpu.memory_space<hbm>> -> memref<640xf32, #tpu.memory_space<hbm>>
      %dma_wait3A_44 = tpu.memref_slice %arg11[%mul3A_20] : memref<10240xf32, #tpu.memory_space<vmem_shared>> -> memref<640xf32, #tpu.memory_space<vmem_shared>>
      tpu.wait_dma2 semaphore(%run_scoped3A_28 : memref<!tpu.dma_semaphore, #tpu.memory_space<semaphore_mem>>) src(%dma_wait3A_44 : memref<640xf32, #tpu.memory_space<vmem_shared>>) dst(%dma_wait3A_43 : memref<640xf32, #tpu.memory_space<hbm>>)
      tpu.yield
    }) : () -> ()
    %mul3A_23 = arith.constant 640 : i32
    %mul3A_24 = arith.muli %arg1, %mul3A_23 : i32
    %mul3A_25 = arith.constant 640 : i32
    %mul3A_26 = arith.muli %arg1, %mul3A_25 : i32
    %run_scoped3A_27 = arith.constant 1 : i32
    "tpu.region"() ({
      %run_scoped3A_28 = tpu.sem_alloc : memref<!tpu.dma_semaphore, #tpu.memory_space<semaphore_mem>>
      %dma_start3A = arith.constant 0 : i32
      %dma_start3A_29 = arith.constant 0 : i32
      %dma_start3A_30 = tpu.memref_slice %arg6[%arg0, %dma_start3A, %dma_start3A_29] : memref<2x2x10240xf32, #tpu.memory_space<hbm>> -> memref<1x2x10240xf32, #tpu.memory_space<hbm>>
      %dma_start3A_31 = tpu.memref_squeeze %dma_start3A_30 : memref<1x2x10240xf32, #tpu.memory_space<hbm>> -> memref<2x10240xf32, #tpu.memory_space<hbm>>
      %dma_start3A_32 = arith.constant 0 : i32
      %dma_start3A_33 = tpu.memref_slice %dma_start3A_31[%run_scoped3A_27, %dma_start3A_32] : memref<2x10240xf32, #tpu.memory_space<hbm>> -> memref<1x10240xf32, #tpu.memory_space<hbm>>
      %dma_start3A_34 = tpu.memref_squeeze %dma_start3A_33 : memref<1x10240xf32, #tpu.memory_space<hbm>> -> memref<10240xf32, #tpu.memory_space<hbm>>
      %dma_start3A_35 = tpu.memref_slice %dma_start3A_34[%mul3A_26] : memref<10240xf32, #tpu.memory_space<hbm>> -> memref<640xf32, #tpu.memory_space<hbm>>
      %dma_start3A_36 = tpu.memref_slice %arg12[%mul3A_24] : memref<10240xf32, #tpu.memory_space<vmem_shared>> -> memref<640xf32, #tpu.memory_space<vmem_shared>>
      tpu.enqueue_dma source(%dma_start3A_36 : memref<640xf32, #tpu.memory_space<vmem_shared>>) target(%dma_start3A_35 : memref<640xf32, #tpu.memory_space<hbm>>) target_semaphore(%run_scoped3A_28 : memref<!tpu.dma_semaphore, #tpu.memory_space<semaphore_mem>>)
      %dma_wait3A = arith.constant 0 : i32
      %dma_wait3A_37 = arith.constant 0 : i32
      %dma_wait3A_38 = tpu.memref_slice %arg6[%arg0, %dma_wait3A, %dma_wait3A_37] : memref<2x2x10240xf32, #tpu.memory_space<hbm>> -> memref<1x2x10240xf32, #tpu.memory_space<hbm>>
      %dma_wait3A_39 = tpu.memref_squeeze %dma_wait3A_38 : memref<1x2x10240xf32, #tpu.memory_space<hbm>> -> memref<2x10240xf32, #tpu.memory_space<hbm>>
      %dma_wait3A_40 = arith.constant 0 : i32
      %dma_wait3A_41 = tpu.memref_slice %dma_wait3A_39[%run_scoped3A_27, %dma_wait3A_40] : memref<2x10240xf32, #tpu.memory_space<hbm>> -> memref<1x10240xf32, #tpu.memory_space<hbm>>
      %dma_wait3A_42 = tpu.memref_squeeze %dma_wait3A_41 : memref<1x10240xf32, #tpu.memory_space<hbm>> -> memref<10240xf32, #tpu.memory_space<hbm>>
      %dma_wait3A_43 = tpu.memref_slice %dma_wait3A_42[%mul3A_26] : memref<10240xf32, #tpu.memory_space<hbm>> -> memref<640xf32, #tpu.memory_space<hbm>>
      %dma_wait3A_44 = tpu.memref_slice %arg12[%mul3A_24] : memref<10240xf32, #tpu.memory_space<vmem_shared>> -> memref<640xf32, #tpu.memory_space<vmem_shared>>
      tpu.wait_dma2 semaphore(%run_scoped3A_28 : memref<!tpu.dma_semaphore, #tpu.memory_space<semaphore_mem>>) src(%dma_wait3A_44 : memref<640xf32, #tpu.memory_space<vmem_shared>>) dst(%dma_wait3A_43 : memref<640xf32, #tpu.memory_space<hbm>>)
      tpu.yield
    }) : () -> ()
    return
  }
}

#map = affine_map<(d0, d1) -> (0, 0, 0)>
#map1 = affine_map<(d0, d1) -> (0, 0, 0, 0, 0)>
#map2 = affine_map<(d0, d1) -> (0, 0)>
#map3 = affine_map<(d0, d1) -> (0, 0, 0, 0)>
module attributes {stable_mosaic.version = 14 : i64} {
  func.func @_spmm(%arg0: i32, %arg1: i32, %arg2: memref<1x10240x128xf32, #tpu.memory_space<hbm>>, %arg3: memref<2x16x2x40x128xi32, #tpu.memory_space<hbm>>, %arg4: memref<2x16x2x40x128xi32, #tpu.memory_space<hbm>>, %arg5: memref<16x128xf32, #tpu.memory_space<hbm>>, %arg6: memref<1x2x10240x128xf32, #tpu.memory_space<hbm>>, %arg7: memref<40x128xi32, #tpu.memory_space<vmem>>, %arg8: memref<40x128xi32, #tpu.memory_space<vmem>>, %arg9: memref<128x128xf32, #tpu.memory_space<vmem>>, %arg10: memref<128x128xf32, #tpu.memory_space<vmem>>, %arg11: memref<16x128xf32, #tpu.memory_space<vmem>>, %arg12: memref<10240x128xf32, #tpu.memory_space<vmem_shared>>, %arg13: memref<!tpu.dma_semaphore, #tpu.memory_space<semaphore_mem>>, %arg14: memref<!tpu.dma_semaphore, #tpu.memory_space<semaphore_mem>>, %arg15: memref<!tpu.dma_semaphore, #tpu.memory_space<semaphore_mem>>) attributes {dimension_semantics = [#tpu.dimension_semantics<core_parallel>, #tpu.dimension_semantics<subcore_parallel>], iteration_bounds = array<i64: 2, 16>, scalar_prefetch = 0 : i64, scratch_operands = 9 : i64, tpu.core_type = #tpu.core_type<sc_vector_subcore>, window_params = [{transform_indices = #map}, {transform_indices = #map1}, {transform_indices = #map1}, {transform_indices = #map2}, {transform_indices = #map3}]} {
    "tpu.region"() ({
      %run_scoped3A_51 = tpu.sem_alloc : memref<!tpu.dma_semaphore, #tpu.memory_space<semaphore_mem>>
      tpu.enqueue_dma source(%arg5 : memref<16x128xf32, #tpu.memory_space<hbm>>) target(%arg11 : memref<16x128xf32, #tpu.memory_space<vmem>>) target_semaphore(%run_scoped3A_51 : memref<!tpu.dma_semaphore, #tpu.memory_space<semaphore_mem>>)
      tpu.wait_dma2 semaphore(%run_scoped3A_51 : memref<!tpu.dma_semaphore, #tpu.memory_space<semaphore_mem>>) src(%arg5 : memref<16x128xf32, #tpu.memory_space<hbm>>) dst(%arg11 : memref<16x128xf32, #tpu.memory_space<vmem>>)
      tpu.yield
    }) : () -> ()
    %scan3A = arith.constant 0 : i32
    %mul3A = arith.constant 1 : i32
    %mul3A_0 = arith.muli %scan3A, %mul3A : i32
    %add3A = arith.constant 0 : i32
    %add3A_1 = arith.addi %add3A, %mul3A_0 : i32
    %scan3A_2 = arith.constant 0 : i32
    %scan3A_3 = arith.constant 40 : i32
    %scan3A_4 = arith.addi %scan3A_2, %scan3A_3 : i32
    %scan3A_5 = arith.constant 1 : i32
    scf.for %scan3A_51 = %scan3A_2 to %scan3A_4 step %scan3A_5  : i32 {
      %mul3A_52 = arith.constant 1 : i32
      %mul3A_53 = arith.muli %scan3A_51, %mul3A_52 : i32
      %add3A_54 = arith.constant 0 : i32
      %add3A_55 = arith.addi %add3A_54, %mul3A_53 : i32
      %mul3A_56 = arith.constant 640 : i32
      %mul3A_57 = arith.muli %arg1, %mul3A_56 : i32
      %mul3A_58 = arith.constant 16 : i32
      %mul3A_59 = arith.muli %add3A_55, %mul3A_58 : i32
      %add3A_60 = arith.addi %mul3A_57, %mul3A_59 : i32
      %dma_start3A_61 = arith.constant 0 : i32
      %dma_start3A_62 = tpu.memref_slice %arg12[%add3A_60, %dma_start3A_61] : memref<10240x128xf32, #tpu.memory_space<vmem_shared>> -> memref<16x128xf32, #tpu.memory_space<vmem_shared>>
      %dma_start3A_63 = arith.constant 0 : i32
      %dma_start3A_64 = tpu.memref_slice %arg12[%add3A_60, %dma_start3A_63] : memref<10240x128xf32, #tpu.memory_space<vmem_shared>> -> memref<16x128xf32, #tpu.memory_space<vmem_shared>>
      tpu.enqueue_dma source(%arg11 : memref<16x128xf32, #tpu.memory_space<vmem>>) target(%dma_start3A_64 : memref<16x128xf32, #tpu.memory_space<vmem_shared>>) target_semaphore(%arg15 : memref<!tpu.dma_semaphore, #tpu.memory_space<semaphore_mem>>)
    }
    %scan3A_6 = arith.constant 40 : i32
    %run_scoped3A = arith.constant 0 : i32
    "tpu.region"() ({
      %run_scoped3A_51 = tpu.sem_alloc : memref<!tpu.dma_semaphore, #tpu.memory_space<semaphore_mem>>
      %dma_start3A_52 = arith.constant 0 : i32
      %dma_start3A_53 = arith.constant 0 : i32
      %dma_start3A_54 = arith.constant 0 : i32
      %dma_start3A_55 = arith.constant 0 : i32
      %dma_start3A_56 = tpu.memref_slice %arg3[%arg0, %dma_start3A_52, %dma_start3A_53, %dma_start3A_54, %dma_start3A_55] : memref<2x16x2x40x128xi32, #tpu.memory_space<hbm>> -> memref<1x16x2x40x128xi32, #tpu.memory_space<hbm>>
      %dma_start3A_57 = tpu.memref_squeeze %dma_start3A_56 : memref<1x16x2x40x128xi32, #tpu.memory_space<hbm>> -> memref<16x2x40x128xi32, #tpu.memory_space<hbm>>
      %dma_start3A_58 = arith.constant 0 : i32
      %dma_start3A_59 = arith.constant 0 : i32
      %dma_start3A_60 = arith.constant 0 : i32
      %dma_start3A_61 = tpu.memref_slice %dma_start3A_57[%arg1, %dma_start3A_58, %dma_start3A_59, %dma_start3A_60] : memref<16x2x40x128xi32, #tpu.memory_space<hbm>> -> memref<1x2x40x128xi32, #tpu.memory_space<hbm>>
      %dma_start3A_62 = tpu.memref_squeeze %dma_start3A_61 : memref<1x2x40x128xi32, #tpu.memory_space<hbm>> -> memref<2x40x128xi32, #tpu.memory_space<hbm>>
      %dma_start3A_63 = arith.constant 0 : i32
      %dma_start3A_64 = arith.constant 0 : i32
      %dma_start3A_65 = tpu.memref_slice %dma_start3A_62[%run_scoped3A, %dma_start3A_63, %dma_start3A_64] : memref<2x40x128xi32, #tpu.memory_space<hbm>> -> memref<1x40x128xi32, #tpu.memory_space<hbm>>
      %dma_start3A_66 = tpu.memref_squeeze %dma_start3A_65 : memref<1x40x128xi32, #tpu.memory_space<hbm>> -> memref<40x128xi32, #tpu.memory_space<hbm>>
      %dma_start3A_67 = arith.constant 0 : i32
      %dma_start3A_68 = arith.constant 0 : i32
      %dma_start3A_69 = arith.constant 0 : i32
      %dma_start3A_70 = arith.constant 0 : i32
      %dma_start3A_71 = tpu.memref_slice %arg3[%arg0, %dma_start3A_67, %dma_start3A_68, %dma_start3A_69, %dma_start3A_70] : memref<2x16x2x40x128xi32, #tpu.memory_space<hbm>> -> memref<1x16x2x40x128xi32, #tpu.memory_space<hbm>>
      %dma_start3A_72 = tpu.memref_squeeze %dma_start3A_71 : memref<1x16x2x40x128xi32, #tpu.memory_space<hbm>> -> memref<16x2x40x128xi32, #tpu.memory_space<hbm>>
      %dma_start3A_73 = arith.constant 0 : i32
      %dma_start3A_74 = arith.constant 0 : i32
      %dma_start3A_75 = arith.constant 0 : i32
      %dma_start3A_76 = tpu.memref_slice %dma_start3A_72[%arg1, %dma_start3A_73, %dma_start3A_74, %dma_start3A_75] : memref<16x2x40x128xi32, #tpu.memory_space<hbm>> -> memref<1x2x40x128xi32, #tpu.memory_space<hbm>>
      %dma_start3A_77 = tpu.memref_squeeze %dma_start3A_76 : memref<1x2x40x128xi32, #tpu.memory_space<hbm>> -> memref<2x40x128xi32, #tpu.memory_space<hbm>>
      %dma_start3A_78 = arith.constant 0 : i32
      %dma_start3A_79 = arith.constant 0 : i32
      %dma_start3A_80 = tpu.memref_slice %dma_start3A_77[%run_scoped3A, %dma_start3A_78, %dma_start3A_79] : memref<2x40x128xi32, #tpu.memory_space<hbm>> -> memref<1x40x128xi32, #tpu.memory_space<hbm>>
      %dma_start3A_81 = tpu.memref_squeeze %dma_start3A_80 : memref<1x40x128xi32, #tpu.memory_space<hbm>> -> memref<40x128xi32, #tpu.memory_space<hbm>>
      tpu.enqueue_dma source(%dma_start3A_81 : memref<40x128xi32, #tpu.memory_space<hbm>>) target(%arg7 : memref<40x128xi32, #tpu.memory_space<vmem>>) target_semaphore(%run_scoped3A_51 : memref<!tpu.dma_semaphore, #tpu.memory_space<semaphore_mem>>)
      %dma_wait3A_82 = arith.constant 0 : i32
      %dma_wait3A_83 = arith.constant 0 : i32
      %dma_wait3A_84 = arith.constant 0 : i32
      %dma_wait3A_85 = arith.constant 0 : i32
      %dma_wait3A_86 = tpu.memref_slice %arg3[%arg0, %dma_wait3A_82, %dma_wait3A_83, %dma_wait3A_84, %dma_wait3A_85] : memref<2x16x2x40x128xi32, #tpu.memory_space<hbm>> -> memref<1x16x2x40x128xi32, #tpu.memory_space<hbm>>
      %dma_wait3A_87 = tpu.memref_squeeze %dma_wait3A_86 : memref<1x16x2x40x128xi32, #tpu.memory_space<hbm>> -> memref<16x2x40x128xi32, #tpu.memory_space<hbm>>
      %dma_wait3A_88 = arith.constant 0 : i32
      %dma_wait3A_89 = arith.constant 0 : i32
      %dma_wait3A_90 = arith.constant 0 : i32
      %dma_wait3A_91 = tpu.memref_slice %dma_wait3A_87[%arg1, %dma_wait3A_88, %dma_wait3A_89, %dma_wait3A_90] : memref<16x2x40x128xi32, #tpu.memory_space<hbm>> -> memref<1x2x40x128xi32, #tpu.memory_space<hbm>>
      %dma_wait3A_92 = tpu.memref_squeeze %dma_wait3A_91 : memref<1x2x40x128xi32, #tpu.memory_space<hbm>> -> memref<2x40x128xi32, #tpu.memory_space<hbm>>
      %dma_wait3A_93 = arith.constant 0 : i32
      %dma_wait3A_94 = arith.constant 0 : i32
      %dma_wait3A_95 = tpu.memref_slice %dma_wait3A_92[%run_scoped3A, %dma_wait3A_93, %dma_wait3A_94] : memref<2x40x128xi32, #tpu.memory_space<hbm>> -> memref<1x40x128xi32, #tpu.memory_space<hbm>>
      %dma_wait3A_96 = tpu.memref_squeeze %dma_wait3A_95 : memref<1x40x128xi32, #tpu.memory_space<hbm>> -> memref<40x128xi32, #tpu.memory_space<hbm>>
      %dma_wait3A_97 = arith.constant 0 : i32
      %dma_wait3A_98 = arith.constant 0 : i32
      %dma_wait3A_99 = arith.constant 0 : i32
      %dma_wait3A_100 = arith.constant 0 : i32
      %dma_wait3A_101 = tpu.memref_slice %arg3[%arg0, %dma_wait3A_97, %dma_wait3A_98, %dma_wait3A_99, %dma_wait3A_100] : memref<2x16x2x40x128xi32, #tpu.memory_space<hbm>> -> memref<1x16x2x40x128xi32, #tpu.memory_space<hbm>>
      %dma_wait3A_102 = tpu.memref_squeeze %dma_wait3A_101 : memref<1x16x2x40x128xi32, #tpu.memory_space<hbm>> -> memref<16x2x40x128xi32, #tpu.memory_space<hbm>>
      %dma_wait3A_103 = arith.constant 0 : i32
      %dma_wait3A_104 = arith.constant 0 : i32
      %dma_wait3A_105 = arith.constant 0 : i32
      %dma_wait3A_106 = tpu.memref_slice %dma_wait3A_102[%arg1, %dma_wait3A_103, %dma_wait3A_104, %dma_wait3A_105] : memref<16x2x40x128xi32, #tpu.memory_space<hbm>> -> memref<1x2x40x128xi32, #tpu.memory_space<hbm>>
      %dma_wait3A_107 = tpu.memref_squeeze %dma_wait3A_106 : memref<1x2x40x128xi32, #tpu.memory_space<hbm>> -> memref<2x40x128xi32, #tpu.memory_space<hbm>>
      %dma_wait3A_108 = arith.constant 0 : i32
      %dma_wait3A_109 = arith.constant 0 : i32
      %dma_wait3A_110 = tpu.memref_slice %dma_wait3A_107[%run_scoped3A, %dma_wait3A_108, %dma_wait3A_109] : memref<2x40x128xi32, #tpu.memory_space<hbm>> -> memref<1x40x128xi32, #tpu.memory_space<hbm>>
      %dma_wait3A_111 = tpu.memref_squeeze %dma_wait3A_110 : memref<1x40x128xi32, #tpu.memory_space<hbm>> -> memref<40x128xi32, #tpu.memory_space<hbm>>
      tpu.wait_dma2 semaphore(%run_scoped3A_51 : memref<!tpu.dma_semaphore, #tpu.memory_space<semaphore_mem>>) src(%dma_wait3A_111 : memref<40x128xi32, #tpu.memory_space<hbm>>) dst(%arg7 : memref<40x128xi32, #tpu.memory_space<vmem>>)
      tpu.yield
    }) : () -> ()
    %run_scoped3A_7 = arith.constant 0 : i32
    "tpu.region"() ({
      %run_scoped3A_51 = tpu.sem_alloc : memref<!tpu.dma_semaphore, #tpu.memory_space<semaphore_mem>>
      %dma_start3A_52 = arith.constant 0 : i32
      %dma_start3A_53 = arith.constant 0 : i32
      %dma_start3A_54 = arith.constant 0 : i32
      %dma_start3A_55 = arith.constant 0 : i32
      %dma_start3A_56 = tpu.memref_slice %arg4[%arg0, %dma_start3A_52, %dma_start3A_53, %dma_start3A_54, %dma_start3A_55] : memref<2x16x2x40x128xi32, #tpu.memory_space<hbm>> -> memref<1x16x2x40x128xi32, #tpu.memory_space<hbm>>
      %dma_start3A_57 = tpu.memref_squeeze %dma_start3A_56 : memref<1x16x2x40x128xi32, #tpu.memory_space<hbm>> -> memref<16x2x40x128xi32, #tpu.memory_space<hbm>>
      %dma_start3A_58 = arith.constant 0 : i32
      %dma_start3A_59 = arith.constant 0 : i32
      %dma_start3A_60 = arith.constant 0 : i32
      %dma_start3A_61 = tpu.memref_slice %dma_start3A_57[%arg1, %dma_start3A_58, %dma_start3A_59, %dma_start3A_60] : memref<16x2x40x128xi32, #tpu.memory_space<hbm>> -> memref<1x2x40x128xi32, #tpu.memory_space<hbm>>
      %dma_start3A_62 = tpu.memref_squeeze %dma_start3A_61 : memref<1x2x40x128xi32, #tpu.memory_space<hbm>> -> memref<2x40x128xi32, #tpu.memory_space<hbm>>
      %dma_start3A_63 = arith.constant 0 : i32
      %dma_start3A_64 = arith.constant 0 : i32
      %dma_start3A_65 = tpu.memref_slice %dma_start3A_62[%run_scoped3A_7, %dma_start3A_63, %dma_start3A_64] : memref<2x40x128xi32, #tpu.memory_space<hbm>> -> memref<1x40x128xi32, #tpu.memory_space<hbm>>
      %dma_start3A_66 = tpu.memref_squeeze %dma_start3A_65 : memref<1x40x128xi32, #tpu.memory_space<hbm>> -> memref<40x128xi32, #tpu.memory_space<hbm>>
      %dma_start3A_67 = arith.constant 0 : i32
      %dma_start3A_68 = arith.constant 0 : i32
      %dma_start3A_69 = arith.constant 0 : i32
      %dma_start3A_70 = arith.constant 0 : i32
      %dma_start3A_71 = tpu.memref_slice %arg4[%arg0, %dma_start3A_67, %dma_start3A_68, %dma_start3A_69, %dma_start3A_70] : memref<2x16x2x40x128xi32, #tpu.memory_space<hbm>> -> memref<1x16x2x40x128xi32, #tpu.memory_space<hbm>>
      %dma_start3A_72 = tpu.memref_squeeze %dma_start3A_71 : memref<1x16x2x40x128xi32, #tpu.memory_space<hbm>> -> memref<16x2x40x128xi32, #tpu.memory_space<hbm>>
      %dma_start3A_73 = arith.constant 0 : i32
      %dma_start3A_74 = arith.constant 0 : i32
      %dma_start3A_75 = arith.constant 0 : i32
      %dma_start3A_76 = tpu.memref_slice %dma_start3A_72[%arg1, %dma_start3A_73, %dma_start3A_74, %dma_start3A_75] : memref<16x2x40x128xi32, #tpu.memory_space<hbm>> -> memref<1x2x40x128xi32, #tpu.memory_space<hbm>>
      %dma_start3A_77 = tpu.memref_squeeze %dma_start3A_76 : memref<1x2x40x128xi32, #tpu.memory_space<hbm>> -> memref<2x40x128xi32, #tpu.memory_space<hbm>>
      %dma_start3A_78 = arith.constant 0 : i32
      %dma_start3A_79 = arith.constant 0 : i32
      %dma_start3A_80 = tpu.memref_slice %dma_start3A_77[%run_scoped3A_7, %dma_start3A_78, %dma_start3A_79] : memref<2x40x128xi32, #tpu.memory_space<hbm>> -> memref<1x40x128xi32, #tpu.memory_space<hbm>>
      %dma_start3A_81 = tpu.memref_squeeze %dma_start3A_80 : memref<1x40x128xi32, #tpu.memory_space<hbm>> -> memref<40x128xi32, #tpu.memory_space<hbm>>
      tpu.enqueue_dma source(%dma_start3A_81 : memref<40x128xi32, #tpu.memory_space<hbm>>) target(%arg8 : memref<40x128xi32, #tpu.memory_space<vmem>>) target_semaphore(%run_scoped3A_51 : memref<!tpu.dma_semaphore, #tpu.memory_space<semaphore_mem>>)
      %dma_wait3A_82 = arith.constant 0 : i32
      %dma_wait3A_83 = arith.constant 0 : i32
      %dma_wait3A_84 = arith.constant 0 : i32
      %dma_wait3A_85 = arith.constant 0 : i32
      %dma_wait3A_86 = tpu.memref_slice %arg4[%arg0, %dma_wait3A_82, %dma_wait3A_83, %dma_wait3A_84, %dma_wait3A_85] : memref<2x16x2x40x128xi32, #tpu.memory_space<hbm>> -> memref<1x16x2x40x128xi32, #tpu.memory_space<hbm>>
      %dma_wait3A_87 = tpu.memref_squeeze %dma_wait3A_86 : memref<1x16x2x40x128xi32, #tpu.memory_space<hbm>> -> memref<16x2x40x128xi32, #tpu.memory_space<hbm>>
      %dma_wait3A_88 = arith.constant 0 : i32
      %dma_wait3A_89 = arith.constant 0 : i32
      %dma_wait3A_90 = arith.constant 0 : i32
      %dma_wait3A_91 = tpu.memref_slice %dma_wait3A_87[%arg1, %dma_wait3A_88, %dma_wait3A_89, %dma_wait3A_90] : memref<16x2x40x128xi32, #tpu.memory_space<hbm>> -> memref<1x2x40x128xi32, #tpu.memory_space<hbm>>
      %dma_wait3A_92 = tpu.memref_squeeze %dma_wait3A_91 : memref<1x2x40x128xi32, #tpu.memory_space<hbm>> -> memref<2x40x128xi32, #tpu.memory_space<hbm>>
      %dma_wait3A_93 = arith.constant 0 : i32
      %dma_wait3A_94 = arith.constant 0 : i32
      %dma_wait3A_95 = tpu.memref_slice %dma_wait3A_92[%run_scoped3A_7, %dma_wait3A_93, %dma_wait3A_94] : memref<2x40x128xi32, #tpu.memory_space<hbm>> -> memref<1x40x128xi32, #tpu.memory_space<hbm>>
      %dma_wait3A_96 = tpu.memref_squeeze %dma_wait3A_95 : memref<1x40x128xi32, #tpu.memory_space<hbm>> -> memref<40x128xi32, #tpu.memory_space<hbm>>
      %dma_wait3A_97 = arith.constant 0 : i32
      %dma_wait3A_98 = arith.constant 0 : i32
      %dma_wait3A_99 = arith.constant 0 : i32
      %dma_wait3A_100 = arith.constant 0 : i32
      %dma_wait3A_101 = tpu.memref_slice %arg4[%arg0, %dma_wait3A_97, %dma_wait3A_98, %dma_wait3A_99, %dma_wait3A_100] : memref<2x16x2x40x128xi32, #tpu.memory_space<hbm>> -> memref<1x16x2x40x128xi32, #tpu.memory_space<hbm>>
      %dma_wait3A_102 = tpu.memref_squeeze %dma_wait3A_101 : memref<1x16x2x40x128xi32, #tpu.memory_space<hbm>> -> memref<16x2x40x128xi32, #tpu.memory_space<hbm>>
      %dma_wait3A_103 = arith.constant 0 : i32
      %dma_wait3A_104 = arith.constant 0 : i32
      %dma_wait3A_105 = arith.constant 0 : i32
      %dma_wait3A_106 = tpu.memref_slice %dma_wait3A_102[%arg1, %dma_wait3A_103, %dma_wait3A_104, %dma_wait3A_105] : memref<16x2x40x128xi32, #tpu.memory_space<hbm>> -> memref<1x2x40x128xi32, #tpu.memory_space<hbm>>
      %dma_wait3A_107 = tpu.memref_squeeze %dma_wait3A_106 : memref<1x2x40x128xi32, #tpu.memory_space<hbm>> -> memref<2x40x128xi32, #tpu.memory_space<hbm>>
      %dma_wait3A_108 = arith.constant 0 : i32
      %dma_wait3A_109 = arith.constant 0 : i32
      %dma_wait3A_110 = tpu.memref_slice %dma_wait3A_107[%run_scoped3A_7, %dma_wait3A_108, %dma_wait3A_109] : memref<2x40x128xi32, #tpu.memory_space<hbm>> -> memref<1x40x128xi32, #tpu.memory_space<hbm>>
      %dma_wait3A_111 = tpu.memref_squeeze %dma_wait3A_110 : memref<1x40x128xi32, #tpu.memory_space<hbm>> -> memref<40x128xi32, #tpu.memory_space<hbm>>
      tpu.wait_dma2 semaphore(%run_scoped3A_51 : memref<!tpu.dma_semaphore, #tpu.memory_space<semaphore_mem>>) src(%dma_wait3A_111 : memref<40x128xi32, #tpu.memory_space<hbm>>) dst(%arg8 : memref<40x128xi32, #tpu.memory_space<vmem>>)
      tpu.yield
    }) : () -> ()
    %dma_start3A = arith.constant 0 : i32
    %dma_start3A_8 = arith.constant 0 : i32
    %dma_start3A_9 = tpu.memref_slice %arg7[%dma_start3A, %dma_start3A_8] : memref<40x128xi32, #tpu.memory_space<vmem>> -> memref<1x128xi32, #tpu.memory_space<vmem>>
    %dma_start3A_10 = tpu.memref_squeeze %dma_start3A_9 : memref<1x128xi32, #tpu.memory_space<vmem>> -> memref<128xi32, #tpu.memory_space<vmem>>
    %dma_start3A_11 = arith.constant 0 : i32
    %dma_start3A_12 = arith.constant 0 : i32
    %dma_start3A_13 = tpu.memref_slice %arg2[%add3A_1, %dma_start3A_11, %dma_start3A_12] : memref<1x10240x128xf32, #tpu.memory_space<hbm>> -> memref<1x10240x128xf32, #tpu.memory_space<hbm>>
    %dma_start3A_14 = tpu.memref_squeeze %dma_start3A_13 : memref<1x10240x128xf32, #tpu.memory_space<hbm>> -> memref<10240x128xf32, #tpu.memory_space<hbm>>
    %dma_start3A_15 = arith.constant 0 : i32
    %dma_start3A_16 = arith.constant 0 : i32
    %dma_start3A_17 = tpu.memref_slice %dma_start3A_14[%dma_start3A_15, %dma_start3A_16] : memref<10240x128xf32, #tpu.memory_space<hbm>> -> memref<10240x128xf32, #tpu.memory_space<hbm>>
    tpu.enqueue_indirect_dma source(%dma_start3A_17 : memref<10240x128xf32, #tpu.memory_space<hbm>>) target(%arg9 : memref<128x128xf32, #tpu.memory_space<vmem>>) offsets(%dma_start3A_10 : memref<128xi32, #tpu.memory_space<vmem>>) semaphore(%arg13 : memref<!tpu.dma_semaphore, #tpu.memory_space<semaphore_mem>>)
    %dma_start3A_18 = arith.constant 1 : i32
    %dma_start3A_19 = arith.constant 0 : i32
    %dma_start3A_20 = tpu.memref_slice %arg7[%dma_start3A_18, %dma_start3A_19] : memref<40x128xi32, #tpu.memory_space<vmem>> -> memref<1x128xi32, #tpu.memory_space<vmem>>
    %dma_start3A_21 = tpu.memref_squeeze %dma_start3A_20 : memref<1x128xi32, #tpu.memory_space<vmem>> -> memref<128xi32, #tpu.memory_space<vmem>>
    %dma_start3A_22 = arith.constant 0 : i32
    %dma_start3A_23 = arith.constant 0 : i32
    %dma_start3A_24 = tpu.memref_slice %arg2[%add3A_1, %dma_start3A_22, %dma_start3A_23] : memref<1x10240x128xf32, #tpu.memory_space<hbm>> -> memref<1x10240x128xf32, #tpu.memory_space<hbm>>
    %dma_start3A_25 = tpu.memref_squeeze %dma_start3A_24 : memref<1x10240x128xf32, #tpu.memory_space<hbm>> -> memref<10240x128xf32, #tpu.memory_space<hbm>>
    %dma_start3A_26 = arith.constant 0 : i32
    %dma_start3A_27 = arith.constant 0 : i32
    %dma_start3A_28 = tpu.memref_slice %dma_start3A_25[%dma_start3A_26, %dma_start3A_27] : memref<10240x128xf32, #tpu.memory_space<hbm>> -> memref<10240x128xf32, #tpu.memory_space<hbm>>
    tpu.enqueue_indirect_dma source(%dma_start3A_28 : memref<10240x128xf32, #tpu.memory_space<hbm>>) target(%arg10 : memref<128x128xf32, #tpu.memory_space<vmem>>) offsets(%dma_start3A_21 : memref<128xi32, #tpu.memory_space<vmem>>) semaphore(%arg14 : memref<!tpu.dma_semaphore, #tpu.memory_space<semaphore_mem>>)
    %mul3A_29 = arith.constant 640 : i32
    %mul3A_30 = arith.muli %arg1, %mul3A_29 : i32
    %dma_wait3A = arith.constant 0 : i32
    %dma_wait3A_31 = arith.constant 0 : i32
    %dma_wait3A_32 = tpu.memref_slice %arg12[%mul3A_30, %dma_wait3A_31] : memref<10240x128xf32, #tpu.memory_space<vmem_shared>> -> memref<640x128xf32, #tpu.memory_space<vmem_shared>>
    %dma_wait3A_33 = arith.constant 0 : i32
    %dma_wait3A_34 = arith.constant 0 : i32
    %dma_wait3A_35 = tpu.memref_slice %arg2[%dma_wait3A, %dma_wait3A_33, %dma_wait3A_34] : memref<1x10240x128xf32, #tpu.memory_space<hbm>> -> memref<1x10240x128xf32, #tpu.memory_space<hbm>>
    %dma_wait3A_36 = tpu.memref_squeeze %dma_wait3A_35 : memref<1x10240x128xf32, #tpu.memory_space<hbm>> -> memref<10240x128xf32, #tpu.memory_space<hbm>>
    %dma_wait3A_37 = arith.constant 0 : i32
    %dma_wait3A_38 = arith.constant 0 : i32
    %dma_wait3A_39 = tpu.memref_slice %dma_wait3A_36[%dma_wait3A_37, %dma_wait3A_38] : memref<10240x128xf32, #tpu.memory_space<hbm>> -> memref<640x128xf32, #tpu.memory_space<hbm>>
    tpu.wait_dma2 semaphore(%arg15 : memref<!tpu.dma_semaphore, #tpu.memory_space<semaphore_mem>>) src(%dma_wait3A_39 : memref<640x128xf32, #tpu.memory_space<hbm>>) dst(%dma_wait3A_32 : memref<640x128xf32, #tpu.memory_space<vmem_shared>>)
    %barrier3A = arith.constant 0 : index
    tpu.barrier barrier_id(%barrier3A)
    %scan3A_40 = arith.constant 0 : i32
    %scan3A_41 = arith.constant 2 : i32
    %scan3A_42 = arith.addi %scan3A_40, %scan3A_41 : i32
    %scan3A_43 = arith.constant 1 : i32
    scf.for %scan3A_51 = %scan3A_40 to %scan3A_42 step %scan3A_43  : i32 {
      %mul3A_52 = arith.constant 1 : i32
      %mul3A_53 = arith.muli %scan3A_51, %mul3A_52 : i32
      %add3A_54 = arith.constant 0 : i32
      %add3A_55 = arith.addi %add3A_54, %mul3A_53 : i32
      %eq3A = arith.constant 1 : i32
      %eq3A_56 = arith.cmpi eq, %add3A_55, %eq3A : i32
      %convert_element_type3A = arith.extui %eq3A_56 : i1 to i32
      %cond3A = arith.constant 0 : i32
      %cond3A_57 = arith.cmpi ne, %convert_element_type3A, %cond3A : i32
      scf.if %cond3A_57 {
        %run_scoped3A_63 = arith.constant 1 : i32
        "tpu.region"() ({
          %run_scoped3A_87 = tpu.sem_alloc : memref<!tpu.dma_semaphore, #tpu.memory_space<semaphore_mem>>
          %dma_start3A_88 = arith.constant 0 : i32
          %dma_start3A_89 = arith.constant 0 : i32
          %dma_start3A_90 = arith.constant 0 : i32
          %dma_start3A_91 = arith.constant 0 : i32
          %dma_start3A_92 = tpu.memref_slice %arg3[%arg0, %dma_start3A_88, %dma_start3A_89, %dma_start3A_90, %dma_start3A_91] : memref<2x16x2x40x128xi32, #tpu.memory_space<hbm>> -> memref<1x16x2x40x128xi32, #tpu.memory_space<hbm>>
          %dma_start3A_93 = tpu.memref_squeeze %dma_start3A_92 : memref<1x16x2x40x128xi32, #tpu.memory_space<hbm>> -> memref<16x2x40x128xi32, #tpu.memory_space<hbm>>
          %dma_start3A_94 = arith.constant 0 : i32
          %dma_start3A_95 = arith.constant 0 : i32
          %dma_start3A_96 = arith.constant 0 : i32
          %dma_start3A_97 = tpu.memref_slice %dma_start3A_93[%arg1, %dma_start3A_94, %dma_start3A_95, %dma_start3A_96] : memref<16x2x40x128xi32, #tpu.memory_space<hbm>> -> memref<1x2x40x128xi32, #tpu.memory_space<hbm>>
          %dma_start3A_98 = tpu.memref_squeeze %dma_start3A_97 : memref<1x2x40x128xi32, #tpu.memory_space<hbm>> -> memref<2x40x128xi32, #tpu.memory_space<hbm>>
          %dma_start3A_99 = arith.constant 0 : i32
          %dma_start3A_100 = arith.constant 0 : i32
          %dma_start3A_101 = tpu.memref_slice %dma_start3A_98[%run_scoped3A_63, %dma_start3A_99, %dma_start3A_100] : memref<2x40x128xi32, #tpu.memory_space<hbm>> -> memref<1x40x128xi32, #tpu.memory_space<hbm>>
          %dma_start3A_102 = tpu.memref_squeeze %dma_start3A_101 : memref<1x40x128xi32, #tpu.memory_space<hbm>> -> memref<40x128xi32, #tpu.memory_space<hbm>>
          %dma_start3A_103 = arith.constant 0 : i32
          %dma_start3A_104 = arith.constant 0 : i32
          %dma_start3A_105 = arith.constant 0 : i32
          %dma_start3A_106 = arith.constant 0 : i32
          %dma_start3A_107 = tpu.memref_slice %arg3[%arg0, %dma_start3A_103, %dma_start3A_104, %dma_start3A_105, %dma_start3A_106] : memref<2x16x2x40x128xi32, #tpu.memory_space<hbm>> -> memref<1x16x2x40x128xi32, #tpu.memory_space<hbm>>
          %dma_start3A_108 = tpu.memref_squeeze %dma_start3A_107 : memref<1x16x2x40x128xi32, #tpu.memory_space<hbm>> -> memref<16x2x40x128xi32, #tpu.memory_space<hbm>>
          %dma_start3A_109 = arith.constant 0 : i32
          %dma_start3A_110 = arith.constant 0 : i32
          %dma_start3A_111 = arith.constant 0 : i32
          %dma_start3A_112 = tpu.memref_slice %dma_start3A_108[%arg1, %dma_start3A_109, %dma_start3A_110, %dma_start3A_111] : memref<16x2x40x128xi32, #tpu.memory_space<hbm>> -> memref<1x2x40x128xi32, #tpu.memory_space<hbm>>
          %dma_start3A_113 = tpu.memref_squeeze %dma_start3A_112 : memref<1x2x40x128xi32, #tpu.memory_space<hbm>> -> memref<2x40x128xi32, #tpu.memory_space<hbm>>
          %dma_start3A_114 = arith.constant 0 : i32
          %dma_start3A_115 = arith.constant 0 : i32
          %dma_start3A_116 = tpu.memref_slice %dma_start3A_113[%run_scoped3A_63, %dma_start3A_114, %dma_start3A_115] : memref<2x40x128xi32, #tpu.memory_space<hbm>> -> memref<1x40x128xi32, #tpu.memory_space<hbm>>
          %dma_start3A_117 = tpu.memref_squeeze %dma_start3A_116 : memref<1x40x128xi32, #tpu.memory_space<hbm>> -> memref<40x128xi32, #tpu.memory_space<hbm>>
          tpu.enqueue_dma source(%dma_start3A_117 : memref<40x128xi32, #tpu.memory_space<hbm>>) target(%arg7 : memref<40x128xi32, #tpu.memory_space<vmem>>) target_semaphore(%run_scoped3A_87 : memref<!tpu.dma_semaphore, #tpu.memory_space<semaphore_mem>>)
          %dma_wait3A_118 = arith.constant 0 : i32
          %dma_wait3A_119 = arith.constant 0 : i32
          %dma_wait3A_120 = arith.constant 0 : i32
          %dma_wait3A_121 = arith.constant 0 : i32
          %dma_wait3A_122 = tpu.memref_slice %arg3[%arg0, %dma_wait3A_118, %dma_wait3A_119, %dma_wait3A_120, %dma_wait3A_121] : memref<2x16x2x40x128xi32, #tpu.memory_space<hbm>> -> memref<1x16x2x40x128xi32, #tpu.memory_space<hbm>>
          %dma_wait3A_123 = tpu.memref_squeeze %dma_wait3A_122 : memref<1x16x2x40x128xi32, #tpu.memory_space<hbm>> -> memref<16x2x40x128xi32, #tpu.memory_space<hbm>>
          %dma_wait3A_124 = arith.constant 0 : i32
          %dma_wait3A_125 = arith.constant 0 : i32
          %dma_wait3A_126 = arith.constant 0 : i32
          %dma_wait3A_127 = tpu.memref_slice %dma_wait3A_123[%arg1, %dma_wait3A_124, %dma_wait3A_125, %dma_wait3A_126] : memref<16x2x40x128xi32, #tpu.memory_space<hbm>> -> memref<1x2x40x128xi32, #tpu.memory_space<hbm>>
          %dma_wait3A_128 = tpu.memref_squeeze %dma_wait3A_127 : memref<1x2x40x128xi32, #tpu.memory_space<hbm>> -> memref<2x40x128xi32, #tpu.memory_space<hbm>>
          %dma_wait3A_129 = arith.constant 0 : i32
          %dma_wait3A_130 = arith.constant 0 : i32
          %dma_wait3A_131 = tpu.memref_slice %dma_wait3A_128[%run_scoped3A_63, %dma_wait3A_129, %dma_wait3A_130] : memref<2x40x128xi32, #tpu.memory_space<hbm>> -> memref<1x40x128xi32, #tpu.memory_space<hbm>>
          %dma_wait3A_132 = tpu.memref_squeeze %dma_wait3A_131 : memref<1x40x128xi32, #tpu.memory_space<hbm>> -> memref<40x128xi32, #tpu.memory_space<hbm>>
          %dma_wait3A_133 = arith.constant 0 : i32
          %dma_wait3A_134 = arith.constant 0 : i32
          %dma_wait3A_135 = arith.constant 0 : i32
          %dma_wait3A_136 = arith.constant 0 : i32
          %dma_wait3A_137 = tpu.memref_slice %arg3[%arg0, %dma_wait3A_133, %dma_wait3A_134, %dma_wait3A_135, %dma_wait3A_136] : memref<2x16x2x40x128xi32, #tpu.memory_space<hbm>> -> memref<1x16x2x40x128xi32, #tpu.memory_space<hbm>>
          %dma_wait3A_138 = tpu.memref_squeeze %dma_wait3A_137 : memref<1x16x2x40x128xi32, #tpu.memory_space<hbm>> -> memref<16x2x40x128xi32, #tpu.memory_space<hbm>>
          %dma_wait3A_139 = arith.constant 0 : i32
          %dma_wait3A_140 = arith.constant 0 : i32
          %dma_wait3A_141 = arith.constant 0 : i32
          %dma_wait3A_142 = tpu.memref_slice %dma_wait3A_138[%arg1, %dma_wait3A_139, %dma_wait3A_140, %dma_wait3A_141] : memref<16x2x40x128xi32, #tpu.memory_space<hbm>> -> memref<1x2x40x128xi32, #tpu.memory_space<hbm>>
          %dma_wait3A_143 = tpu.memref_squeeze %dma_wait3A_142 : memref<1x2x40x128xi32, #tpu.memory_space<hbm>> -> memref<2x40x128xi32, #tpu.memory_space<hbm>>
          %dma_wait3A_144 = arith.constant 0 : i32
          %dma_wait3A_145 = arith.constant 0 : i32
          %dma_wait3A_146 = tpu.memref_slice %dma_wait3A_143[%run_scoped3A_63, %dma_wait3A_144, %dma_wait3A_145] : memref<2x40x128xi32, #tpu.memory_space<hbm>> -> memref<1x40x128xi32, #tpu.memory_space<hbm>>
          %dma_wait3A_147 = tpu.memref_squeeze %dma_wait3A_146 : memref<1x40x128xi32, #tpu.memory_space<hbm>> -> memref<40x128xi32, #tpu.memory_space<hbm>>
          tpu.wait_dma2 semaphore(%run_scoped3A_87 : memref<!tpu.dma_semaphore, #tpu.memory_space<semaphore_mem>>) src(%dma_wait3A_147 : memref<40x128xi32, #tpu.memory_space<hbm>>) dst(%arg7 : memref<40x128xi32, #tpu.memory_space<vmem>>)
          tpu.yield
        }) : () -> ()
        %run_scoped3A_64 = arith.constant 1 : i32
        "tpu.region"() ({
          %run_scoped3A_87 = tpu.sem_alloc : memref<!tpu.dma_semaphore, #tpu.memory_space<semaphore_mem>>
          %dma_start3A_88 = arith.constant 0 : i32
          %dma_start3A_89 = arith.constant 0 : i32
          %dma_start3A_90 = arith.constant 0 : i32
          %dma_start3A_91 = arith.constant 0 : i32
          %dma_start3A_92 = tpu.memref_slice %arg4[%arg0, %dma_start3A_88, %dma_start3A_89, %dma_start3A_90, %dma_start3A_91] : memref<2x16x2x40x128xi32, #tpu.memory_space<hbm>> -> memref<1x16x2x40x128xi32, #tpu.memory_space<hbm>>
          %dma_start3A_93 = tpu.memref_squeeze %dma_start3A_92 : memref<1x16x2x40x128xi32, #tpu.memory_space<hbm>> -> memref<16x2x40x128xi32, #tpu.memory_space<hbm>>
          %dma_start3A_94 = arith.constant 0 : i32
          %dma_start3A_95 = arith.constant 0 : i32
          %dma_start3A_96 = arith.constant 0 : i32
          %dma_start3A_97 = tpu.memref_slice %dma_start3A_93[%arg1, %dma_start3A_94, %dma_start3A_95, %dma_start3A_96] : memref<16x2x40x128xi32, #tpu.memory_space<hbm>> -> memref<1x2x40x128xi32, #tpu.memory_space<hbm>>
          %dma_start3A_98 = tpu.memref_squeeze %dma_start3A_97 : memref<1x2x40x128xi32, #tpu.memory_space<hbm>> -> memref<2x40x128xi32, #tpu.memory_space<hbm>>
          %dma_start3A_99 = arith.constant 0 : i32
          %dma_start3A_100 = arith.constant 0 : i32
          %dma_start3A_101 = tpu.memref_slice %dma_start3A_98[%run_scoped3A_64, %dma_start3A_99, %dma_start3A_100] : memref<2x40x128xi32, #tpu.memory_space<hbm>> -> memref<1x40x128xi32, #tpu.memory_space<hbm>>
          %dma_start3A_102 = tpu.memref_squeeze %dma_start3A_101 : memref<1x40x128xi32, #tpu.memory_space<hbm>> -> memref<40x128xi32, #tpu.memory_space<hbm>>
          %dma_start3A_103 = arith.constant 0 : i32
          %dma_start3A_104 = arith.constant 0 : i32
          %dma_start3A_105 = arith.constant 0 : i32
          %dma_start3A_106 = arith.constant 0 : i32
          %dma_start3A_107 = tpu.memref_slice %arg4[%arg0, %dma_start3A_103, %dma_start3A_104, %dma_start3A_105, %dma_start3A_106] : memref<2x16x2x40x128xi32, #tpu.memory_space<hbm>> -> memref<1x16x2x40x128xi32, #tpu.memory_space<hbm>>
          %dma_start3A_108 = tpu.memref_squeeze %dma_start3A_107 : memref<1x16x2x40x128xi32, #tpu.memory_space<hbm>> -> memref<16x2x40x128xi32, #tpu.memory_space<hbm>>
          %dma_start3A_109 = arith.constant 0 : i32
          %dma_start3A_110 = arith.constant 0 : i32
          %dma_start3A_111 = arith.constant 0 : i32
          %dma_start3A_112 = tpu.memref_slice %dma_start3A_108[%arg1, %dma_start3A_109, %dma_start3A_110, %dma_start3A_111] : memref<16x2x40x128xi32, #tpu.memory_space<hbm>> -> memref<1x2x40x128xi32, #tpu.memory_space<hbm>>
          %dma_start3A_113 = tpu.memref_squeeze %dma_start3A_112 : memref<1x2x40x128xi32, #tpu.memory_space<hbm>> -> memref<2x40x128xi32, #tpu.memory_space<hbm>>
          %dma_start3A_114 = arith.constant 0 : i32
          %dma_start3A_115 = arith.constant 0 : i32
          %dma_start3A_116 = tpu.memref_slice %dma_start3A_113[%run_scoped3A_64, %dma_start3A_114, %dma_start3A_115] : memref<2x40x128xi32, #tpu.memory_space<hbm>> -> memref<1x40x128xi32, #tpu.memory_space<hbm>>
          %dma_start3A_117 = tpu.memref_squeeze %dma_start3A_116 : memref<1x40x128xi32, #tpu.memory_space<hbm>> -> memref<40x128xi32, #tpu.memory_space<hbm>>
          tpu.enqueue_dma source(%dma_start3A_117 : memref<40x128xi32, #tpu.memory_space<hbm>>) target(%arg8 : memref<40x128xi32, #tpu.memory_space<vmem>>) target_semaphore(%run_scoped3A_87 : memref<!tpu.dma_semaphore, #tpu.memory_space<semaphore_mem>>)
          %dma_wait3A_118 = arith.constant 0 : i32
          %dma_wait3A_119 = arith.constant 0 : i32
          %dma_wait3A_120 = arith.constant 0 : i32
          %dma_wait3A_121 = arith.constant 0 : i32
          %dma_wait3A_122 = tpu.memref_slice %arg4[%arg0, %dma_wait3A_118, %dma_wait3A_119, %dma_wait3A_120, %dma_wait3A_121] : memref<2x16x2x40x128xi32, #tpu.memory_space<hbm>> -> memref<1x16x2x40x128xi32, #tpu.memory_space<hbm>>
          %dma_wait3A_123 = tpu.memref_squeeze %dma_wait3A_122 : memref<1x16x2x40x128xi32, #tpu.memory_space<hbm>> -> memref<16x2x40x128xi32, #tpu.memory_space<hbm>>
          %dma_wait3A_124 = arith.constant 0 : i32
          %dma_wait3A_125 = arith.constant 0 : i32
          %dma_wait3A_126 = arith.constant 0 : i32
          %dma_wait3A_127 = tpu.memref_slice %dma_wait3A_123[%arg1, %dma_wait3A_124, %dma_wait3A_125, %dma_wait3A_126] : memref<16x2x40x128xi32, #tpu.memory_space<hbm>> -> memref<1x2x40x128xi32, #tpu.memory_space<hbm>>
          %dma_wait3A_128 = tpu.memref_squeeze %dma_wait3A_127 : memref<1x2x40x128xi32, #tpu.memory_space<hbm>> -> memref<2x40x128xi32, #tpu.memory_space<hbm>>
          %dma_wait3A_129 = arith.constant 0 : i32
          %dma_wait3A_130 = arith.constant 0 : i32
          %dma_wait3A_131 = tpu.memref_slice %dma_wait3A_128[%run_scoped3A_64, %dma_wait3A_129, %dma_wait3A_130] : memref<2x40x128xi32, #tpu.memory_space<hbm>> -> memref<1x40x128xi32, #tpu.memory_space<hbm>>
          %dma_wait3A_132 = tpu.memref_squeeze %dma_wait3A_131 : memref<1x40x128xi32, #tpu.memory_space<hbm>> -> memref<40x128xi32, #tpu.memory_space<hbm>>
          %dma_wait3A_133 = arith.constant 0 : i32
          %dma_wait3A_134 = arith.constant 0 : i32
          %dma_wait3A_135 = arith.constant 0 : i32
          %dma_wait3A_136 = arith.constant 0 : i32
          %dma_wait3A_137 = tpu.memref_slice %arg4[%arg0, %dma_wait3A_133, %dma_wait3A_134, %dma_wait3A_135, %dma_wait3A_136] : memref<2x16x2x40x128xi32, #tpu.memory_space<hbm>> -> memref<1x16x2x40x128xi32, #tpu.memory_space<hbm>>
          %dma_wait3A_138 = tpu.memref_squeeze %dma_wait3A_137 : memref<1x16x2x40x128xi32, #tpu.memory_space<hbm>> -> memref<16x2x40x128xi32, #tpu.memory_space<hbm>>
          %dma_wait3A_139 = arith.constant 0 : i32
          %dma_wait3A_140 = arith.constant 0 : i32
          %dma_wait3A_141 = arith.constant 0 : i32
          %dma_wait3A_142 = tpu.memref_slice %dma_wait3A_138[%arg1, %dma_wait3A_139, %dma_wait3A_140, %dma_wait3A_141] : memref<16x2x40x128xi32, #tpu.memory_space<hbm>> -> memref<1x2x40x128xi32, #tpu.memory_space<hbm>>
          %dma_wait3A_143 = tpu.memref_squeeze %dma_wait3A_142 : memref<1x2x40x128xi32, #tpu.memory_space<hbm>> -> memref<2x40x128xi32, #tpu.memory_space<hbm>>
          %dma_wait3A_144 = arith.constant 0 : i32
          %dma_wait3A_145 = arith.constant 0 : i32
          %dma_wait3A_146 = tpu.memref_slice %dma_wait3A_143[%run_scoped3A_64, %dma_wait3A_144, %dma_wait3A_145] : memref<2x40x128xi32, #tpu.memory_space<hbm>> -> memref<1x40x128xi32, #tpu.memory_space<hbm>>
          %dma_wait3A_147 = tpu.memref_squeeze %dma_wait3A_146 : memref<1x40x128xi32, #tpu.memory_space<hbm>> -> memref<40x128xi32, #tpu.memory_space<hbm>>
          tpu.wait_dma2 semaphore(%run_scoped3A_87 : memref<!tpu.dma_semaphore, #tpu.memory_space<semaphore_mem>>) src(%dma_wait3A_147 : memref<40x128xi32, #tpu.memory_space<hbm>>) dst(%arg8 : memref<40x128xi32, #tpu.memory_space<vmem>>)
          tpu.yield
        }) : () -> ()
        %dma_start3A_65 = arith.constant 0 : i32
        %dma_start3A_66 = arith.constant 0 : i32
        %dma_start3A_67 = tpu.memref_slice %arg7[%dma_start3A_65, %dma_start3A_66] : memref<40x128xi32, #tpu.memory_space<vmem>> -> memref<1x128xi32, #tpu.memory_space<vmem>>
        %dma_start3A_68 = tpu.memref_squeeze %dma_start3A_67 : memref<1x128xi32, #tpu.memory_space<vmem>> -> memref<128xi32, #tpu.memory_space<vmem>>
        %dma_start3A_69 = arith.constant 0 : i32
        %dma_start3A_70 = arith.constant 0 : i32
        %dma_start3A_71 = tpu.memref_slice %arg2[%add3A_1, %dma_start3A_69, %dma_start3A_70] : memref<1x10240x128xf32, #tpu.memory_space<hbm>> -> memref<1x10240x128xf32, #tpu.memory_space<hbm>>
        %dma_start3A_72 = tpu.memref_squeeze %dma_start3A_71 : memref<1x10240x128xf32, #tpu.memory_space<hbm>> -> memref<10240x128xf32, #tpu.memory_space<hbm>>
        %dma_start3A_73 = arith.constant 0 : i32
        %dma_start3A_74 = arith.constant 0 : i32
        %dma_start3A_75 = tpu.memref_slice %dma_start3A_72[%dma_start3A_73, %dma_start3A_74] : memref<10240x128xf32, #tpu.memory_space<hbm>> -> memref<10240x128xf32, #tpu.memory_space<hbm>>
        tpu.enqueue_indirect_dma source(%dma_start3A_75 : memref<10240x128xf32, #tpu.memory_space<hbm>>) target(%arg9 : memref<128x128xf32, #tpu.memory_space<vmem>>) offsets(%dma_start3A_68 : memref<128xi32, #tpu.memory_space<vmem>>) semaphore(%arg13 : memref<!tpu.dma_semaphore, #tpu.memory_space<semaphore_mem>>)
        %dma_start3A_76 = arith.constant 1 : i32
        %dma_start3A_77 = arith.constant 0 : i32
        %dma_start3A_78 = tpu.memref_slice %arg7[%dma_start3A_76, %dma_start3A_77] : memref<40x128xi32, #tpu.memory_space<vmem>> -> memref<1x128xi32, #tpu.memory_space<vmem>>
        %dma_start3A_79 = tpu.memref_squeeze %dma_start3A_78 : memref<1x128xi32, #tpu.memory_space<vmem>> -> memref<128xi32, #tpu.memory_space<vmem>>
        %dma_start3A_80 = arith.constant 0 : i32
        %dma_start3A_81 = arith.constant 0 : i32
        %dma_start3A_82 = tpu.memref_slice %arg2[%add3A_1, %dma_start3A_80, %dma_start3A_81] : memref<1x10240x128xf32, #tpu.memory_space<hbm>> -> memref<1x10240x128xf32, #tpu.memory_space<hbm>>
        %dma_start3A_83 = tpu.memref_squeeze %dma_start3A_82 : memref<1x10240x128xf32, #tpu.memory_space<hbm>> -> memref<10240x128xf32, #tpu.memory_space<hbm>>
        %dma_start3A_84 = arith.constant 0 : i32
        %dma_start3A_85 = arith.constant 0 : i32
        %dma_start3A_86 = tpu.memref_slice %dma_start3A_83[%dma_start3A_84, %dma_start3A_85] : memref<10240x128xf32, #tpu.memory_space<hbm>> -> memref<10240x128xf32, #tpu.memory_space<hbm>>
        tpu.enqueue_indirect_dma source(%dma_start3A_86 : memref<10240x128xf32, #tpu.memory_space<hbm>>) target(%arg10 : memref<128x128xf32, #tpu.memory_space<vmem>>) offsets(%dma_start3A_79 : memref<128xi32, #tpu.memory_space<vmem>>) semaphore(%arg14 : memref<!tpu.dma_semaphore, #tpu.memory_space<semaphore_mem>>)
      } else {
      }
      %scan3A_58 = arith.constant 0 : i32
      %scan3A_59 = arith.constant 20 : i32
      %scan3A_60 = arith.addi %scan3A_58, %scan3A_59 : i32
      %scan3A_61 = arith.constant 1 : i32
      scf.for %scan3A_63 = %scan3A_58 to %scan3A_60 step %scan3A_61  : i32 {
        %mul3A_64 = arith.constant 2 : i32
        %mul3A_65 = arith.muli %scan3A_63, %mul3A_64 : i32
        %add3A_66 = arith.constant 0 : i32
        %add3A_67 = arith.addi %add3A_66, %mul3A_65 : i32
        %dma_wait3A_68 = arith.constant 0 : i32
        %dma_wait3A_69 = tpu.memref_slice %arg7[%add3A_67, %dma_wait3A_68] : memref<40x128xi32, #tpu.memory_space<vmem>> -> memref<1x128xi32, #tpu.memory_space<vmem>>
        %dma_wait3A_70 = tpu.memref_squeeze %dma_wait3A_69 : memref<1x128xi32, #tpu.memory_space<vmem>> -> memref<128xi32, #tpu.memory_space<vmem>>
        %dma_wait3A_71 = arith.constant 0 : i32
        %dma_wait3A_72 = arith.constant 0 : i32
        %dma_wait3A_73 = tpu.memref_slice %arg2[%add3A_1, %dma_wait3A_71, %dma_wait3A_72] : memref<1x10240x128xf32, #tpu.memory_space<hbm>> -> memref<1x10240x128xf32, #tpu.memory_space<hbm>>
        %dma_wait3A_74 = tpu.memref_squeeze %dma_wait3A_73 : memref<1x10240x128xf32, #tpu.memory_space<hbm>> -> memref<10240x128xf32, #tpu.memory_space<hbm>>
        %dma_wait3A_75 = arith.constant 0 : i32
        %dma_wait3A_76 = arith.constant 0 : i32
        %dma_wait3A_77 = tpu.memref_slice %dma_wait3A_74[%dma_wait3A_75, %dma_wait3A_76] : memref<10240x128xf32, #tpu.memory_space<hbm>> -> memref<10240x128xf32, #tpu.memory_space<hbm>>
        tpu.wait_indirect_dma semaphore(%arg13 : memref<!tpu.dma_semaphore, #tpu.memory_space<semaphore_mem>>) src(%dma_wait3A_77 : memref<10240x128xf32, #tpu.memory_space<hbm>>) dst(%arg9 : memref<128x128xf32, #tpu.memory_space<vmem>>)
        "tpu.region"() ({
          %run_scoped3A_105 = tpu.sem_alloc : memref<!tpu.dma_semaphore, #tpu.memory_space<semaphore_mem>>
          %dma_start3A_106 = arith.constant 0 : i32
          %dma_start3A_107 = tpu.memref_slice %arg8[%add3A_67, %dma_start3A_106] : memref<40x128xi32, #tpu.memory_space<vmem>> -> memref<1x128xi32, #tpu.memory_space<vmem>>
          %dma_start3A_108 = tpu.memref_squeeze %dma_start3A_107 : memref<1x128xi32, #tpu.memory_space<vmem>> -> memref<128xi32, #tpu.memory_space<vmem>>
          %dma_start3A_109 = arith.constant 0 : i32
          %dma_start3A_110 = arith.constant 0 : i32
          %dma_start3A_111 = tpu.memref_slice %arg12[%dma_start3A_109, %dma_start3A_110] : memref<10240x128xf32, #tpu.memory_space<vmem_shared>> -> memref<10240x128xf32, #tpu.memory_space<vmem_shared>>
          tpu.enqueue_indirect_dma source(%arg9 : memref<128x128xf32, #tpu.memory_space<vmem>>) target(%dma_start3A_111 : memref<10240x128xf32, #tpu.memory_space<vmem_shared>>) offsets(%dma_start3A_108 : memref<128xi32, #tpu.memory_space<vmem>>) semaphore(%run_scoped3A_105 : memref<!tpu.dma_semaphore, #tpu.memory_space<semaphore_mem>>) {add = true}
          %dma_wait3A_112 = arith.constant 0 : i32
          %dma_wait3A_113 = tpu.memref_slice %arg8[%add3A_67, %dma_wait3A_112] : memref<40x128xi32, #tpu.memory_space<vmem>> -> memref<1x128xi32, #tpu.memory_space<vmem>>
          %dma_wait3A_114 = tpu.memref_squeeze %dma_wait3A_113 : memref<1x128xi32, #tpu.memory_space<vmem>> -> memref<128xi32, #tpu.memory_space<vmem>>
          %dma_wait3A_115 = arith.constant 0 : i32
          %dma_wait3A_116 = arith.constant 0 : i32
          %dma_wait3A_117 = tpu.memref_slice %arg12[%dma_wait3A_115, %dma_wait3A_116] : memref<10240x128xf32, #tpu.memory_space<vmem_shared>> -> memref<10240x128xf32, #tpu.memory_space<vmem_shared>>
          tpu.wait_indirect_dma semaphore(%run_scoped3A_105 : memref<!tpu.dma_semaphore, #tpu.memory_space<semaphore_mem>>) src(%arg9 : memref<128x128xf32, #tpu.memory_space<vmem>>) dst(%dma_wait3A_117 : memref<10240x128xf32, #tpu.memory_space<vmem_shared>>)
          tpu.yield
        }) : () -> ()
        %add3A_78 = arith.constant 2 : i32
        %add3A_79 = arith.addi %add3A_67, %add3A_78 : i32
        %lt3A = arith.constant 40 : i32
        %lt3A_80 = arith.cmpi slt, %add3A_79, %lt3A : i32
        %convert_element_type3A_81 = arith.extui %lt3A_80 : i1 to i32
        %cond3A_82 = arith.constant 0 : i32
        %cond3A_83 = arith.cmpi ne, %convert_element_type3A_81, %cond3A_82 : i32
        scf.if %cond3A_83 {
          %add3A_105 = arith.constant 2 : i32
          %add3A_106 = arith.addi %add3A_67, %add3A_105 : i32
          %dma_start3A_107 = arith.constant 0 : i32
          %dma_start3A_108 = tpu.memref_slice %arg7[%add3A_106, %dma_start3A_107] : memref<40x128xi32, #tpu.memory_space<vmem>> -> memref<1x128xi32, #tpu.memory_space<vmem>>
          %dma_start3A_109 = tpu.memref_squeeze %dma_start3A_108 : memref<1x128xi32, #tpu.memory_space<vmem>> -> memref<128xi32, #tpu.memory_space<vmem>>
          %dma_start3A_110 = arith.constant 0 : i32
          %dma_start3A_111 = arith.constant 0 : i32
          %dma_start3A_112 = tpu.memref_slice %arg2[%add3A_1, %dma_start3A_110, %dma_start3A_111] : memref<1x10240x128xf32, #tpu.memory_space<hbm>> -> memref<1x10240x128xf32, #tpu.memory_space<hbm>>
          %dma_start3A_113 = tpu.memref_squeeze %dma_start3A_112 : memref<1x10240x128xf32, #tpu.memory_space<hbm>> -> memref<10240x128xf32, #tpu.memory_space<hbm>>
          %dma_start3A_114 = arith.constant 0 : i32
          %dma_start3A_115 = arith.constant 0 : i32
          %dma_start3A_116 = tpu.memref_slice %dma_start3A_113[%dma_start3A_114, %dma_start3A_115] : memref<10240x128xf32, #tpu.memory_space<hbm>> -> memref<10240x128xf32, #tpu.memory_space<hbm>>
          tpu.enqueue_indirect_dma source(%dma_start3A_116 : memref<10240x128xf32, #tpu.memory_space<hbm>>) target(%arg9 : memref<128x128xf32, #tpu.memory_space<vmem>>) offsets(%dma_start3A_109 : memref<128xi32, #tpu.memory_space<vmem>>) semaphore(%arg13 : memref<!tpu.dma_semaphore, #tpu.memory_space<semaphore_mem>>)
        } else {
        }
        %add3A_84 = arith.constant 1 : i32
        %add3A_85 = arith.addi %add3A_67, %add3A_84 : i32
        %dma_wait3A_86 = arith.constant 0 : i32
        %dma_wait3A_87 = tpu.memref_slice %arg7[%add3A_85, %dma_wait3A_86] : memref<40x128xi32, #tpu.memory_space<vmem>> -> memref<1x128xi32, #tpu.memory_space<vmem>>
        %dma_wait3A_88 = tpu.memref_squeeze %dma_wait3A_87 : memref<1x128xi32, #tpu.memory_space<vmem>> -> memref<128xi32, #tpu.memory_space<vmem>>
        %dma_wait3A_89 = arith.constant 0 : i32
        %dma_wait3A_90 = arith.constant 0 : i32
        %dma_wait3A_91 = tpu.memref_slice %arg2[%add3A_1, %dma_wait3A_89, %dma_wait3A_90] : memref<1x10240x128xf32, #tpu.memory_space<hbm>> -> memref<1x10240x128xf32, #tpu.memory_space<hbm>>
        %dma_wait3A_92 = tpu.memref_squeeze %dma_wait3A_91 : memref<1x10240x128xf32, #tpu.memory_space<hbm>> -> memref<10240x128xf32, #tpu.memory_space<hbm>>
        %dma_wait3A_93 = arith.constant 0 : i32
        %dma_wait3A_94 = arith.constant 0 : i32
        %dma_wait3A_95 = tpu.memref_slice %dma_wait3A_92[%dma_wait3A_93, %dma_wait3A_94] : memref<10240x128xf32, #tpu.memory_space<hbm>> -> memref<10240x128xf32, #tpu.memory_space<hbm>>
        tpu.wait_indirect_dma semaphore(%arg14 : memref<!tpu.dma_semaphore, #tpu.memory_space<semaphore_mem>>) src(%dma_wait3A_95 : memref<10240x128xf32, #tpu.memory_space<hbm>>) dst(%arg10 : memref<128x128xf32, #tpu.memory_space<vmem>>)
        %add3A_96 = arith.constant 1 : i32
        %add3A_97 = arith.addi %add3A_67, %add3A_96 : i32
        "tpu.region"() ({
          %run_scoped3A_105 = tpu.sem_alloc : memref<!tpu.dma_semaphore, #tpu.memory_space<semaphore_mem>>
          %dma_start3A_106 = arith.constant 0 : i32
          %dma_start3A_107 = tpu.memref_slice %arg8[%add3A_97, %dma_start3A_106] : memref<40x128xi32, #tpu.memory_space<vmem>> -> memref<1x128xi32, #tpu.memory_space<vmem>>
          %dma_start3A_108 = tpu.memref_squeeze %dma_start3A_107 : memref<1x128xi32, #tpu.memory_space<vmem>> -> memref<128xi32, #tpu.memory_space<vmem>>
          %dma_start3A_109 = arith.constant 0 : i32
          %dma_start3A_110 = arith.constant 0 : i32
          %dma_start3A_111 = tpu.memref_slice %arg12[%dma_start3A_109, %dma_start3A_110] : memref<10240x128xf32, #tpu.memory_space<vmem_shared>> -> memref<10240x128xf32, #tpu.memory_space<vmem_shared>>
          tpu.enqueue_indirect_dma source(%arg10 : memref<128x128xf32, #tpu.memory_space<vmem>>) target(%dma_start3A_111 : memref<10240x128xf32, #tpu.memory_space<vmem_shared>>) offsets(%dma_start3A_108 : memref<128xi32, #tpu.memory_space<vmem>>) semaphore(%run_scoped3A_105 : memref<!tpu.dma_semaphore, #tpu.memory_space<semaphore_mem>>) {add = true}
          %dma_wait3A_112 = arith.constant 0 : i32
          %dma_wait3A_113 = tpu.memref_slice %arg8[%add3A_97, %dma_wait3A_112] : memref<40x128xi32, #tpu.memory_space<vmem>> -> memref<1x128xi32, #tpu.memory_space<vmem>>
          %dma_wait3A_114 = tpu.memref_squeeze %dma_wait3A_113 : memref<1x128xi32, #tpu.memory_space<vmem>> -> memref<128xi32, #tpu.memory_space<vmem>>
          %dma_wait3A_115 = arith.constant 0 : i32
          %dma_wait3A_116 = arith.constant 0 : i32
          %dma_wait3A_117 = tpu.memref_slice %arg12[%dma_wait3A_115, %dma_wait3A_116] : memref<10240x128xf32, #tpu.memory_space<vmem_shared>> -> memref<10240x128xf32, #tpu.memory_space<vmem_shared>>
          tpu.wait_indirect_dma semaphore(%run_scoped3A_105 : memref<!tpu.dma_semaphore, #tpu.memory_space<semaphore_mem>>) src(%arg10 : memref<128x128xf32, #tpu.memory_space<vmem>>) dst(%dma_wait3A_117 : memref<10240x128xf32, #tpu.memory_space<vmem_shared>>)
          tpu.yield
        }) : () -> ()
        %add3A_98 = arith.constant 3 : i32
        %add3A_99 = arith.addi %add3A_67, %add3A_98 : i32
        %lt3A_100 = arith.constant 40 : i32
        %lt3A_101 = arith.cmpi slt, %add3A_99, %lt3A_100 : i32
        %convert_element_type3A_102 = arith.extui %lt3A_101 : i1 to i32
        %cond3A_103 = arith.constant 0 : i32
        %cond3A_104 = arith.cmpi ne, %convert_element_type3A_102, %cond3A_103 : i32
        scf.if %cond3A_104 {
          %add3A_105 = arith.constant 3 : i32
          %add3A_106 = arith.addi %add3A_67, %add3A_105 : i32
          %dma_start3A_107 = arith.constant 0 : i32
          %dma_start3A_108 = tpu.memref_slice %arg7[%add3A_106, %dma_start3A_107] : memref<40x128xi32, #tpu.memory_space<vmem>> -> memref<1x128xi32, #tpu.memory_space<vmem>>
          %dma_start3A_109 = tpu.memref_squeeze %dma_start3A_108 : memref<1x128xi32, #tpu.memory_space<vmem>> -> memref<128xi32, #tpu.memory_space<vmem>>
          %dma_start3A_110 = arith.constant 0 : i32
          %dma_start3A_111 = arith.constant 0 : i32
          %dma_start3A_112 = tpu.memref_slice %arg2[%add3A_1, %dma_start3A_110, %dma_start3A_111] : memref<1x10240x128xf32, #tpu.memory_space<hbm>> -> memref<1x10240x128xf32, #tpu.memory_space<hbm>>
          %dma_start3A_113 = tpu.memref_squeeze %dma_start3A_112 : memref<1x10240x128xf32, #tpu.memory_space<hbm>> -> memref<10240x128xf32, #tpu.memory_space<hbm>>
          %dma_start3A_114 = arith.constant 0 : i32
          %dma_start3A_115 = arith.constant 0 : i32
          %dma_start3A_116 = tpu.memref_slice %dma_start3A_113[%dma_start3A_114, %dma_start3A_115] : memref<10240x128xf32, #tpu.memory_space<hbm>> -> memref<10240x128xf32, #tpu.memory_space<hbm>>
          tpu.enqueue_indirect_dma source(%dma_start3A_116 : memref<10240x128xf32, #tpu.memory_space<hbm>>) target(%arg10 : memref<128x128xf32, #tpu.memory_space<vmem>>) offsets(%dma_start3A_109 : memref<128xi32, #tpu.memory_space<vmem>>) semaphore(%arg14 : memref<!tpu.dma_semaphore, #tpu.memory_space<semaphore_mem>>)
        } else {
        }
      }
      %scan3A_62 = arith.constant 20 : i32
    }
    %scan3A_44 = arith.constant 2 : i32
    %barrier3A_45 = arith.constant 0 : index
    tpu.barrier barrier_id(%barrier3A_45)
    %mul3A_46 = arith.constant 640 : i32
    %mul3A_47 = arith.muli %arg1, %mul3A_46 : i32
    %mul3A_48 = arith.constant 640 : i32
    %mul3A_49 = arith.muli %arg1, %mul3A_48 : i32
    "tpu.region"() ({
      %run_scoped3A_51 = tpu.sem_alloc : memref<!tpu.dma_semaphore, #tpu.memory_space<semaphore_mem>>
      %dma_start3A_52 = arith.constant 0 : i32
      %dma_start3A_53 = arith.constant 0 : i32
      %dma_start3A_54 = arith.constant 0 : i32
      %dma_start3A_55 = tpu.memref_slice %arg6[%add3A_1, %dma_start3A_52, %dma_start3A_53, %dma_start3A_54] : memref<1x2x10240x128xf32, #tpu.memory_space<hbm>> -> memref<1x2x10240x128xf32, #tpu.memory_space<hbm>>
      %dma_start3A_56 = tpu.memref_squeeze %dma_start3A_55 : memref<1x2x10240x128xf32, #tpu.memory_space<hbm>> -> memref<2x10240x128xf32, #tpu.memory_space<hbm>>
      %dma_start3A_57 = arith.constant 0 : i32
      %dma_start3A_58 = arith.constant 0 : i32
      %dma_start3A_59 = tpu.memref_slice %dma_start3A_56[%arg0, %dma_start3A_57, %dma_start3A_58] : memref<2x10240x128xf32, #tpu.memory_space<hbm>> -> memref<1x10240x128xf32, #tpu.memory_space<hbm>>
      %dma_start3A_60 = tpu.memref_squeeze %dma_start3A_59 : memref<1x10240x128xf32, #tpu.memory_space<hbm>> -> memref<10240x128xf32, #tpu.memory_space<hbm>>
      %dma_start3A_61 = arith.constant 0 : i32
      %dma_start3A_62 = tpu.memref_slice %dma_start3A_60[%mul3A_49, %dma_start3A_61] : memref<10240x128xf32, #tpu.memory_space<hbm>> -> memref<640x128xf32, #tpu.memory_space<hbm>>
      %dma_start3A_63 = arith.constant 0 : i32
      %dma_start3A_64 = tpu.memref_slice %arg12[%mul3A_47, %dma_start3A_63] : memref<10240x128xf32, #tpu.memory_space<vmem_shared>> -> memref<640x128xf32, #tpu.memory_space<vmem_shared>>
      tpu.enqueue_dma source(%dma_start3A_64 : memref<640x128xf32, #tpu.memory_space<vmem_shared>>) target(%dma_start3A_62 : memref<640x128xf32, #tpu.memory_space<hbm>>) target_semaphore(%run_scoped3A_51 : memref<!tpu.dma_semaphore, #tpu.memory_space<semaphore_mem>>)
      %dma_wait3A_65 = arith.constant 0 : i32
      %dma_wait3A_66 = arith.constant 0 : i32
      %dma_wait3A_67 = arith.constant 0 : i32
      %dma_wait3A_68 = tpu.memref_slice %arg6[%add3A_1, %dma_wait3A_65, %dma_wait3A_66, %dma_wait3A_67] : memref<1x2x10240x128xf32, #tpu.memory_space<hbm>> -> memref<1x2x10240x128xf32, #tpu.memory_space<hbm>>
      %dma_wait3A_69 = tpu.memref_squeeze %dma_wait3A_68 : memref<1x2x10240x128xf32, #tpu.memory_space<hbm>> -> memref<2x10240x128xf32, #tpu.memory_space<hbm>>
      %dma_wait3A_70 = arith.constant 0 : i32
      %dma_wait3A_71 = arith.constant 0 : i32
      %dma_wait3A_72 = tpu.memref_slice %dma_wait3A_69[%arg0, %dma_wait3A_70, %dma_wait3A_71] : memref<2x10240x128xf32, #tpu.memory_space<hbm>> -> memref<1x10240x128xf32, #tpu.memory_space<hbm>>
      %dma_wait3A_73 = tpu.memref_squeeze %dma_wait3A_72 : memref<1x10240x128xf32, #tpu.memory_space<hbm>> -> memref<10240x128xf32, #tpu.memory_space<hbm>>
      %dma_wait3A_74 = arith.constant 0 : i32
      %dma_wait3A_75 = tpu.memref_slice %dma_wait3A_73[%mul3A_49, %dma_wait3A_74] : memref<10240x128xf32, #tpu.memory_space<hbm>> -> memref<640x128xf32, #tpu.memory_space<hbm>>
      %dma_wait3A_76 = arith.constant 0 : i32
      %dma_wait3A_77 = tpu.memref_slice %arg12[%mul3A_47, %dma_wait3A_76] : memref<10240x128xf32, #tpu.memory_space<vmem_shared>> -> memref<640x128xf32, #tpu.memory_space<vmem_shared>>
      tpu.wait_dma2 semaphore(%run_scoped3A_51 : memref<!tpu.dma_semaphore, #tpu.memory_space<semaphore_mem>>) src(%dma_wait3A_77 : memref<640x128xf32, #tpu.memory_space<vmem_shared>>) dst(%dma_wait3A_75 : memref<640x128xf32, #tpu.memory_space<hbm>>)
      tpu.yield
    }) : () -> ()
    %scan3A_50 = arith.constant 1 : i32
    return
  }
}

#map = affine_map<(d0, d1) -> (0, 0, 0)>
#map1 = affine_map<(d0, d1) -> (0, 0, 0, 0, 0)>
#map2 = affine_map<(d0, d1) -> (0, 0)>
#map3 = affine_map<(d0, d1) -> (0, 0, 0, 0)>
module attributes {stable_mosaic.version = 14 : i64} {
  func.func @_spmm(%arg0: i32, %arg1: i32, %arg2: memref<2x10240x128xf32, #tpu.memory_space<hbm>>, %arg3: memref<2x16x2x40x128xi32, #tpu.memory_space<hbm>>, %arg4: memref<2x16x2x40x128xi32, #tpu.memory_space<hbm>>, %arg5: memref<16x128xf32, #tpu.memory_space<hbm>>, %arg6: memref<2x2x10240x128xf32, #tpu.memory_space<hbm>>, %arg7: memref<40x128xi32, #tpu.memory_space<vmem>>, %arg8: memref<40x128xi32, #tpu.memory_space<vmem>>, %arg9: memref<128x128xf32, #tpu.memory_space<vmem>>, %arg10: memref<128x128xf32, #tpu.memory_space<vmem>>, %arg11: memref<16x128xf32, #tpu.memory_space<vmem>>, %arg12: memref<10240x128xf32, #tpu.memory_space<vmem_shared>>, %arg13: memref<!tpu.dma_semaphore, #tpu.memory_space<semaphore_mem>>, %arg14: memref<!tpu.dma_semaphore, #tpu.memory_space<semaphore_mem>>, %arg15: memref<!tpu.dma_semaphore, #tpu.memory_space<semaphore_mem>>) attributes {dimension_semantics = [#tpu.dimension_semantics<core_parallel>, #tpu.dimension_semantics<subcore_parallel>], iteration_bounds = array<i64: 2, 16>, scalar_prefetch = 0 : i64, scratch_operands = 9 : i64, tpu.core_type = #tpu.core_type<sc_vector_subcore>, window_params = [{transform_indices = #map}, {transform_indices = #map1}, {transform_indices = #map1}, {transform_indices = #map2}, {transform_indices = #map3}]} {
    "tpu.region"() ({
      %run_scoped3A = tpu.sem_alloc : memref<!tpu.dma_semaphore, #tpu.memory_space<semaphore_mem>>
      tpu.enqueue_dma source(%arg5 : memref<16x128xf32, #tpu.memory_space<hbm>>) target(%arg11 : memref<16x128xf32, #tpu.memory_space<vmem>>) target_semaphore(%run_scoped3A : memref<!tpu.dma_semaphore, #tpu.memory_space<semaphore_mem>>)
      tpu.wait_dma2 semaphore(%run_scoped3A : memref<!tpu.dma_semaphore, #tpu.memory_space<semaphore_mem>>) src(%arg5 : memref<16x128xf32, #tpu.memory_space<hbm>>) dst(%arg11 : memref<16x128xf32, #tpu.memory_space<vmem>>)
      tpu.yield
    }) : () -> ()
    %scan3A = arith.constant 0 : i32
    %scan3A_0 = arith.constant 2 : i32
    %scan3A_1 = arith.addi %scan3A, %scan3A_0 : i32
    %scan3A_2 = arith.constant 1 : i32
    scf.for %scan3A_4 = %scan3A to %scan3A_1 step %scan3A_2  : i32 {
      %mul3A = arith.constant 1 : i32
      %mul3A_5 = arith.muli %scan3A_4, %mul3A : i32
      %add3A = arith.constant 0 : i32
      %add3A_6 = arith.addi %add3A, %mul3A_5 : i32
      %scan3A_7 = arith.constant 0 : i32
      %scan3A_8 = arith.constant 40 : i32
      %scan3A_9 = arith.addi %scan3A_7, %scan3A_8 : i32
      %scan3A_10 = arith.constant 1 : i32
      scf.for %scan3A_55 = %scan3A_7 to %scan3A_9 step %scan3A_10  : i32 {
        %mul3A_56 = arith.constant 1 : i32
        %mul3A_57 = arith.muli %scan3A_55, %mul3A_56 : i32
        %add3A_58 = arith.constant 0 : i32
        %add3A_59 = arith.addi %add3A_58, %mul3A_57 : i32
        %mul3A_60 = arith.constant 640 : i32
        %mul3A_61 = arith.muli %arg1, %mul3A_60 : i32
        %mul3A_62 = arith.constant 16 : i32
        %mul3A_63 = arith.muli %add3A_59, %mul3A_62 : i32
        %add3A_64 = arith.addi %mul3A_61, %mul3A_63 : i32
        %dma_start3A_65 = arith.constant 0 : i32
        %dma_start3A_66 = tpu.memref_slice %arg12[%add3A_64, %dma_start3A_65] : memref<10240x128xf32, #tpu.memory_space<vmem_shared>> -> memref<16x128xf32, #tpu.memory_space<vmem_shared>>
        %dma_start3A_67 = arith.constant 0 : i32
        %dma_start3A_68 = tpu.memref_slice %arg12[%add3A_64, %dma_start3A_67] : memref<10240x128xf32, #tpu.memory_space<vmem_shared>> -> memref<16x128xf32, #tpu.memory_space<vmem_shared>>
        tpu.enqueue_dma source(%arg11 : memref<16x128xf32, #tpu.memory_space<vmem>>) target(%dma_start3A_68 : memref<16x128xf32, #tpu.memory_space<vmem_shared>>) target_semaphore(%arg15 : memref<!tpu.dma_semaphore, #tpu.memory_space<semaphore_mem>>)
      }
      %scan3A_11 = arith.constant 40 : i32
      %run_scoped3A = arith.constant 0 : i32
      "tpu.region"() ({
        %run_scoped3A_55 = tpu.sem_alloc : memref<!tpu.dma_semaphore, #tpu.memory_space<semaphore_mem>>
        %dma_start3A_56 = arith.constant 0 : i32
        %dma_start3A_57 = arith.constant 0 : i32
        %dma_start3A_58 = arith.constant 0 : i32
        %dma_start3A_59 = arith.constant 0 : i32
        %dma_start3A_60 = tpu.memref_slice %arg3[%arg0, %dma_start3A_56, %dma_start3A_57, %dma_start3A_58, %dma_start3A_59] : memref<2x16x2x40x128xi32, #tpu.memory_space<hbm>> -> memref<1x16x2x40x128xi32, #tpu.memory_space<hbm>>
        %dma_start3A_61 = tpu.memref_squeeze %dma_start3A_60 : memref<1x16x2x40x128xi32, #tpu.memory_space<hbm>> -> memref<16x2x40x128xi32, #tpu.memory_space<hbm>>
        %dma_start3A_62 = arith.constant 0 : i32
        %dma_start3A_63 = arith.constant 0 : i32
        %dma_start3A_64 = arith.constant 0 : i32
        %dma_start3A_65 = tpu.memref_slice %dma_start3A_61[%arg1, %dma_start3A_62, %dma_start3A_63, %dma_start3A_64] : memref<16x2x40x128xi32, #tpu.memory_space<hbm>> -> memref<1x2x40x128xi32, #tpu.memory_space<hbm>>
        %dma_start3A_66 = tpu.memref_squeeze %dma_start3A_65 : memref<1x2x40x128xi32, #tpu.memory_space<hbm>> -> memref<2x40x128xi32, #tpu.memory_space<hbm>>
        %dma_start3A_67 = arith.constant 0 : i32
        %dma_start3A_68 = arith.constant 0 : i32
        %dma_start3A_69 = tpu.memref_slice %dma_start3A_66[%run_scoped3A, %dma_start3A_67, %dma_start3A_68] : memref<2x40x128xi32, #tpu.memory_space<hbm>> -> memref<1x40x128xi32, #tpu.memory_space<hbm>>
        %dma_start3A_70 = tpu.memref_squeeze %dma_start3A_69 : memref<1x40x128xi32, #tpu.memory_space<hbm>> -> memref<40x128xi32, #tpu.memory_space<hbm>>
        %dma_start3A_71 = arith.constant 0 : i32
        %dma_start3A_72 = arith.constant 0 : i32
        %dma_start3A_73 = arith.constant 0 : i32
        %dma_start3A_74 = arith.constant 0 : i32
        %dma_start3A_75 = tpu.memref_slice %arg3[%arg0, %dma_start3A_71, %dma_start3A_72, %dma_start3A_73, %dma_start3A_74] : memref<2x16x2x40x128xi32, #tpu.memory_space<hbm>> -> memref<1x16x2x40x128xi32, #tpu.memory_space<hbm>>
        %dma_start3A_76 = tpu.memref_squeeze %dma_start3A_75 : memref<1x16x2x40x128xi32, #tpu.memory_space<hbm>> -> memref<16x2x40x128xi32, #tpu.memory_space<hbm>>
        %dma_start3A_77 = arith.constant 0 : i32
        %dma_start3A_78 = arith.constant 0 : i32
        %dma_start3A_79 = arith.constant 0 : i32
        %dma_start3A_80 = tpu.memref_slice %dma_start3A_76[%arg1, %dma_start3A_77, %dma_start3A_78, %dma_start3A_79] : memref<16x2x40x128xi32, #tpu.memory_space<hbm>> -> memref<1x2x40x128xi32, #tpu.memory_space<hbm>>
        %dma_start3A_81 = tpu.memref_squeeze %dma_start3A_80 : memref<1x2x40x128xi32, #tpu.memory_space<hbm>> -> memref<2x40x128xi32, #tpu.memory_space<hbm>>
        %dma_start3A_82 = arith.constant 0 : i32
        %dma_start3A_83 = arith.constant 0 : i32
        %dma_start3A_84 = tpu.memref_slice %dma_start3A_81[%run_scoped3A, %dma_start3A_82, %dma_start3A_83] : memref<2x40x128xi32, #tpu.memory_space<hbm>> -> memref<1x40x128xi32, #tpu.memory_space<hbm>>
        %dma_start3A_85 = tpu.memref_squeeze %dma_start3A_84 : memref<1x40x128xi32, #tpu.memory_space<hbm>> -> memref<40x128xi32, #tpu.memory_space<hbm>>
        tpu.enqueue_dma source(%dma_start3A_85 : memref<40x128xi32, #tpu.memory_space<hbm>>) target(%arg7 : memref<40x128xi32, #tpu.memory_space<vmem>>) target_semaphore(%run_scoped3A_55 : memref<!tpu.dma_semaphore, #tpu.memory_space<semaphore_mem>>)
        %dma_wait3A_86 = arith.constant 0 : i32
        %dma_wait3A_87 = arith.constant 0 : i32
        %dma_wait3A_88 = arith.constant 0 : i32
        %dma_wait3A_89 = arith.constant 0 : i32
        %dma_wait3A_90 = tpu.memref_slice %arg3[%arg0, %dma_wait3A_86, %dma_wait3A_87, %dma_wait3A_88, %dma_wait3A_89] : memref<2x16x2x40x128xi32, #tpu.memory_space<hbm>> -> memref<1x16x2x40x128xi32, #tpu.memory_space<hbm>>
        %dma_wait3A_91 = tpu.memref_squeeze %dma_wait3A_90 : memref<1x16x2x40x128xi32, #tpu.memory_space<hbm>> -> memref<16x2x40x128xi32, #tpu.memory_space<hbm>>
        %dma_wait3A_92 = arith.constant 0 : i32
        %dma_wait3A_93 = arith.constant 0 : i32
        %dma_wait3A_94 = arith.constant 0 : i32
        %dma_wait3A_95 = tpu.memref_slice %dma_wait3A_91[%arg1, %dma_wait3A_92, %dma_wait3A_93, %dma_wait3A_94] : memref<16x2x40x128xi32, #tpu.memory_space<hbm>> -> memref<1x2x40x128xi32, #tpu.memory_space<hbm>>
        %dma_wait3A_96 = tpu.memref_squeeze %dma_wait3A_95 : memref<1x2x40x128xi32, #tpu.memory_space<hbm>> -> memref<2x40x128xi32, #tpu.memory_space<hbm>>
        %dma_wait3A_97 = arith.constant 0 : i32
        %dma_wait3A_98 = arith.constant 0 : i32
        %dma_wait3A_99 = tpu.memref_slice %dma_wait3A_96[%run_scoped3A, %dma_wait3A_97, %dma_wait3A_98] : memref<2x40x128xi32, #tpu.memory_space<hbm>> -> memref<1x40x128xi32, #tpu.memory_space<hbm>>
        %dma_wait3A_100 = tpu.memref_squeeze %dma_wait3A_99 : memref<1x40x128xi32, #tpu.memory_space<hbm>> -> memref<40x128xi32, #tpu.memory_space<hbm>>
        %dma_wait3A_101 = arith.constant 0 : i32
        %dma_wait3A_102 = arith.constant 0 : i32
        %dma_wait3A_103 = arith.constant 0 : i32
        %dma_wait3A_104 = arith.constant 0 : i32
        %dma_wait3A_105 = tpu.memref_slice %arg3[%arg0, %dma_wait3A_101, %dma_wait3A_102, %dma_wait3A_103, %dma_wait3A_104] : memref<2x16x2x40x128xi32, #tpu.memory_space<hbm>> -> memref<1x16x2x40x128xi32, #tpu.memory_space<hbm>>
        %dma_wait3A_106 = tpu.memref_squeeze %dma_wait3A_105 : memref<1x16x2x40x128xi32, #tpu.memory_space<hbm>> -> memref<16x2x40x128xi32, #tpu.memory_space<hbm>>
        %dma_wait3A_107 = arith.constant 0 : i32
        %dma_wait3A_108 = arith.constant 0 : i32
        %dma_wait3A_109 = arith.constant 0 : i32
        %dma_wait3A_110 = tpu.memref_slice %dma_wait3A_106[%arg1, %dma_wait3A_107, %dma_wait3A_108, %dma_wait3A_109] : memref<16x2x40x128xi32, #tpu.memory_space<hbm>> -> memref<1x2x40x128xi32, #tpu.memory_space<hbm>>
        %dma_wait3A_111 = tpu.memref_squeeze %dma_wait3A_110 : memref<1x2x40x128xi32, #tpu.memory_space<hbm>> -> memref<2x40x128xi32, #tpu.memory_space<hbm>>
        %dma_wait3A_112 = arith.constant 0 : i32
        %dma_wait3A_113 = arith.constant 0 : i32
        %dma_wait3A_114 = tpu.memref_slice %dma_wait3A_111[%run_scoped3A, %dma_wait3A_112, %dma_wait3A_113] : memref<2x40x128xi32, #tpu.memory_space<hbm>> -> memref<1x40x128xi32, #tpu.memory_space<hbm>>
        %dma_wait3A_115 = tpu.memref_squeeze %dma_wait3A_114 : memref<1x40x128xi32, #tpu.memory_space<hbm>> -> memref<40x128xi32, #tpu.memory_space<hbm>>
        tpu.wait_dma2 semaphore(%run_scoped3A_55 : memref<!tpu.dma_semaphore, #tpu.memory_space<semaphore_mem>>) src(%dma_wait3A_115 : memref<40x128xi32, #tpu.memory_space<hbm>>) dst(%arg7 : memref<40x128xi32, #tpu.memory_space<vmem>>)
        tpu.yield
      }) : () -> ()
      %run_scoped3A_12 = arith.constant 0 : i32
      "tpu.region"() ({
        %run_scoped3A_55 = tpu.sem_alloc : memref<!tpu.dma_semaphore, #tpu.memory_space<semaphore_mem>>
        %dma_start3A_56 = arith.constant 0 : i32
        %dma_start3A_57 = arith.constant 0 : i32
        %dma_start3A_58 = arith.constant 0 : i32
        %dma_start3A_59 = arith.constant 0 : i32
        %dma_start3A_60 = tpu.memref_slice %arg4[%arg0, %dma_start3A_56, %dma_start3A_57, %dma_start3A_58, %dma_start3A_59] : memref<2x16x2x40x128xi32, #tpu.memory_space<hbm>> -> memref<1x16x2x40x128xi32, #tpu.memory_space<hbm>>
        %dma_start3A_61 = tpu.memref_squeeze %dma_start3A_60 : memref<1x16x2x40x128xi32, #tpu.memory_space<hbm>> -> memref<16x2x40x128xi32, #tpu.memory_space<hbm>>
        %dma_start3A_62 = arith.constant 0 : i32
        %dma_start3A_63 = arith.constant 0 : i32
        %dma_start3A_64 = arith.constant 0 : i32
        %dma_start3A_65 = tpu.memref_slice %dma_start3A_61[%arg1, %dma_start3A_62, %dma_start3A_63, %dma_start3A_64] : memref<16x2x40x128xi32, #tpu.memory_space<hbm>> -> memref<1x2x40x128xi32, #tpu.memory_space<hbm>>
        %dma_start3A_66 = tpu.memref_squeeze %dma_start3A_65 : memref<1x2x40x128xi32, #tpu.memory_space<hbm>> -> memref<2x40x128xi32, #tpu.memory_space<hbm>>
        %dma_start3A_67 = arith.constant 0 : i32
        %dma_start3A_68 = arith.constant 0 : i32
        %dma_start3A_69 = tpu.memref_slice %dma_start3A_66[%run_scoped3A_12, %dma_start3A_67, %dma_start3A_68] : memref<2x40x128xi32, #tpu.memory_space<hbm>> -> memref<1x40x128xi32, #tpu.memory_space<hbm>>
        %dma_start3A_70 = tpu.memref_squeeze %dma_start3A_69 : memref<1x40x128xi32, #tpu.memory_space<hbm>> -> memref<40x128xi32, #tpu.memory_space<hbm>>
        %dma_start3A_71 = arith.constant 0 : i32
        %dma_start3A_72 = arith.constant 0 : i32
        %dma_start3A_73 = arith.constant 0 : i32
        %dma_start3A_74 = arith.constant 0 : i32
        %dma_start3A_75 = tpu.memref_slice %arg4[%arg0, %dma_start3A_71, %dma_start3A_72, %dma_start3A_73, %dma_start3A_74] : memref<2x16x2x40x128xi32, #tpu.memory_space<hbm>> -> memref<1x16x2x40x128xi32, #tpu.memory_space<hbm>>
        %dma_start3A_76 = tpu.memref_squeeze %dma_start3A_75 : memref<1x16x2x40x128xi32, #tpu.memory_space<hbm>> -> memref<16x2x40x128xi32, #tpu.memory_space<hbm>>
        %dma_start3A_77 = arith.constant 0 : i32
        %dma_start3A_78 = arith.constant 0 : i32
        %dma_start3A_79 = arith.constant 0 : i32
        %dma_start3A_80 = tpu.memref_slice %dma_start3A_76[%arg1, %dma_start3A_77, %dma_start3A_78, %dma_start3A_79] : memref<16x2x40x128xi32, #tpu.memory_space<hbm>> -> memref<1x2x40x128xi32, #tpu.memory_space<hbm>>
        %dma_start3A_81 = tpu.memref_squeeze %dma_start3A_80 : memref<1x2x40x128xi32, #tpu.memory_space<hbm>> -> memref<2x40x128xi32, #tpu.memory_space<hbm>>
        %dma_start3A_82 = arith.constant 0 : i32
        %dma_start3A_83 = arith.constant 0 : i32
        %dma_start3A_84 = tpu.memref_slice %dma_start3A_81[%run_scoped3A_12, %dma_start3A_82, %dma_start3A_83] : memref<2x40x128xi32, #tpu.memory_space<hbm>> -> memref<1x40x128xi32, #tpu.memory_space<hbm>>
        %dma_start3A_85 = tpu.memref_squeeze %dma_start3A_84 : memref<1x40x128xi32, #tpu.memory_space<hbm>> -> memref<40x128xi32, #tpu.memory_space<hbm>>
        tpu.enqueue_dma source(%dma_start3A_85 : memref<40x128xi32, #tpu.memory_space<hbm>>) target(%arg8 : memref<40x128xi32, #tpu.memory_space<vmem>>) target_semaphore(%run_scoped3A_55 : memref<!tpu.dma_semaphore, #tpu.memory_space<semaphore_mem>>)
        %dma_wait3A_86 = arith.constant 0 : i32
        %dma_wait3A_87 = arith.constant 0 : i32
        %dma_wait3A_88 = arith.constant 0 : i32
        %dma_wait3A_89 = arith.constant 0 : i32
        %dma_wait3A_90 = tpu.memref_slice %arg4[%arg0, %dma_wait3A_86, %dma_wait3A_87, %dma_wait3A_88, %dma_wait3A_89] : memref<2x16x2x40x128xi32, #tpu.memory_space<hbm>> -> memref<1x16x2x40x128xi32, #tpu.memory_space<hbm>>
        %dma_wait3A_91 = tpu.memref_squeeze %dma_wait3A_90 : memref<1x16x2x40x128xi32, #tpu.memory_space<hbm>> -> memref<16x2x40x128xi32, #tpu.memory_space<hbm>>
        %dma_wait3A_92 = arith.constant 0 : i32
        %dma_wait3A_93 = arith.constant 0 : i32
        %dma_wait3A_94 = arith.constant 0 : i32
        %dma_wait3A_95 = tpu.memref_slice %dma_wait3A_91[%arg1, %dma_wait3A_92, %dma_wait3A_93, %dma_wait3A_94] : memref<16x2x40x128xi32, #tpu.memory_space<hbm>> -> memref<1x2x40x128xi32, #tpu.memory_space<hbm>>
        %dma_wait3A_96 = tpu.memref_squeeze %dma_wait3A_95 : memref<1x2x40x128xi32, #tpu.memory_space<hbm>> -> memref<2x40x128xi32, #tpu.memory_space<hbm>>
        %dma_wait3A_97 = arith.constant 0 : i32
        %dma_wait3A_98 = arith.constant 0 : i32
        %dma_wait3A_99 = tpu.memref_slice %dma_wait3A_96[%run_scoped3A_12, %dma_wait3A_97, %dma_wait3A_98] : memref<2x40x128xi32, #tpu.memory_space<hbm>> -> memref<1x40x128xi32, #tpu.memory_space<hbm>>
        %dma_wait3A_100 = tpu.memref_squeeze %dma_wait3A_99 : memref<1x40x128xi32, #tpu.memory_space<hbm>> -> memref<40x128xi32, #tpu.memory_space<hbm>>
        %dma_wait3A_101 = arith.constant 0 : i32
        %dma_wait3A_102 = arith.constant 0 : i32
        %dma_wait3A_103 = arith.constant 0 : i32
        %dma_wait3A_104 = arith.constant 0 : i32
        %dma_wait3A_105 = tpu.memref_slice %arg4[%arg0, %dma_wait3A_101, %dma_wait3A_102, %dma_wait3A_103, %dma_wait3A_104] : memref<2x16x2x40x128xi32, #tpu.memory_space<hbm>> -> memref<1x16x2x40x128xi32, #tpu.memory_space<hbm>>
        %dma_wait3A_106 = tpu.memref_squeeze %dma_wait3A_105 : memref<1x16x2x40x128xi32, #tpu.memory_space<hbm>> -> memref<16x2x40x128xi32, #tpu.memory_space<hbm>>
        %dma_wait3A_107 = arith.constant 0 : i32
        %dma_wait3A_108 = arith.constant 0 : i32
        %dma_wait3A_109 = arith.constant 0 : i32
        %dma_wait3A_110 = tpu.memref_slice %dma_wait3A_106[%arg1, %dma_wait3A_107, %dma_wait3A_108, %dma_wait3A_109] : memref<16x2x40x128xi32, #tpu.memory_space<hbm>> -> memref<1x2x40x128xi32, #tpu.memory_space<hbm>>
        %dma_wait3A_111 = tpu.memref_squeeze %dma_wait3A_110 : memref<1x2x40x128xi32, #tpu.memory_space<hbm>> -> memref<2x40x128xi32, #tpu.memory_space<hbm>>
        %dma_wait3A_112 = arith.constant 0 : i32
        %dma_wait3A_113 = arith.constant 0 : i32
        %dma_wait3A_114 = tpu.memref_slice %dma_wait3A_111[%run_scoped3A_12, %dma_wait3A_112, %dma_wait3A_113] : memref<2x40x128xi32, #tpu.memory_space<hbm>> -> memref<1x40x128xi32, #tpu.memory_space<hbm>>
        %dma_wait3A_115 = tpu.memref_squeeze %dma_wait3A_114 : memref<1x40x128xi32, #tpu.memory_space<hbm>> -> memref<40x128xi32, #tpu.memory_space<hbm>>
        tpu.wait_dma2 semaphore(%run_scoped3A_55 : memref<!tpu.dma_semaphore, #tpu.memory_space<semaphore_mem>>) src(%dma_wait3A_115 : memref<40x128xi32, #tpu.memory_space<hbm>>) dst(%arg8 : memref<40x128xi32, #tpu.memory_space<vmem>>)
        tpu.yield
      }) : () -> ()
      %dma_start3A = arith.constant 0 : i32
      %dma_start3A_13 = arith.constant 0 : i32
      %dma_start3A_14 = tpu.memref_slice %arg7[%dma_start3A, %dma_start3A_13] : memref<40x128xi32, #tpu.memory_space<vmem>> -> memref<1x128xi32, #tpu.memory_space<vmem>>
      %dma_start3A_15 = tpu.memref_squeeze %dma_start3A_14 : memref<1x128xi32, #tpu.memory_space<vmem>> -> memref<128xi32, #tpu.memory_space<vmem>>
      %dma_start3A_16 = arith.constant 0 : i32
      %dma_start3A_17 = arith.constant 0 : i32
      %dma_start3A_18 = tpu.memref_slice %arg2[%add3A_6, %dma_start3A_16, %dma_start3A_17] : memref<2x10240x128xf32, #tpu.memory_space<hbm>> -> memref<1x10240x128xf32, #tpu.memory_space<hbm>>
      %dma_start3A_19 = tpu.memref_squeeze %dma_start3A_18 : memref<1x10240x128xf32, #tpu.memory_space<hbm>> -> memref<10240x128xf32, #tpu.memory_space<hbm>>
      %dma_start3A_20 = arith.constant 0 : i32
      %dma_start3A_21 = arith.constant 0 : i32
      %dma_start3A_22 = tpu.memref_slice %dma_start3A_19[%dma_start3A_20, %dma_start3A_21] : memref<10240x128xf32, #tpu.memory_space<hbm>> -> memref<10240x128xf32, #tpu.memory_space<hbm>>
      tpu.enqueue_indirect_dma source(%dma_start3A_22 : memref<10240x128xf32, #tpu.memory_space<hbm>>) target(%arg9 : memref<128x128xf32, #tpu.memory_space<vmem>>) offsets(%dma_start3A_15 : memref<128xi32, #tpu.memory_space<vmem>>) semaphore(%arg13 : memref<!tpu.dma_semaphore, #tpu.memory_space<semaphore_mem>>)
      %dma_start3A_23 = arith.constant 1 : i32
      %dma_start3A_24 = arith.constant 0 : i32
      %dma_start3A_25 = tpu.memref_slice %arg7[%dma_start3A_23, %dma_start3A_24] : memref<40x128xi32, #tpu.memory_space<vmem>> -> memref<1x128xi32, #tpu.memory_space<vmem>>
      %dma_start3A_26 = tpu.memref_squeeze %dma_start3A_25 : memref<1x128xi32, #tpu.memory_space<vmem>> -> memref<128xi32, #tpu.memory_space<vmem>>
      %dma_start3A_27 = arith.constant 0 : i32
      %dma_start3A_28 = arith.constant 0 : i32
      %dma_start3A_29 = tpu.memref_slice %arg2[%add3A_6, %dma_start3A_27, %dma_start3A_28] : memref<2x10240x128xf32, #tpu.memory_space<hbm>> -> memref<1x10240x128xf32, #tpu.memory_space<hbm>>
      %dma_start3A_30 = tpu.memref_squeeze %dma_start3A_29 : memref<1x10240x128xf32, #tpu.memory_space<hbm>> -> memref<10240x128xf32, #tpu.memory_space<hbm>>
      %dma_start3A_31 = arith.constant 0 : i32
      %dma_start3A_32 = arith.constant 0 : i32
      %dma_start3A_33 = tpu.memref_slice %dma_start3A_30[%dma_start3A_31, %dma_start3A_32] : memref<10240x128xf32, #tpu.memory_space<hbm>> -> memref<10240x128xf32, #tpu.memory_space<hbm>>
      tpu.enqueue_indirect_dma source(%dma_start3A_33 : memref<10240x128xf32, #tpu.memory_space<hbm>>) target(%arg10 : memref<128x128xf32, #tpu.memory_space<vmem>>) offsets(%dma_start3A_26 : memref<128xi32, #tpu.memory_space<vmem>>) semaphore(%arg14 : memref<!tpu.dma_semaphore, #tpu.memory_space<semaphore_mem>>)
      %mul3A_34 = arith.constant 640 : i32
      %mul3A_35 = arith.muli %arg1, %mul3A_34 : i32
      %dma_wait3A = arith.constant 0 : i32
      %dma_wait3A_36 = arith.constant 0 : i32
      %dma_wait3A_37 = tpu.memref_slice %arg12[%mul3A_35, %dma_wait3A_36] : memref<10240x128xf32, #tpu.memory_space<vmem_shared>> -> memref<640x128xf32, #tpu.memory_space<vmem_shared>>
      %dma_wait3A_38 = arith.constant 0 : i32
      %dma_wait3A_39 = arith.constant 0 : i32
      %dma_wait3A_40 = tpu.memref_slice %arg2[%dma_wait3A, %dma_wait3A_38, %dma_wait3A_39] : memref<2x10240x128xf32, #tpu.memory_space<hbm>> -> memref<1x10240x128xf32, #tpu.memory_space<hbm>>
      %dma_wait3A_41 = tpu.memref_squeeze %dma_wait3A_40 : memref<1x10240x128xf32, #tpu.memory_space<hbm>> -> memref<10240x128xf32, #tpu.memory_space<hbm>>
      %dma_wait3A_42 = arith.constant 0 : i32
      %dma_wait3A_43 = arith.constant 0 : i32
      %dma_wait3A_44 = tpu.memref_slice %dma_wait3A_41[%dma_wait3A_42, %dma_wait3A_43] : memref<10240x128xf32, #tpu.memory_space<hbm>> -> memref<640x128xf32, #tpu.memory_space<hbm>>
      tpu.wait_dma2 semaphore(%arg15 : memref<!tpu.dma_semaphore, #tpu.memory_space<semaphore_mem>>) src(%dma_wait3A_44 : memref<640x128xf32, #tpu.memory_space<hbm>>) dst(%dma_wait3A_37 : memref<640x128xf32, #tpu.memory_space<vmem_shared>>)
      %barrier3A = arith.constant 0 : index
      tpu.barrier barrier_id(%barrier3A)
      %scan3A_45 = arith.constant 0 : i32
      %scan3A_46 = arith.constant 2 : i32
      %scan3A_47 = arith.addi %scan3A_45, %scan3A_46 : i32
      %scan3A_48 = arith.constant 1 : i32
      scf.for %scan3A_55 = %scan3A_45 to %scan3A_47 step %scan3A_48  : i32 {
        %mul3A_56 = arith.constant 1 : i32
        %mul3A_57 = arith.muli %scan3A_55, %mul3A_56 : i32
        %add3A_58 = arith.constant 0 : i32
        %add3A_59 = arith.addi %add3A_58, %mul3A_57 : i32
        %eq3A = arith.constant 1 : i32
        %eq3A_60 = arith.cmpi eq, %add3A_59, %eq3A : i32
        %convert_element_type3A = arith.extui %eq3A_60 : i1 to i32
        %cond3A = arith.constant 0 : i32
        %cond3A_61 = arith.cmpi ne, %convert_element_type3A, %cond3A : i32
        scf.if %cond3A_61 {
          %run_scoped3A_67 = arith.constant 1 : i32
          "tpu.region"() ({
            %run_scoped3A_91 = tpu.sem_alloc : memref<!tpu.dma_semaphore, #tpu.memory_space<semaphore_mem>>
            %dma_start3A_92 = arith.constant 0 : i32
            %dma_start3A_93 = arith.constant 0 : i32
            %dma_start3A_94 = arith.constant 0 : i32
            %dma_start3A_95 = arith.constant 0 : i32
            %dma_start3A_96 = tpu.memref_slice %arg3[%arg0, %dma_start3A_92, %dma_start3A_93, %dma_start3A_94, %dma_start3A_95] : memref<2x16x2x40x128xi32, #tpu.memory_space<hbm>> -> memref<1x16x2x40x128xi32, #tpu.memory_space<hbm>>
            %dma_start3A_97 = tpu.memref_squeeze %dma_start3A_96 : memref<1x16x2x40x128xi32, #tpu.memory_space<hbm>> -> memref<16x2x40x128xi32, #tpu.memory_space<hbm>>
            %dma_start3A_98 = arith.constant 0 : i32
            %dma_start3A_99 = arith.constant 0 : i32
            %dma_start3A_100 = arith.constant 0 : i32
            %dma_start3A_101 = tpu.memref_slice %dma_start3A_97[%arg1, %dma_start3A_98, %dma_start3A_99, %dma_start3A_100] : memref<16x2x40x128xi32, #tpu.memory_space<hbm>> -> memref<1x2x40x128xi32, #tpu.memory_space<hbm>>
            %dma_start3A_102 = tpu.memref_squeeze %dma_start3A_101 : memref<1x2x40x128xi32, #tpu.memory_space<hbm>> -> memref<2x40x128xi32, #tpu.memory_space<hbm>>
            %dma_start3A_103 = arith.constant 0 : i32
            %dma_start3A_104 = arith.constant 0 : i32
            %dma_start3A_105 = tpu.memref_slice %dma_start3A_102[%run_scoped3A_67, %dma_start3A_103, %dma_start3A_104] : memref<2x40x128xi32, #tpu.memory_space<hbm>> -> memref<1x40x128xi32, #tpu.memory_space<hbm>>
            %dma_start3A_106 = tpu.memref_squeeze %dma_start3A_105 : memref<1x40x128xi32, #tpu.memory_space<hbm>> -> memref<40x128xi32, #tpu.memory_space<hbm>>
            %dma_start3A_107 = arith.constant 0 : i32
            %dma_start3A_108 = arith.constant 0 : i32
            %dma_start3A_109 = arith.constant 0 : i32
            %dma_start3A_110 = arith.constant 0 : i32
            %dma_start3A_111 = tpu.memref_slice %arg3[%arg0, %dma_start3A_107, %dma_start3A_108, %dma_start3A_109, %dma_start3A_110] : memref<2x16x2x40x128xi32, #tpu.memory_space<hbm>> -> memref<1x16x2x40x128xi32, #tpu.memory_space<hbm>>
            %dma_start3A_112 = tpu.memref_squeeze %dma_start3A_111 : memref<1x16x2x40x128xi32, #tpu.memory_space<hbm>> -> memref<16x2x40x128xi32, #tpu.memory_space<hbm>>
            %dma_start3A_113 = arith.constant 0 : i32
            %dma_start3A_114 = arith.constant 0 : i32
            %dma_start3A_115 = arith.constant 0 : i32
            %dma_start3A_116 = tpu.memref_slice %dma_start3A_112[%arg1, %dma_start3A_113, %dma_start3A_114, %dma_start3A_115] : memref<16x2x40x128xi32, #tpu.memory_space<hbm>> -> memref<1x2x40x128xi32, #tpu.memory_space<hbm>>
            %dma_start3A_117 = tpu.memref_squeeze %dma_start3A_116 : memref<1x2x40x128xi32, #tpu.memory_space<hbm>> -> memref<2x40x128xi32, #tpu.memory_space<hbm>>
            %dma_start3A_118 = arith.constant 0 : i32
            %dma_start3A_119 = arith.constant 0 : i32
            %dma_start3A_120 = tpu.memref_slice %dma_start3A_117[%run_scoped3A_67, %dma_start3A_118, %dma_start3A_119] : memref<2x40x128xi32, #tpu.memory_space<hbm>> -> memref<1x40x128xi32, #tpu.memory_space<hbm>>
            %dma_start3A_121 = tpu.memref_squeeze %dma_start3A_120 : memref<1x40x128xi32, #tpu.memory_space<hbm>> -> memref<40x128xi32, #tpu.memory_space<hbm>>
            tpu.enqueue_dma source(%dma_start3A_121 : memref<40x128xi32, #tpu.memory_space<hbm>>) target(%arg7 : memref<40x128xi32, #tpu.memory_space<vmem>>) target_semaphore(%run_scoped3A_91 : memref<!tpu.dma_semaphore, #tpu.memory_space<semaphore_mem>>)
            %dma_wait3A_122 = arith.constant 0 : i32
            %dma_wait3A_123 = arith.constant 0 : i32
            %dma_wait3A_124 = arith.constant 0 : i32
            %dma_wait3A_125 = arith.constant 0 : i32
            %dma_wait3A_126 = tpu.memref_slice %arg3[%arg0, %dma_wait3A_122, %dma_wait3A_123, %dma_wait3A_124, %dma_wait3A_125] : memref<2x16x2x40x128xi32, #tpu.memory_space<hbm>> -> memref<1x16x2x40x128xi32, #tpu.memory_space<hbm>>
            %dma_wait3A_127 = tpu.memref_squeeze %dma_wait3A_126 : memref<1x16x2x40x128xi32, #tpu.memory_space<hbm>> -> memref<16x2x40x128xi32, #tpu.memory_space<hbm>>
            %dma_wait3A_128 = arith.constant 0 : i32
            %dma_wait3A_129 = arith.constant 0 : i32
            %dma_wait3A_130 = arith.constant 0 : i32
            %dma_wait3A_131 = tpu.memref_slice %dma_wait3A_127[%arg1, %dma_wait3A_128, %dma_wait3A_129, %dma_wait3A_130] : memref<16x2x40x128xi32, #tpu.memory_space<hbm>> -> memref<1x2x40x128xi32, #tpu.memory_space<hbm>>
            %dma_wait3A_132 = tpu.memref_squeeze %dma_wait3A_131 : memref<1x2x40x128xi32, #tpu.memory_space<hbm>> -> memref<2x40x128xi32, #tpu.memory_space<hbm>>
            %dma_wait3A_133 = arith.constant 0 : i32
            %dma_wait3A_134 = arith.constant 0 : i32
            %dma_wait3A_135 = tpu.memref_slice %dma_wait3A_132[%run_scoped3A_67, %dma_wait3A_133, %dma_wait3A_134] : memref<2x40x128xi32, #tpu.memory_space<hbm>> -> memref<1x40x128xi32, #tpu.memory_space<hbm>>
            %dma_wait3A_136 = tpu.memref_squeeze %dma_wait3A_135 : memref<1x40x128xi32, #tpu.memory_space<hbm>> -> memref<40x128xi32, #tpu.memory_space<hbm>>
            %dma_wait3A_137 = arith.constant 0 : i32
            %dma_wait3A_138 = arith.constant 0 : i32
            %dma_wait3A_139 = arith.constant 0 : i32
            %dma_wait3A_140 = arith.constant 0 : i32
            %dma_wait3A_141 = tpu.memref_slice %arg3[%arg0, %dma_wait3A_137, %dma_wait3A_138, %dma_wait3A_139, %dma_wait3A_140] : memref<2x16x2x40x128xi32, #tpu.memory_space<hbm>> -> memref<1x16x2x40x128xi32, #tpu.memory_space<hbm>>
            %dma_wait3A_142 = tpu.memref_squeeze %dma_wait3A_141 : memref<1x16x2x40x128xi32, #tpu.memory_space<hbm>> -> memref<16x2x40x128xi32, #tpu.memory_space<hbm>>
            %dma_wait3A_143 = arith.constant 0 : i32
            %dma_wait3A_144 = arith.constant 0 : i32
            %dma_wait3A_145 = arith.constant 0 : i32
            %dma_wait3A_146 = tpu.memref_slice %dma_wait3A_142[%arg1, %dma_wait3A_143, %dma_wait3A_144, %dma_wait3A_145] : memref<16x2x40x128xi32, #tpu.memory_space<hbm>> -> memref<1x2x40x128xi32, #tpu.memory_space<hbm>>
            %dma_wait3A_147 = tpu.memref_squeeze %dma_wait3A_146 : memref<1x2x40x128xi32, #tpu.memory_space<hbm>> -> memref<2x40x128xi32, #tpu.memory_space<hbm>>
            %dma_wait3A_148 = arith.constant 0 : i32
            %dma_wait3A_149 = arith.constant 0 : i32
            %dma_wait3A_150 = tpu.memref_slice %dma_wait3A_147[%run_scoped3A_67, %dma_wait3A_148, %dma_wait3A_149] : memref<2x40x128xi32, #tpu.memory_space<hbm>> -> memref<1x40x128xi32, #tpu.memory_space<hbm>>
            %dma_wait3A_151 = tpu.memref_squeeze %dma_wait3A_150 : memref<1x40x128xi32, #tpu.memory_space<hbm>> -> memref<40x128xi32, #tpu.memory_space<hbm>>
            tpu.wait_dma2 semaphore(%run_scoped3A_91 : memref<!tpu.dma_semaphore, #tpu.memory_space<semaphore_mem>>) src(%dma_wait3A_151 : memref<40x128xi32, #tpu.memory_space<hbm>>) dst(%arg7 : memref<40x128xi32, #tpu.memory_space<vmem>>)
            tpu.yield
          }) : () -> ()
          %run_scoped3A_68 = arith.constant 1 : i32
          "tpu.region"() ({
            %run_scoped3A_91 = tpu.sem_alloc : memref<!tpu.dma_semaphore, #tpu.memory_space<semaphore_mem>>
            %dma_start3A_92 = arith.constant 0 : i32
            %dma_start3A_93 = arith.constant 0 : i32
            %dma_start3A_94 = arith.constant 0 : i32
            %dma_start3A_95 = arith.constant 0 : i32
            %dma_start3A_96 = tpu.memref_slice %arg4[%arg0, %dma_start3A_92, %dma_start3A_93, %dma_start3A_94, %dma_start3A_95] : memref<2x16x2x40x128xi32, #tpu.memory_space<hbm>> -> memref<1x16x2x40x128xi32, #tpu.memory_space<hbm>>
            %dma_start3A_97 = tpu.memref_squeeze %dma_start3A_96 : memref<1x16x2x40x128xi32, #tpu.memory_space<hbm>> -> memref<16x2x40x128xi32, #tpu.memory_space<hbm>>
            %dma_start3A_98 = arith.constant 0 : i32
            %dma_start3A_99 = arith.constant 0 : i32
            %dma_start3A_100 = arith.constant 0 : i32
            %dma_start3A_101 = tpu.memref_slice %dma_start3A_97[%arg1, %dma_start3A_98, %dma_start3A_99, %dma_start3A_100] : memref<16x2x40x128xi32, #tpu.memory_space<hbm>> -> memref<1x2x40x128xi32, #tpu.memory_space<hbm>>
            %dma_start3A_102 = tpu.memref_squeeze %dma_start3A_101 : memref<1x2x40x128xi32, #tpu.memory_space<hbm>> -> memref<2x40x128xi32, #tpu.memory_space<hbm>>
            %dma_start3A_103 = arith.constant 0 : i32
            %dma_start3A_104 = arith.constant 0 : i32
            %dma_start3A_105 = tpu.memref_slice %dma_start3A_102[%run_scoped3A_68, %dma_start3A_103, %dma_start3A_104] : memref<2x40x128xi32, #tpu.memory_space<hbm>> -> memref<1x40x128xi32, #tpu.memory_space<hbm>>
            %dma_start3A_106 = tpu.memref_squeeze %dma_start3A_105 : memref<1x40x128xi32, #tpu.memory_space<hbm>> -> memref<40x128xi32, #tpu.memory_space<hbm>>
            %dma_start3A_107 = arith.constant 0 : i32
            %dma_start3A_108 = arith.constant 0 : i32
            %dma_start3A_109 = arith.constant 0 : i32
            %dma_start3A_110 = arith.constant 0 : i32
            %dma_start3A_111 = tpu.memref_slice %arg4[%arg0, %dma_start3A_107, %dma_start3A_108, %dma_start3A_109, %dma_start3A_110] : memref<2x16x2x40x128xi32, #tpu.memory_space<hbm>> -> memref<1x16x2x40x128xi32, #tpu.memory_space<hbm>>
            %dma_start3A_112 = tpu.memref_squeeze %dma_start3A_111 : memref<1x16x2x40x128xi32, #tpu.memory_space<hbm>> -> memref<16x2x40x128xi32, #tpu.memory_space<hbm>>
            %dma_start3A_113 = arith.constant 0 : i32
            %dma_start3A_114 = arith.constant 0 : i32
            %dma_start3A_115 = arith.constant 0 : i32
            %dma_start3A_116 = tpu.memref_slice %dma_start3A_112[%arg1, %dma_start3A_113, %dma_start3A_114, %dma_start3A_115] : memref<16x2x40x128xi32, #tpu.memory_space<hbm>> -> memref<1x2x40x128xi32, #tpu.memory_space<hbm>>
            %dma_start3A_117 = tpu.memref_squeeze %dma_start3A_116 : memref<1x2x40x128xi32, #tpu.memory_space<hbm>> -> memref<2x40x128xi32, #tpu.memory_space<hbm>>
            %dma_start3A_118 = arith.constant 0 : i32
            %dma_start3A_119 = arith.constant 0 : i32
            %dma_start3A_120 = tpu.memref_slice %dma_start3A_117[%run_scoped3A_68, %dma_start3A_118, %dma_start3A_119] : memref<2x40x128xi32, #tpu.memory_space<hbm>> -> memref<1x40x128xi32, #tpu.memory_space<hbm>>
            %dma_start3A_121 = tpu.memref_squeeze %dma_start3A_120 : memref<1x40x128xi32, #tpu.memory_space<hbm>> -> memref<40x128xi32, #tpu.memory_space<hbm>>
            tpu.enqueue_dma source(%dma_start3A_121 : memref<40x128xi32, #tpu.memory_space<hbm>>) target(%arg8 : memref<40x128xi32, #tpu.memory_space<vmem>>) target_semaphore(%run_scoped3A_91 : memref<!tpu.dma_semaphore, #tpu.memory_space<semaphore_mem>>)
            %dma_wait3A_122 = arith.constant 0 : i32
            %dma_wait3A_123 = arith.constant 0 : i32
            %dma_wait3A_124 = arith.constant 0 : i32
            %dma_wait3A_125 = arith.constant 0 : i32
            %dma_wait3A_126 = tpu.memref_slice %arg4[%arg0, %dma_wait3A_122, %dma_wait3A_123, %dma_wait3A_124, %dma_wait3A_125] : memref<2x16x2x40x128xi32, #tpu.memory_space<hbm>> -> memref<1x16x2x40x128xi32, #tpu.memory_space<hbm>>
            %dma_wait3A_127 = tpu.memref_squeeze %dma_wait3A_126 : memref<1x16x2x40x128xi32, #tpu.memory_space<hbm>> -> memref<16x2x40x128xi32, #tpu.memory_space<hbm>>
            %dma_wait3A_128 = arith.constant 0 : i32
            %dma_wait3A_129 = arith.constant 0 : i32
            %dma_wait3A_130 = arith.constant 0 : i32
            %dma_wait3A_131 = tpu.memref_slice %dma_wait3A_127[%arg1, %dma_wait3A_128, %dma_wait3A_129, %dma_wait3A_130] : memref<16x2x40x128xi32, #tpu.memory_space<hbm>> -> memref<1x2x40x128xi32, #tpu.memory_space<hbm>>
            %dma_wait3A_132 = tpu.memref_squeeze %dma_wait3A_131 : memref<1x2x40x128xi32, #tpu.memory_space<hbm>> -> memref<2x40x128xi32, #tpu.memory_space<hbm>>
            %dma_wait3A_133 = arith.constant 0 : i32
            %dma_wait3A_134 = arith.constant 0 : i32
            %dma_wait3A_135 = tpu.memref_slice %dma_wait3A_132[%run_scoped3A_68, %dma_wait3A_133, %dma_wait3A_134] : memref<2x40x128xi32, #tpu.memory_space<hbm>> -> memref<1x40x128xi32, #tpu.memory_space<hbm>>
            %dma_wait3A_136 = tpu.memref_squeeze %dma_wait3A_135 : memref<1x40x128xi32, #tpu.memory_space<hbm>> -> memref<40x128xi32, #tpu.memory_space<hbm>>
            %dma_wait3A_137 = arith.constant 0 : i32
            %dma_wait3A_138 = arith.constant 0 : i32
            %dma_wait3A_139 = arith.constant 0 : i32
            %dma_wait3A_140 = arith.constant 0 : i32
            %dma_wait3A_141 = tpu.memref_slice %arg4[%arg0, %dma_wait3A_137, %dma_wait3A_138, %dma_wait3A_139, %dma_wait3A_140] : memref<2x16x2x40x128xi32, #tpu.memory_space<hbm>> -> memref<1x16x2x40x128xi32, #tpu.memory_space<hbm>>
            %dma_wait3A_142 = tpu.memref_squeeze %dma_wait3A_141 : memref<1x16x2x40x128xi32, #tpu.memory_space<hbm>> -> memref<16x2x40x128xi32, #tpu.memory_space<hbm>>
            %dma_wait3A_143 = arith.constant 0 : i32
            %dma_wait3A_144 = arith.constant 0 : i32
            %dma_wait3A_145 = arith.constant 0 : i32
            %dma_wait3A_146 = tpu.memref_slice %dma_wait3A_142[%arg1, %dma_wait3A_143, %dma_wait3A_144, %dma_wait3A_145] : memref<16x2x40x128xi32, #tpu.memory_space<hbm>> -> memref<1x2x40x128xi32, #tpu.memory_space<hbm>>
            %dma_wait3A_147 = tpu.memref_squeeze %dma_wait3A_146 : memref<1x2x40x128xi32, #tpu.memory_space<hbm>> -> memref<2x40x128xi32, #tpu.memory_space<hbm>>
            %dma_wait3A_148 = arith.constant 0 : i32
            %dma_wait3A_149 = arith.constant 0 : i32
            %dma_wait3A_150 = tpu.memref_slice %dma_wait3A_147[%run_scoped3A_68, %dma_wait3A_148, %dma_wait3A_149] : memref<2x40x128xi32, #tpu.memory_space<hbm>> -> memref<1x40x128xi32, #tpu.memory_space<hbm>>
            %dma_wait3A_151 = tpu.memref_squeeze %dma_wait3A_150 : memref<1x40x128xi32, #tpu.memory_space<hbm>> -> memref<40x128xi32, #tpu.memory_space<hbm>>
            tpu.wait_dma2 semaphore(%run_scoped3A_91 : memref<!tpu.dma_semaphore, #tpu.memory_space<semaphore_mem>>) src(%dma_wait3A_151 : memref<40x128xi32, #tpu.memory_space<hbm>>) dst(%arg8 : memref<40x128xi32, #tpu.memory_space<vmem>>)
            tpu.yield
          }) : () -> ()
          %dma_start3A_69 = arith.constant 0 : i32
          %dma_start3A_70 = arith.constant 0 : i32
          %dma_start3A_71 = tpu.memref_slice %arg7[%dma_start3A_69, %dma_start3A_70] : memref<40x128xi32, #tpu.memory_space<vmem>> -> memref<1x128xi32, #tpu.memory_space<vmem>>
          %dma_start3A_72 = tpu.memref_squeeze %dma_start3A_71 : memref<1x128xi32, #tpu.memory_space<vmem>> -> memref<128xi32, #tpu.memory_space<vmem>>
          %dma_start3A_73 = arith.constant 0 : i32
          %dma_start3A_74 = arith.constant 0 : i32
          %dma_start3A_75 = tpu.memref_slice %arg2[%add3A_6, %dma_start3A_73, %dma_start3A_74] : memref<2x10240x128xf32, #tpu.memory_space<hbm>> -> memref<1x10240x128xf32, #tpu.memory_space<hbm>>
          %dma_start3A_76 = tpu.memref_squeeze %dma_start3A_75 : memref<1x10240x128xf32, #tpu.memory_space<hbm>> -> memref<10240x128xf32, #tpu.memory_space<hbm>>
          %dma_start3A_77 = arith.constant 0 : i32
          %dma_start3A_78 = arith.constant 0 : i32
          %dma_start3A_79 = tpu.memref_slice %dma_start3A_76[%dma_start3A_77, %dma_start3A_78] : memref<10240x128xf32, #tpu.memory_space<hbm>> -> memref<10240x128xf32, #tpu.memory_space<hbm>>
          tpu.enqueue_indirect_dma source(%dma_start3A_79 : memref<10240x128xf32, #tpu.memory_space<hbm>>) target(%arg9 : memref<128x128xf32, #tpu.memory_space<vmem>>) offsets(%dma_start3A_72 : memref<128xi32, #tpu.memory_space<vmem>>) semaphore(%arg13 : memref<!tpu.dma_semaphore, #tpu.memory_space<semaphore_mem>>)
          %dma_start3A_80 = arith.constant 1 : i32
          %dma_start3A_81 = arith.constant 0 : i32
          %dma_start3A_82 = tpu.memref_slice %arg7[%dma_start3A_80, %dma_start3A_81] : memref<40x128xi32, #tpu.memory_space<vmem>> -> memref<1x128xi32, #tpu.memory_space<vmem>>
          %dma_start3A_83 = tpu.memref_squeeze %dma_start3A_82 : memref<1x128xi32, #tpu.memory_space<vmem>> -> memref<128xi32, #tpu.memory_space<vmem>>
          %dma_start3A_84 = arith.constant 0 : i32
          %dma_start3A_85 = arith.constant 0 : i32
          %dma_start3A_86 = tpu.memref_slice %arg2[%add3A_6, %dma_start3A_84, %dma_start3A_85] : memref<2x10240x128xf32, #tpu.memory_space<hbm>> -> memref<1x10240x128xf32, #tpu.memory_space<hbm>>
          %dma_start3A_87 = tpu.memref_squeeze %dma_start3A_86 : memref<1x10240x128xf32, #tpu.memory_space<hbm>> -> memref<10240x128xf32, #tpu.memory_space<hbm>>
          %dma_start3A_88 = arith.constant 0 : i32
          %dma_start3A_89 = arith.constant 0 : i32
          %dma_start3A_90 = tpu.memref_slice %dma_start3A_87[%dma_start3A_88, %dma_start3A_89] : memref<10240x128xf32, #tpu.memory_space<hbm>> -> memref<10240x128xf32, #tpu.memory_space<hbm>>
          tpu.enqueue_indirect_dma source(%dma_start3A_90 : memref<10240x128xf32, #tpu.memory_space<hbm>>) target(%arg10 : memref<128x128xf32, #tpu.memory_space<vmem>>) offsets(%dma_start3A_83 : memref<128xi32, #tpu.memory_space<vmem>>) semaphore(%arg14 : memref<!tpu.dma_semaphore, #tpu.memory_space<semaphore_mem>>)
        } else {
        }
        %scan3A_62 = arith.constant 0 : i32
        %scan3A_63 = arith.constant 20 : i32
        %scan3A_64 = arith.addi %scan3A_62, %scan3A_63 : i32
        %scan3A_65 = arith.constant 1 : i32
        scf.for %scan3A_67 = %scan3A_62 to %scan3A_64 step %scan3A_65  : i32 {
          %mul3A_68 = arith.constant 2 : i32
          %mul3A_69 = arith.muli %scan3A_67, %mul3A_68 : i32
          %add3A_70 = arith.constant 0 : i32
          %add3A_71 = arith.addi %add3A_70, %mul3A_69 : i32
          %dma_wait3A_72 = arith.constant 0 : i32
          %dma_wait3A_73 = tpu.memref_slice %arg7[%add3A_71, %dma_wait3A_72] : memref<40x128xi32, #tpu.memory_space<vmem>> -> memref<1x128xi32, #tpu.memory_space<vmem>>
          %dma_wait3A_74 = tpu.memref_squeeze %dma_wait3A_73 : memref<1x128xi32, #tpu.memory_space<vmem>> -> memref<128xi32, #tpu.memory_space<vmem>>
          %dma_wait3A_75 = arith.constant 0 : i32
          %dma_wait3A_76 = arith.constant 0 : i32
          %dma_wait3A_77 = tpu.memref_slice %arg2[%add3A_6, %dma_wait3A_75, %dma_wait3A_76] : memref<2x10240x128xf32, #tpu.memory_space<hbm>> -> memref<1x10240x128xf32, #tpu.memory_space<hbm>>
          %dma_wait3A_78 = tpu.memref_squeeze %dma_wait3A_77 : memref<1x10240x128xf32, #tpu.memory_space<hbm>> -> memref<10240x128xf32, #tpu.memory_space<hbm>>
          %dma_wait3A_79 = arith.constant 0 : i32
          %dma_wait3A_80 = arith.constant 0 : i32
          %dma_wait3A_81 = tpu.memref_slice %dma_wait3A_78[%dma_wait3A_79, %dma_wait3A_80] : memref<10240x128xf32, #tpu.memory_space<hbm>> -> memref<10240x128xf32, #tpu.memory_space<hbm>>
          tpu.wait_indirect_dma semaphore(%arg13 : memref<!tpu.dma_semaphore, #tpu.memory_space<semaphore_mem>>) src(%dma_wait3A_81 : memref<10240x128xf32, #tpu.memory_space<hbm>>) dst(%arg9 : memref<128x128xf32, #tpu.memory_space<vmem>>)
          "tpu.region"() ({
            %run_scoped3A_109 = tpu.sem_alloc : memref<!tpu.dma_semaphore, #tpu.memory_space<semaphore_mem>>
            %dma_start3A_110 = arith.constant 0 : i32
            %dma_start3A_111 = tpu.memref_slice %arg8[%add3A_71, %dma_start3A_110] : memref<40x128xi32, #tpu.memory_space<vmem>> -> memref<1x128xi32, #tpu.memory_space<vmem>>
            %dma_start3A_112 = tpu.memref_squeeze %dma_start3A_111 : memref<1x128xi32, #tpu.memory_space<vmem>> -> memref<128xi32, #tpu.memory_space<vmem>>
            %dma_start3A_113 = arith.constant 0 : i32
            %dma_start3A_114 = arith.constant 0 : i32
            %dma_start3A_115 = tpu.memref_slice %arg12[%dma_start3A_113, %dma_start3A_114] : memref<10240x128xf32, #tpu.memory_space<vmem_shared>> -> memref<10240x128xf32, #tpu.memory_space<vmem_shared>>
            tpu.enqueue_indirect_dma source(%arg9 : memref<128x128xf32, #tpu.memory_space<vmem>>) target(%dma_start3A_115 : memref<10240x128xf32, #tpu.memory_space<vmem_shared>>) offsets(%dma_start3A_112 : memref<128xi32, #tpu.memory_space<vmem>>) semaphore(%run_scoped3A_109 : memref<!tpu.dma_semaphore, #tpu.memory_space<semaphore_mem>>) {add = true}
            %dma_wait3A_116 = arith.constant 0 : i32
            %dma_wait3A_117 = tpu.memref_slice %arg8[%add3A_71, %dma_wait3A_116] : memref<40x128xi32, #tpu.memory_space<vmem>> -> memref<1x128xi32, #tpu.memory_space<vmem>>
            %dma_wait3A_118 = tpu.memref_squeeze %dma_wait3A_117 : memref<1x128xi32, #tpu.memory_space<vmem>> -> memref<128xi32, #tpu.memory_space<vmem>>
            %dma_wait3A_119 = arith.constant 0 : i32
            %dma_wait3A_120 = arith.constant 0 : i32
            %dma_wait3A_121 = tpu.memref_slice %arg12[%dma_wait3A_119, %dma_wait3A_120] : memref<10240x128xf32, #tpu.memory_space<vmem_shared>> -> memref<10240x128xf32, #tpu.memory_space<vmem_shared>>
            tpu.wait_indirect_dma semaphore(%run_scoped3A_109 : memref<!tpu.dma_semaphore, #tpu.memory_space<semaphore_mem>>) src(%arg9 : memref<128x128xf32, #tpu.memory_space<vmem>>) dst(%dma_wait3A_121 : memref<10240x128xf32, #tpu.memory_space<vmem_shared>>)
            tpu.yield
          }) : () -> ()
          %add3A_82 = arith.constant 2 : i32
          %add3A_83 = arith.addi %add3A_71, %add3A_82 : i32
          %lt3A = arith.constant 40 : i32
          %lt3A_84 = arith.cmpi slt, %add3A_83, %lt3A : i32
          %convert_element_type3A_85 = arith.extui %lt3A_84 : i1 to i32
          %cond3A_86 = arith.constant 0 : i32
          %cond3A_87 = arith.cmpi ne, %convert_element_type3A_85, %cond3A_86 : i32
          scf.if %cond3A_87 {
            %add3A_109 = arith.constant 2 : i32
            %add3A_110 = arith.addi %add3A_71, %add3A_109 : i32
            %dma_start3A_111 = arith.constant 0 : i32
            %dma_start3A_112 = tpu.memref_slice %arg7[%add3A_110, %dma_start3A_111] : memref<40x128xi32, #tpu.memory_space<vmem>> -> memref<1x128xi32, #tpu.memory_space<vmem>>
            %dma_start3A_113 = tpu.memref_squeeze %dma_start3A_112 : memref<1x128xi32, #tpu.memory_space<vmem>> -> memref<128xi32, #tpu.memory_space<vmem>>
            %dma_start3A_114 = arith.constant 0 : i32
            %dma_start3A_115 = arith.constant 0 : i32
            %dma_start3A_116 = tpu.memref_slice %arg2[%add3A_6, %dma_start3A_114, %dma_start3A_115] : memref<2x10240x128xf32, #tpu.memory_space<hbm>> -> memref<1x10240x128xf32, #tpu.memory_space<hbm>>
            %dma_start3A_117 = tpu.memref_squeeze %dma_start3A_116 : memref<1x10240x128xf32, #tpu.memory_space<hbm>> -> memref<10240x128xf32, #tpu.memory_space<hbm>>
            %dma_start3A_118 = arith.constant 0 : i32
            %dma_start3A_119 = arith.constant 0 : i32
            %dma_start3A_120 = tpu.memref_slice %dma_start3A_117[%dma_start3A_118, %dma_start3A_119] : memref<10240x128xf32, #tpu.memory_space<hbm>> -> memref<10240x128xf32, #tpu.memory_space<hbm>>
            tpu.enqueue_indirect_dma source(%dma_start3A_120 : memref<10240x128xf32, #tpu.memory_space<hbm>>) target(%arg9 : memref<128x128xf32, #tpu.memory_space<vmem>>) offsets(%dma_start3A_113 : memref<128xi32, #tpu.memory_space<vmem>>) semaphore(%arg13 : memref<!tpu.dma_semaphore, #tpu.memory_space<semaphore_mem>>)
          } else {
          }
          %add3A_88 = arith.constant 1 : i32
          %add3A_89 = arith.addi %add3A_71, %add3A_88 : i32
          %dma_wait3A_90 = arith.constant 0 : i32
          %dma_wait3A_91 = tpu.memref_slice %arg7[%add3A_89, %dma_wait3A_90] : memref<40x128xi32, #tpu.memory_space<vmem>> -> memref<1x128xi32, #tpu.memory_space<vmem>>
          %dma_wait3A_92 = tpu.memref_squeeze %dma_wait3A_91 : memref<1x128xi32, #tpu.memory_space<vmem>> -> memref<128xi32, #tpu.memory_space<vmem>>
          %dma_wait3A_93 = arith.constant 0 : i32
          %dma_wait3A_94 = arith.constant 0 : i32
          %dma_wait3A_95 = tpu.memref_slice %arg2[%add3A_6, %dma_wait3A_93, %dma_wait3A_94] : memref<2x10240x128xf32, #tpu.memory_space<hbm>> -> memref<1x10240x128xf32, #tpu.memory_space<hbm>>
          %dma_wait3A_96 = tpu.memref_squeeze %dma_wait3A_95 : memref<1x10240x128xf32, #tpu.memory_space<hbm>> -> memref<10240x128xf32, #tpu.memory_space<hbm>>
          %dma_wait3A_97 = arith.constant 0 : i32
          %dma_wait3A_98 = arith.constant 0 : i32
          %dma_wait3A_99 = tpu.memref_slice %dma_wait3A_96[%dma_wait3A_97, %dma_wait3A_98] : memref<10240x128xf32, #tpu.memory_space<hbm>> -> memref<10240x128xf32, #tpu.memory_space<hbm>>
          tpu.wait_indirect_dma semaphore(%arg14 : memref<!tpu.dma_semaphore, #tpu.memory_space<semaphore_mem>>) src(%dma_wait3A_99 : memref<10240x128xf32, #tpu.memory_space<hbm>>) dst(%arg10 : memref<128x128xf32, #tpu.memory_space<vmem>>)
          %add3A_100 = arith.constant 1 : i32
          %add3A_101 = arith.addi %add3A_71, %add3A_100 : i32
          "tpu.region"() ({
            %run_scoped3A_109 = tpu.sem_alloc : memref<!tpu.dma_semaphore, #tpu.memory_space<semaphore_mem>>
            %dma_start3A_110 = arith.constant 0 : i32
            %dma_start3A_111 = tpu.memref_slice %arg8[%add3A_101, %dma_start3A_110] : memref<40x128xi32, #tpu.memory_space<vmem>> -> memref<1x128xi32, #tpu.memory_space<vmem>>
            %dma_start3A_112 = tpu.memref_squeeze %dma_start3A_111 : memref<1x128xi32, #tpu.memory_space<vmem>> -> memref<128xi32, #tpu.memory_space<vmem>>
            %dma_start3A_113 = arith.constant 0 : i32
            %dma_start3A_114 = arith.constant 0 : i32
            %dma_start3A_115 = tpu.memref_slice %arg12[%dma_start3A_113, %dma_start3A_114] : memref<10240x128xf32, #tpu.memory_space<vmem_shared>> -> memref<10240x128xf32, #tpu.memory_space<vmem_shared>>
            tpu.enqueue_indirect_dma source(%arg10 : memref<128x128xf32, #tpu.memory_space<vmem>>) target(%dma_start3A_115 : memref<10240x128xf32, #tpu.memory_space<vmem_shared>>) offsets(%dma_start3A_112 : memref<128xi32, #tpu.memory_space<vmem>>) semaphore(%run_scoped3A_109 : memref<!tpu.dma_semaphore, #tpu.memory_space<semaphore_mem>>) {add = true}
            %dma_wait3A_116 = arith.constant 0 : i32
            %dma_wait3A_117 = tpu.memref_slice %arg8[%add3A_101, %dma_wait3A_116] : memref<40x128xi32, #tpu.memory_space<vmem>> -> memref<1x128xi32, #tpu.memory_space<vmem>>
            %dma_wait3A_118 = tpu.memref_squeeze %dma_wait3A_117 : memref<1x128xi32, #tpu.memory_space<vmem>> -> memref<128xi32, #tpu.memory_space<vmem>>
            %dma_wait3A_119 = arith.constant 0 : i32
            %dma_wait3A_120 = arith.constant 0 : i32
            %dma_wait3A_121 = tpu.memref_slice %arg12[%dma_wait3A_119, %dma_wait3A_120] : memref<10240x128xf32, #tpu.memory_space<vmem_shared>> -> memref<10240x128xf32, #tpu.memory_space<vmem_shared>>
            tpu.wait_indirect_dma semaphore(%run_scoped3A_109 : memref<!tpu.dma_semaphore, #tpu.memory_space<semaphore_mem>>) src(%arg10 : memref<128x128xf32, #tpu.memory_space<vmem>>) dst(%dma_wait3A_121 : memref<10240x128xf32, #tpu.memory_space<vmem_shared>>)
            tpu.yield
          }) : () -> ()
          %add3A_102 = arith.constant 3 : i32
          %add3A_103 = arith.addi %add3A_71, %add3A_102 : i32
          %lt3A_104 = arith.constant 40 : i32
          %lt3A_105 = arith.cmpi slt, %add3A_103, %lt3A_104 : i32
          %convert_element_type3A_106 = arith.extui %lt3A_105 : i1 to i32
          %cond3A_107 = arith.constant 0 : i32
          %cond3A_108 = arith.cmpi ne, %convert_element_type3A_106, %cond3A_107 : i32
          scf.if %cond3A_108 {
            %add3A_109 = arith.constant 3 : i32
            %add3A_110 = arith.addi %add3A_71, %add3A_109 : i32
            %dma_start3A_111 = arith.constant 0 : i32
            %dma_start3A_112 = tpu.memref_slice %arg7[%add3A_110, %dma_start3A_111] : memref<40x128xi32, #tpu.memory_space<vmem>> -> memref<1x128xi32, #tpu.memory_space<vmem>>
            %dma_start3A_113 = tpu.memref_squeeze %dma_start3A_112 : memref<1x128xi32, #tpu.memory_space<vmem>> -> memref<128xi32, #tpu.memory_space<vmem>>
            %dma_start3A_114 = arith.constant 0 : i32
            %dma_start3A_115 = arith.constant 0 : i32
            %dma_start3A_116 = tpu.memref_slice %arg2[%add3A_6, %dma_start3A_114, %dma_start3A_115] : memref<2x10240x128xf32, #tpu.memory_space<hbm>> -> memref<1x10240x128xf32, #tpu.memory_space<hbm>>
            %dma_start3A_117 = tpu.memref_squeeze %dma_start3A_116 : memref<1x10240x128xf32, #tpu.memory_space<hbm>> -> memref<10240x128xf32, #tpu.memory_space<hbm>>
            %dma_start3A_118 = arith.constant 0 : i32
            %dma_start3A_119 = arith.constant 0 : i32
            %dma_start3A_120 = tpu.memref_slice %dma_start3A_117[%dma_start3A_118, %dma_start3A_119] : memref<10240x128xf32, #tpu.memory_space<hbm>> -> memref<10240x128xf32, #tpu.memory_space<hbm>>
            tpu.enqueue_indirect_dma source(%dma_start3A_120 : memref<10240x128xf32, #tpu.memory_space<hbm>>) target(%arg10 : memref<128x128xf32, #tpu.memory_space<vmem>>) offsets(%dma_start3A_113 : memref<128xi32, #tpu.memory_space<vmem>>) semaphore(%arg14 : memref<!tpu.dma_semaphore, #tpu.memory_space<semaphore_mem>>)
          } else {
          }
        }
        %scan3A_66 = arith.constant 20 : i32
      }
      %scan3A_49 = arith.constant 2 : i32
      %barrier3A_50 = arith.constant 0 : index
      tpu.barrier barrier_id(%barrier3A_50)
      %mul3A_51 = arith.constant 640 : i32
      %mul3A_52 = arith.muli %arg1, %mul3A_51 : i32
      %mul3A_53 = arith.constant 640 : i32
      %mul3A_54 = arith.muli %arg1, %mul3A_53 : i32
      "tpu.region"() ({
        %run_scoped3A_55 = tpu.sem_alloc : memref<!tpu.dma_semaphore, #tpu.memory_space<semaphore_mem>>
        %dma_start3A_56 = arith.constant 0 : i32
        %dma_start3A_57 = arith.constant 0 : i32
        %dma_start3A_58 = arith.constant 0 : i32
        %dma_start3A_59 = tpu.memref_slice %arg6[%add3A_6, %dma_start3A_56, %dma_start3A_57, %dma_start3A_58] : memref<2x2x10240x128xf32, #tpu.memory_space<hbm>> -> memref<1x2x10240x128xf32, #tpu.memory_space<hbm>>
        %dma_start3A_60 = tpu.memref_squeeze %dma_start3A_59 : memref<1x2x10240x128xf32, #tpu.memory_space<hbm>> -> memref<2x10240x128xf32, #tpu.memory_space<hbm>>
        %dma_start3A_61 = arith.constant 0 : i32
        %dma_start3A_62 = arith.constant 0 : i32
        %dma_start3A_63 = tpu.memref_slice %dma_start3A_60[%arg0, %dma_start3A_61, %dma_start3A_62] : memref<2x10240x128xf32, #tpu.memory_space<hbm>> -> memref<1x10240x128xf32, #tpu.memory_space<hbm>>
        %dma_start3A_64 = tpu.memref_squeeze %dma_start3A_63 : memref<1x10240x128xf32, #tpu.memory_space<hbm>> -> memref<10240x128xf32, #tpu.memory_space<hbm>>
        %dma_start3A_65 = arith.constant 0 : i32
        %dma_start3A_66 = tpu.memref_slice %dma_start3A_64[%mul3A_54, %dma_start3A_65] : memref<10240x128xf32, #tpu.memory_space<hbm>> -> memref<640x128xf32, #tpu.memory_space<hbm>>
        %dma_start3A_67 = arith.constant 0 : i32
        %dma_start3A_68 = tpu.memref_slice %arg12[%mul3A_52, %dma_start3A_67] : memref<10240x128xf32, #tpu.memory_space<vmem_shared>> -> memref<640x128xf32, #tpu.memory_space<vmem_shared>>
        tpu.enqueue_dma source(%dma_start3A_68 : memref<640x128xf32, #tpu.memory_space<vmem_shared>>) target(%dma_start3A_66 : memref<640x128xf32, #tpu.memory_space<hbm>>) target_semaphore(%run_scoped3A_55 : memref<!tpu.dma_semaphore, #tpu.memory_space<semaphore_mem>>)
        %dma_wait3A_69 = arith.constant 0 : i32
        %dma_wait3A_70 = arith.constant 0 : i32
        %dma_wait3A_71 = arith.constant 0 : i32
        %dma_wait3A_72 = tpu.memref_slice %arg6[%add3A_6, %dma_wait3A_69, %dma_wait3A_70, %dma_wait3A_71] : memref<2x2x10240x128xf32, #tpu.memory_space<hbm>> -> memref<1x2x10240x128xf32, #tpu.memory_space<hbm>>
        %dma_wait3A_73 = tpu.memref_squeeze %dma_wait3A_72 : memref<1x2x10240x128xf32, #tpu.memory_space<hbm>> -> memref<2x10240x128xf32, #tpu.memory_space<hbm>>
        %dma_wait3A_74 = arith.constant 0 : i32
        %dma_wait3A_75 = arith.constant 0 : i32
        %dma_wait3A_76 = tpu.memref_slice %dma_wait3A_73[%arg0, %dma_wait3A_74, %dma_wait3A_75] : memref<2x10240x128xf32, #tpu.memory_space<hbm>> -> memref<1x10240x128xf32, #tpu.memory_space<hbm>>
        %dma_wait3A_77 = tpu.memref_squeeze %dma_wait3A_76 : memref<1x10240x128xf32, #tpu.memory_space<hbm>> -> memref<10240x128xf32, #tpu.memory_space<hbm>>
        %dma_wait3A_78 = arith.constant 0 : i32
        %dma_wait3A_79 = tpu.memref_slice %dma_wait3A_77[%mul3A_54, %dma_wait3A_78] : memref<10240x128xf32, #tpu.memory_space<hbm>> -> memref<640x128xf32, #tpu.memory_space<hbm>>
        %dma_wait3A_80 = arith.constant 0 : i32
        %dma_wait3A_81 = tpu.memref_slice %arg12[%mul3A_52, %dma_wait3A_80] : memref<10240x128xf32, #tpu.memory_space<vmem_shared>> -> memref<640x128xf32, #tpu.memory_space<vmem_shared>>
        tpu.wait_dma2 semaphore(%run_scoped3A_55 : memref<!tpu.dma_semaphore, #tpu.memory_space<semaphore_mem>>) src(%dma_wait3A_81 : memref<640x128xf32, #tpu.memory_space<vmem_shared>>) dst(%dma_wait3A_79 : memref<640x128xf32, #tpu.memory_space<hbm>>)
        tpu.yield
      }) : () -> ()
    }
    %scan3A_3 = arith.constant 2 : i32
    return
  }
}

module attributes {stable_mosaic.version = 14 : i64} {
  func.func @_prep_body(%arg0: i32, %arg1: memref<2x2x2048xf32, #tpu.memory_space<vmem>>, %arg2: memref<2048x128xf32, #tpu.memory_space<vmem>>, %arg3: memref<2048x1xf32, #tpu.memory_space<vmem>>, %arg4: memref<2048x1xf32, #tpu.memory_space<vmem>>, %arg5: memref<2048x128xf32, #tpu.memory_space<vmem>>) attributes {dimension_semantics = [#tpu.dimension_semantics<arbitrary>], iteration_bounds = array<i64: 5>, scalar_prefetch = 0 : i64, scratch_operands = 0 : i64, tpu.core_type = #tpu.core_type<tc>, window_params = [{transform_indices = @transform_0, window_bounds = array<i64: 2, 2, 2048>}, {transform_indices = @transform_1, window_bounds = array<i64: 2048, 128>}, {transform_indices = @transform_2, window_bounds = array<i64: 2048, 1>}, {transform_indices = @transform_3, window_bounds = array<i64: 2048, 1>}, {transform_indices = @transform_4, window_bounds = array<i64: 2048, 128>}]} {
    %get3A = arith.constant 0 : index
    %get3A_0 = arith.constant 0 : index
    %get3A_1 = arith.constant 0 : index
    %get3A_2 = vector.load %arg1[%get3A, %get3A_0, %get3A_1] : memref<2x2x2048xf32, #tpu.memory_space<vmem>>, vector<2x2x2048xf32>
    %slice3A = vector.extract_strided_slice %get3A_2 {offsets = [0, 0, 0], sizes = [1, 1, 2048], strides = [1, 1, 1]} : vector<2x2x2048xf32> to vector<1x1x2048xf32>
    %squeeze3A = vector.shape_cast %slice3A : vector<1x1x2048xf32> to vector<2048xf32>
    %slice3A_3 = vector.extract_strided_slice %get3A_2 {offsets = [1, 0, 0], sizes = [1, 1, 2048], strides = [1, 1, 1]} : vector<2x2x2048xf32> to vector<1x1x2048xf32>
    %squeeze3A_4 = vector.shape_cast %slice3A_3 : vector<1x1x2048xf32> to vector<2048xf32>
    %add3A = arith.addf %squeeze3A, %squeeze3A_4 : vector<2048xf32>
    %max3A = arith.constant 1.000000e+00 : f32
    %max3A_5 = vector.broadcast %max3A : f32 to vector<2048xf32>
    %max3A_6 = arith.maximumf %add3A, %max3A_5 : vector<2048xf32>
    %rsqrt3A = math.rsqrt %max3A_6 : vector<2048xf32>
    %broadcast_in_dim3A = vector.shape_cast %rsqrt3A : vector<2048xf32> to vector<2048x1xf32>
    %slice3A_7 = vector.extract_strided_slice %get3A_2 {offsets = [0, 1, 0], sizes = [1, 1, 2048], strides = [1, 1, 1]} : vector<2x2x2048xf32> to vector<1x1x2048xf32>
    %squeeze3A_8 = vector.shape_cast %slice3A_7 : vector<1x1x2048xf32> to vector<2048xf32>
    %slice3A_9 = vector.extract_strided_slice %get3A_2 {offsets = [1, 1, 0], sizes = [1, 1, 2048], strides = [1, 1, 1]} : vector<2x2x2048xf32> to vector<1x1x2048xf32>
    %squeeze3A_10 = vector.shape_cast %slice3A_9 : vector<1x1x2048xf32> to vector<2048xf32>
    %add3A_11 = arith.addf %squeeze3A_8, %squeeze3A_10 : vector<2048xf32>
    %max3A_12 = arith.constant 1.000000e+00 : f32
    %max3A_13 = vector.broadcast %max3A_12 : f32 to vector<2048xf32>
    %max3A_14 = arith.maximumf %add3A_11, %max3A_13 : vector<2048xf32>
    %rsqrt3A_15 = math.rsqrt %max3A_14 : vector<2048xf32>
    %broadcast_in_dim3A_16 = vector.shape_cast %rsqrt3A_15 : vector<2048xf32> to vector<2048x1xf32>
    %swap3A = arith.constant 0 : index
    %swap3A_17 = arith.constant 0 : index
    %swap3A_18 = vector.load %arg3[%swap3A, %swap3A_17] : memref<2048x1xf32, #tpu.memory_space<vmem>>, vector<2048x1xf32>
    tpu.vector_store %arg3[%swap3A, %swap3A_17], %broadcast_in_dim3A {strides = array<i32>} : memref<2048x1xf32, #tpu.memory_space<vmem>>, vector<2048x1xf32>,
    %swap3A_19 = arith.constant 0 : index
    %swap3A_20 = arith.constant 0 : index
    %swap3A_21 = vector.load %arg4[%swap3A_19, %swap3A_20] : memref<2048x1xf32, #tpu.memory_space<vmem>>, vector<2048x1xf32>
    tpu.vector_store %arg4[%swap3A_19, %swap3A_20], %broadcast_in_dim3A_16 {strides = array<i32>} : memref<2048x1xf32, #tpu.memory_space<vmem>>, vector<2048x1xf32>,
    %get3A_22 = arith.constant 0 : index
    %get3A_23 = arith.constant 0 : index
    %get3A_24 = vector.load %arg2[%get3A_22, %get3A_23] : memref<2048x128xf32, #tpu.memory_space<vmem>>, vector<2048x128xf32>
    %mul3A = vector.broadcast %broadcast_in_dim3A : vector<2048x1xf32> to vector<2048x128xf32>
    %mul3A_25 = arith.mulf %get3A_24, %mul3A : vector<2048x128xf32>
    %swap3A_26 = arith.constant 0 : index
    %swap3A_27 = arith.constant 0 : index
    %swap3A_28 = vector.load %arg5[%swap3A_26, %swap3A_27] : memref<2048x128xf32, #tpu.memory_space<vmem>>, vector<2048x128xf32>
    tpu.vector_store %arg5[%swap3A_26, %swap3A_27], %mul3A_25 {strides = array<i32>} : memref<2048x128xf32, #tpu.memory_space<vmem>>, vector<2048x128xf32>,
    return
  }
  func.func @transform_0(%arg0: i32) -> (i32, i32, i32) {
    %c0_i32 = arith.constant 0 : i32
    %c0_i32_0 = arith.constant 0 : i32
    %c0_i32_1 = arith.constant 0 : i32
    return %c0_i32, %c0_i32_0, %arg0 : i32, i32, i32
  }
  func.func @transform_1(%arg0: i32) -> (i32, i32) {
    %c0_i32 = arith.constant 0 : i32
    %c0_i32_0 = arith.constant 0 : i32
    return %arg0, %c0_i32 : i32, i32
  }
  func.func @transform_2(%arg0: i32) -> (i32, i32) {
    %c0_i32 = arith.constant 0 : i32
    %c0_i32_0 = arith.constant 0 : i32
    return %arg0, %c0_i32 : i32, i32
  }
  func.func @transform_3(%arg0: i32) -> (i32, i32) {
    %c0_i32 = arith.constant 0 : i32
    %c0_i32_0 = arith.constant 0 : i32
    return %arg0, %c0_i32 : i32, i32
  }
  func.func @transform_4(%arg0: i32) -> (i32, i32) {
    %c0_i32 = arith.constant 0 : i32
    %c0_i32_0 = arith.constant 0 : i32
    return %arg0, %c0_i32 : i32, i32
  }
}

module attributes {stable_mosaic.version = 14 : i64} {
  func.func @_mid_body(%arg0: i32, %arg1: memref<2x2048x128xf32, #tpu.memory_space<vmem>>, %arg2: memref<2048x1xf32, #tpu.memory_space<vmem>>, %arg3: memref<2048x1xf32, #tpu.memory_space<vmem>>, %arg4: memref<128x256xf32, #tpu.memory_space<vmem>>, %arg5: memref<1x256xf32, #tpu.memory_space<vmem>>, %arg6: memref<2x2048x128xf32, #tpu.memory_space<vmem>>) attributes {dimension_semantics = [#tpu.dimension_semantics<arbitrary>], iteration_bounds = array<i64: 5>, scalar_prefetch = 0 : i64, scratch_operands = 0 : i64, tpu.core_type = #tpu.core_type<tc>, window_params = [{transform_indices = @transform_0, window_bounds = array<i64: 2, 2048, 128>}, {transform_indices = @transform_1, window_bounds = array<i64: 2048, 1>}, {transform_indices = @transform_2, window_bounds = array<i64: 2048, 1>}, {pipeline_mode = #tpu.pipeline_mode<synchronous>, transform_indices = @transform_3, window_bounds = array<i64: 128, 256>}, {pipeline_mode = #tpu.pipeline_mode<synchronous>, transform_indices = @transform_4, window_bounds = array<i64: 1, 256>}, {transform_indices = @transform_5, window_bounds = array<i64: 2, 2048, 128>}]} {
    %get3A = arith.constant 0 : index
    %get3A_0 = arith.constant 0 : index
    %get3A_1 = arith.constant 0 : index
    %get3A_2 = vector.load %arg1[%get3A, %get3A_0, %get3A_1] : memref<2x2048x128xf32, #tpu.memory_space<vmem>>, vector<1x2048x128xf32>
    %get3A_3 = vector.shape_cast %get3A_2 : vector<1x2048x128xf32> to vector<2048x128xf32>
    %get3A_4 = arith.constant 1 : index
    %get3A_5 = arith.constant 0 : index
    %get3A_6 = arith.constant 0 : index
    %get3A_7 = vector.load %arg1[%get3A_4, %get3A_5, %get3A_6] : memref<2x2048x128xf32, #tpu.memory_space<vmem>>, vector<1x2048x128xf32>
    %get3A_8 = vector.shape_cast %get3A_7 : vector<1x2048x128xf32> to vector<2048x128xf32>
    %add3A = arith.addf %get3A_3, %get3A_8 : vector<2048x128xf32>
    %get3A_9 = arith.constant 0 : index
    %get3A_10 = arith.constant 0 : index
    %get3A_11 = vector.load %arg2[%get3A_9, %get3A_10] : memref<2048x1xf32, #tpu.memory_space<vmem>>, vector<2048x1xf32>
    %mul3A = vector.broadcast %get3A_11 : vector<2048x1xf32> to vector<2048x128xf32>
    %mul3A_12 = arith.mulf %add3A, %mul3A : vector<2048x128xf32>
    %get3A_13 = arith.constant 0 : index
    %get3A_14 = arith.constant 0 : index
    %get3A_15 = vector.load %arg4[%get3A_13, %get3A_14] : memref<128x256xf32, #tpu.memory_space<vmem>>, vector<128x256xf32>
    %dot_general3A = arith.constant dense<0.000000e+00> : vector<2048x256xf32>
    %dot_general3A_16 = tpu.matmul %mul3A_12, %get3A_15, %dot_general3A {dimension_numbers = #tpu.dot_dimension_numbers<[1], [0], [0], [1], [0, 0, 1, 1], [], []>, transpose_lhs_hint = false} : vector<2048x128xf32>, vector<128x256xf32>, vector<2048x256xf32> -> vector<2048x256xf32>
    %get3A_17 = arith.constant 0 : index
    %get3A_18 = arith.constant 0 : index
    %get3A_19 = vector.load %arg5[%get3A_17, %get3A_18] : memref<1x256xf32, #tpu.memory_space<vmem>>, vector<1x256xf32>
    %add3A_20 = vector.broadcast %get3A_19 : vector<1x256xf32> to vector<2048x256xf32>
    %add3A_21 = arith.addf %dot_general3A_16, %add3A_20 : vector<2048x256xf32>
    %max3A = arith.constant 0.000000e+00 : f32
    %max3A_22 = vector.broadcast %max3A : f32 to vector<2048x256xf32>
    %max3A_23 = arith.maximumf %add3A_21, %max3A_22 : vector<2048x256xf32>
    %get3A_24 = arith.constant 0 : index
    %get3A_25 = arith.constant 0 : index
    %get3A_26 = vector.load %arg3[%get3A_24, %get3A_25] : memref<2048x1xf32, #tpu.memory_space<vmem>>, vector<2048x1xf32>
    %mul3A_27 = vector.broadcast %get3A_26 : vector<2048x1xf32> to vector<2048x256xf32>
    %mul3A_28 = arith.mulf %max3A_23, %mul3A_27 : vector<2048x256xf32>
    %slice3A = vector.extract_strided_slice %mul3A_28 {offsets = [0, 0], sizes = [2048, 128], strides = [1, 1]} : vector<2048x256xf32> to vector<2048x128xf32>
    %swap3A = arith.constant 0 : index
    %swap3A_29 = arith.constant 0 : index
    %swap3A_30 = arith.constant 0 : index
    %swap3A_31 = vector.load %arg6[%swap3A, %swap3A_29, %swap3A_30] : memref<2x2048x128xf32, #tpu.memory_space<vmem>>, vector<1x2048x128xf32>
    %swap3A_32 = vector.shape_cast %swap3A_31 : vector<1x2048x128xf32> to vector<2048x128xf32>
    %swap3A_33 = vector.shape_cast %slice3A : vector<2048x128xf32> to vector<1x2048x128xf32>
    tpu.vector_store %arg6[%swap3A, %swap3A_29, %swap3A_30], %swap3A_33 {strides = array<i32>} : memref<2x2048x128xf32, #tpu.memory_space<vmem>>, vector<1x2048x128xf32>,
    %slice3A_34 = vector.extract_strided_slice %mul3A_28 {offsets = [0, 128], sizes = [2048, 128], strides = [1, 1]} : vector<2048x256xf32> to vector<2048x128xf32>
    %swap3A_35 = arith.constant 1 : index
    %swap3A_36 = arith.constant 0 : index
    %swap3A_37 = arith.constant 0 : index
    %swap3A_38 = vector.load %arg6[%swap3A_35, %swap3A_36, %swap3A_37] : memref<2x2048x128xf32, #tpu.memory_space<vmem>>, vector<1x2048x128xf32>
    %swap3A_39 = vector.shape_cast %swap3A_38 : vector<1x2048x128xf32> to vector<2048x128xf32>
    %swap3A_40 = vector.shape_cast %slice3A_34 : vector<2048x128xf32> to vector<1x2048x128xf32>
    tpu.vector_store %arg6[%swap3A_35, %swap3A_36, %swap3A_37], %swap3A_40 {strides = array<i32>} : memref<2x2048x128xf32, #tpu.memory_space<vmem>>, vector<1x2048x128xf32>,
    return
  }
  func.func @transform_0(%arg0: i32) -> (i32, i32, i32) {
    %c0_i32 = arith.constant 0 : i32
    %c0_i32_0 = arith.constant 0 : i32
    %c0_i32_1 = arith.constant 0 : i32
    return %c0_i32, %arg0, %c0_i32_0 : i32, i32, i32
  }
  func.func @transform_1(%arg0: i32) -> (i32, i32) {
    %c0_i32 = arith.constant 0 : i32
    %c0_i32_0 = arith.constant 0 : i32
    return %arg0, %c0_i32 : i32, i32
  }
  func.func @transform_2(%arg0: i32) -> (i32, i32) {
    %c0_i32 = arith.constant 0 : i32
    %c0_i32_0 = arith.constant 0 : i32
    return %arg0, %c0_i32 : i32, i32
  }
  func.func @transform_3(%arg0: i32) -> (i32, i32) {
    %c0_i32 = arith.constant 0 : i32
    %c0_i32_0 = arith.constant 0 : i32
    %c0_i32_1 = arith.constant 0 : i32
    return %c0_i32, %c0_i32_0 : i32, i32
  }
  func.func @transform_4(%arg0: i32) -> (i32, i32) {
    %c0_i32 = arith.constant 0 : i32
    %c0_i32_0 = arith.constant 0 : i32
    %c0_i32_1 = arith.constant 0 : i32
    return %c0_i32, %c0_i32_0 : i32, i32
  }
  func.func @transform_5(%arg0: i32) -> (i32, i32, i32) {
    %c0_i32 = arith.constant 0 : i32
    %c0_i32_0 = arith.constant 0 : i32
    %c0_i32_1 = arith.constant 0 : i32
    return %c0_i32, %arg0, %c0_i32_0 : i32, i32, i32
  }
}

module attributes {stable_mosaic.version = 14 : i64} {
  func.func @_fin_body(%arg0: i32, %arg1: memref<2x2x2048x128xf32, #tpu.memory_space<vmem>>, %arg2: memref<2048x1xf32, #tpu.memory_space<vmem>>, %arg3: memref<128x256xf32, #tpu.memory_space<vmem>>, %arg4: memref<128x256xf32, #tpu.memory_space<vmem>>, %arg5: memref<1x256xf32, #tpu.memory_space<vmem>>, %arg6: memref<256x128xf32, #tpu.memory_space<vmem>>, %arg7: memref<1x128xf32, #tpu.memory_space<vmem>>, %arg8: memref<1x128xf32, #tpu.memory_space<vmem>>, %arg9: memref<1x256xf32, #tpu.memory_space<vmem>>) attributes {dimension_semantics = [#tpu.dimension_semantics<arbitrary>], iteration_bounds = array<i64: 5>, scalar_prefetch = 0 : i64, scratch_operands = 1 : i64, tpu.core_type = #tpu.core_type<tc>, window_params = [{transform_indices = @transform_0, window_bounds = array<i64: 2, 2, 2048, 128>}, {transform_indices = @transform_1, window_bounds = array<i64: 2048, 1>}, {pipeline_mode = #tpu.pipeline_mode<synchronous>, transform_indices = @transform_2, window_bounds = array<i64: 128, 256>}, {pipeline_mode = #tpu.pipeline_mode<synchronous>, transform_indices = @transform_3, window_bounds = array<i64: 128, 256>}, {pipeline_mode = #tpu.pipeline_mode<synchronous>, transform_indices = @transform_4, window_bounds = array<i64: 1, 256>}, {pipeline_mode = #tpu.pipeline_mode<synchronous>, transform_indices = @transform_5, window_bounds = array<i64: 256, 128>}, {pipeline_mode = #tpu.pipeline_mode<synchronous>, transform_indices = @transform_6, window_bounds = array<i64: 1, 128>}, {pipeline_mode = #tpu.pipeline_mode<synchronous>, transform_indices = @transform_7, window_bounds = array<i64: 1, 128>}]} {
    %get3A = arith.constant 0 : index
    %get3A_0 = arith.constant 0 : index
    %get3A_1 = vector.load %arg2[%get3A, %get3A_0] : memref<2048x1xf32, #tpu.memory_space<vmem>>, vector<2048x1xf32>
    %get3A_2 = arith.constant 0 : index
    %get3A_3 = arith.constant 0 : index
    %get3A_4 = arith.constant 0 : index
    %get3A_5 = arith.constant 0 : index
    %get3A_6 = vector.load %arg1[%get3A_2, %get3A_3, %get3A_4, %get3A_5] : memref<2x2x2048x128xf32, #tpu.memory_space<vmem>>, vector<1x1x2048x128xf32>
    %get3A_7 = vector.shape_cast %get3A_6 : vector<1x1x2048x128xf32> to vector<2048x128xf32>
    %get3A_8 = arith.constant 0 : index
    %get3A_9 = arith.constant 1 : index
    %get3A_10 = arith.constant 0 : index
    %get3A_11 = arith.constant 0 : index
    %get3A_12 = vector.load %arg1[%get3A_8, %get3A_9, %get3A_10, %get3A_11] : memref<2x2x2048x128xf32, #tpu.memory_space<vmem>>, vector<1x1x2048x128xf32>
    %get3A_13 = vector.shape_cast %get3A_12 : vector<1x1x2048x128xf32> to vector<2048x128xf32>
    %add3A = arith.addf %get3A_7, %get3A_13 : vector<2048x128xf32>
    %mul3A = vector.broadcast %get3A_1 : vector<2048x1xf32> to vector<2048x128xf32>
    %mul3A_14 = arith.mulf %add3A, %mul3A : vector<2048x128xf32>
    %get3A_15 = arith.constant 1 : index
    %get3A_16 = arith.constant 0 : index
    %get3A_17 = arith.constant 0 : index
    %get3A_18 = arith.constant 0 : index
    %get3A_19 = vector.load %arg1[%get3A_15, %get3A_16, %get3A_17, %get3A_18] : memref<2x2x2048x128xf32, #tpu.memory_space<vmem>>, vector<1x1x2048x128xf32>
    %get3A_20 = vector.shape_cast %get3A_19 : vector<1x1x2048x128xf32> to vector<2048x128xf32>
    %get3A_21 = arith.constant 1 : index
    %get3A_22 = arith.constant 1 : index
    %get3A_23 = arith.constant 0 : index
    %get3A_24 = arith.constant 0 : index
    %get3A_25 = vector.load %arg1[%get3A_21, %get3A_22, %get3A_23, %get3A_24] : memref<2x2x2048x128xf32, #tpu.memory_space<vmem>>, vector<1x1x2048x128xf32>
    %get3A_26 = vector.shape_cast %get3A_25 : vector<1x1x2048x128xf32> to vector<2048x128xf32>
    %add3A_27 = arith.addf %get3A_20, %get3A_26 : vector<2048x128xf32>
    %mul3A_28 = vector.broadcast %get3A_1 : vector<2048x1xf32> to vector<2048x128xf32>
    %mul3A_29 = arith.mulf %add3A_27, %mul3A_28 : vector<2048x128xf32>
    %get3A_30 = arith.constant 0 : index
    %get3A_31 = arith.constant 0 : index
    %get3A_32 = vector.load %arg3[%get3A_30, %get3A_31] : memref<128x256xf32, #tpu.memory_space<vmem>>, vector<128x256xf32>
    %dot_general3A = arith.constant dense<0.000000e+00> : vector<2048x256xf32>
    %dot_general3A_33 = tpu.matmul %mul3A_14, %get3A_32, %dot_general3A {dimension_numbers = #tpu.dot_dimension_numbers<[1], [0], [0], [1], [0, 0, 1, 1], [], []>, transpose_lhs_hint = false} : vector<2048x128xf32>, vector<128x256xf32>, vector<2048x256xf32> -> vector<2048x256xf32>
    %get3A_34 = arith.constant 0 : index
    %get3A_35 = arith.constant 0 : index
    %get3A_36 = vector.load %arg4[%get3A_34, %get3A_35] : memref<128x256xf32, #tpu.memory_space<vmem>>, vector<128x256xf32>
    %dot_general3A_37 = arith.constant dense<0.000000e+00> : vector<2048x256xf32>
    %dot_general3A_38 = tpu.matmul %mul3A_29, %get3A_36, %dot_general3A_37 {dimension_numbers = #tpu.dot_dimension_numbers<[1], [0], [0], [1], [0, 0, 1, 1], [], []>, transpose_lhs_hint = false} : vector<2048x128xf32>, vector<128x256xf32>, vector<2048x256xf32> -> vector<2048x256xf32>
    %add3A_39 = arith.addf %dot_general3A_33, %dot_general3A_38 : vector<2048x256xf32>
    %get3A_40 = arith.constant 0 : index
    %get3A_41 = arith.constant 0 : index
    %get3A_42 = vector.load %arg5[%get3A_40, %get3A_41] : memref<1x256xf32, #tpu.memory_space<vmem>>, vector<1x256xf32>
    %add3A_43 = vector.broadcast %get3A_42 : vector<1x256xf32> to vector<2048x256xf32>
    %add3A_44 = arith.addf %add3A_39, %add3A_43 : vector<2048x256xf32>
    %max3A = arith.constant 0.000000e+00 : f32
    %max3A_45 = vector.broadcast %max3A : f32 to vector<2048x256xf32>
    %max3A_46 = arith.maximumf %add3A_44, %max3A_45 : vector<2048x256xf32>
    %iota3A = tpu.iota {dimensions = array<i32: 0>} : vector<2048x1xi32>
    %mul3A_47 = arith.constant 2048 : i32
    %mul3A_48 = arith.muli %arg0, %mul3A_47 : i32
    %add3A_49 = vector.broadcast %mul3A_48 : i32 to vector<2048x1xi32>
    %add3A_50 = arith.addi %iota3A, %add3A_49 : vector<2048x1xi32>
    %lt3A = arith.constant 10000 : i32
    %lt3A_51 = vector.broadcast %lt3A : i32 to vector<2048x1xi32>
    %lt3A_52 = arith.cmpi slt, %add3A_50, %lt3A_51 : vector<2048x1xi32>
    %jit3A = arith.constant 0.000000e+00 : f32
    %broadcast_in_dim3A = vector.shape_cast %lt3A_52 : vector<2048x1xi1> to vector<2048x1xi1>
    %broadcast_in_dim3A_53 = vector.broadcast %broadcast_in_dim3A : vector<2048x1xi1> to vector<2048x256xi1>
    %broadcast_in_dim3A_54 = vector.broadcast %jit3A : f32 to vector<2048x256xf32>
    %select_n3A = arith.select %broadcast_in_dim3A_53, %max3A_46, %broadcast_in_dim3A_54 : vector<2048x256xi1>, vector<2048x256xf32>
    %reduce_max3A = arith.constant dense<0xFF800000> : vector<256xf32>
    %reduce_max3A_55 = vector.multi_reduction <maximumf>, %select_n3A, %reduce_max3A [0] : vector<2048x256xf32> to vector<256xf32>
    %broadcast_in_dim3A_56 = vector.shape_cast %reduce_max3A_55 : vector<256xf32> to vector<1x256xf32>
    %eq3A = arith.constant 0 : i32
    %eq3A_57 = arith.cmpi eq, %arg0, %eq3A : i32
    %convert_element_type3A = arith.extui %eq3A_57 : i1 to i32
    %cond3A = arith.constant 0 : i32
    %cond3A_58 = arith.cmpi ne, %convert_element_type3A, %cond3A : i32
    scf.if %cond3A_58 {
      %swap3A = arith.constant 0 : index
      %swap3A_68 = arith.constant 0 : index
      %swap3A_69 = vector.load %arg9[%swap3A, %swap3A_68] : memref<1x256xf32, #tpu.memory_space<vmem>>, vector<1x256xf32>
      tpu.vector_store %arg9[%swap3A, %swap3A_68], %broadcast_in_dim3A_56 {strides = array<i32>} : memref<1x256xf32, #tpu.memory_space<vmem>>, vector<1x256xf32>,
    } else {
    }
    %gt3A = arith.constant 0 : i32
    %gt3A_59 = arith.cmpi sgt, %arg0, %gt3A : i32
    %convert_element_type3A_60 = arith.extui %gt3A_59 : i1 to i32
    %cond3A_61 = arith.constant 0 : i32
    %cond3A_62 = arith.cmpi ne, %convert_element_type3A_60, %cond3A_61 : i32
    scf.if %cond3A_62 {
      %get3A_68 = arith.constant 0 : index
      %get3A_69 = arith.constant 0 : index
      %get3A_70 = vector.load %arg9[%get3A_68, %get3A_69] : memref<1x256xf32, #tpu.memory_space<vmem>>, vector<1x256xf32>
      %max3A_71 = arith.maximumf %get3A_70, %broadcast_in_dim3A_56 : vector<1x256xf32>
      %swap3A = arith.constant 0 : index
      %swap3A_72 = arith.constant 0 : index
      %swap3A_73 = vector.load %arg9[%swap3A, %swap3A_72] : memref<1x256xf32, #tpu.memory_space<vmem>>, vector<1x256xf32>
      tpu.vector_store %arg9[%swap3A, %swap3A_72], %max3A_71 {strides = array<i32>} : memref<1x256xf32, #tpu.memory_space<vmem>>, vector<1x256xf32>,
    } else {
    }
    %eq3A_63 = arith.constant 4 : i32
    %eq3A_64 = arith.cmpi eq, %arg0, %eq3A_63 : i32
    %convert_element_type3A_65 = arith.extui %eq3A_64 : i1 to i32
    %cond3A_66 = arith.constant 0 : i32
    %cond3A_67 = arith.cmpi ne, %convert_element_type3A_65, %cond3A_66 : i32
    scf.if %cond3A_67 {
      %get3A_68 = arith.constant 0 : index
      %get3A_69 = arith.constant 0 : index
      %get3A_70 = vector.load %arg9[%get3A_68, %get3A_69] : memref<1x256xf32, #tpu.memory_space<vmem>>, vector<1x256xf32>
      %get3A_71 = arith.constant 0 : index
      %get3A_72 = arith.constant 0 : index
      %get3A_73 = vector.load %arg6[%get3A_71, %get3A_72] : memref<256x128xf32, #tpu.memory_space<vmem>>, vector<256x128xf32>
      %dot_general3A_74 = arith.constant dense<0.000000e+00> : vector<1x128xf32>
      %dot_general3A_75 = tpu.matmul %get3A_70, %get3A_73, %dot_general3A_74 {dimension_numbers = #tpu.dot_dimension_numbers<[1], [0], [0], [1], [0, 0, 1, 1], [], []>, transpose_lhs_hint = false} : vector<1x256xf32>, vector<256x128xf32>, vector<1x128xf32> -> vector<1x128xf32>
      %get3A_76 = arith.constant 0 : index
      %get3A_77 = arith.constant 0 : index
      %get3A_78 = vector.load %arg7[%get3A_76, %get3A_77] : memref<1x128xf32, #tpu.memory_space<vmem>>, vector<1x128xf32>
      %add3A_79 = arith.addf %dot_general3A_75, %get3A_78 : vector<1x128xf32>
      %swap3A = arith.constant 0 : index
      %swap3A_80 = arith.constant 0 : index
      %swap3A_81 = vector.load %arg8[%swap3A, %swap3A_80] : memref<1x128xf32, #tpu.memory_space<vmem>>, vector<1x128xf32>
      tpu.vector_store %arg8[%swap3A, %swap3A_80], %add3A_79 {strides = array<i32>} : memref<1x128xf32, #tpu.memory_space<vmem>>, vector<1x128xf32>,
    } else {
    }
    return
  }
  func.func @transform_0(%arg0: i32) -> (i32, i32, i32, i32) {
    %c0_i32 = arith.constant 0 : i32
    %c0_i32_0 = arith.constant 0 : i32
    %c0_i32_1 = arith.constant 0 : i32
    %c0_i32_2 = arith.constant 0 : i32
    return %c0_i32, %c0_i32_0, %arg0, %c0_i32_1 : i32, i32, i32, i32
  }
  func.func @transform_1(%arg0: i32) -> (i32, i32) {
    %c0_i32 = arith.constant 0 : i32
    %c0_i32_0 = arith.constant 0 : i32
    return %arg0, %c0_i32 : i32, i32
  }
  func.func @transform_2(%arg0: i32) -> (i32, i32) {
    %c0_i32 = arith.constant 0 : i32
    %c0_i32_0 = arith.constant 0 : i32
    %c0_i32_1 = arith.constant 0 : i32
    return %c0_i32, %c0_i32_0 : i32, i32
  }
  func.func @transform_3(%arg0: i32) -> (i32, i32) {
    %c0_i32 = arith.constant 0 : i32
    %c0_i32_0 = arith.constant 0 : i32
    %c0_i32_1 = arith.constant 0 : i32
    return %c0_i32, %c0_i32_0 : i32, i32
  }
  func.func @transform_4(%arg0: i32) -> (i32, i32) {
    %c0_i32 = arith.constant 0 : i32
    %c0_i32_0 = arith.constant 0 : i32
    %c0_i32_1 = arith.constant 0 : i32
    return %c0_i32, %c0_i32_0 : i32, i32
  }
  func.func @transform_5(%arg0: i32) -> (i32, i32) {
    %c0_i32 = arith.constant 0 : i32
    %c0_i32_0 = arith.constant 0 : i32
    %c0_i32_1 = arith.constant 0 : i32
    return %c0_i32, %c0_i32_0 : i32, i32
  }
  func.func @transform_6(%arg0: i32) -> (i32, i32) {
    %c0_i32 = arith.constant 0 : i32
    %c0_i32_0 = arith.constant 0 : i32
    %c0_i32_1 = arith.constant 0 : i32
    return %c0_i32, %c0_i32_0 : i32, i32
  }
  func.func @transform_7(%arg0: i32) -> (i32, i32) {
    %c0_i32 = arith.constant 0 : i32
    %c0_i32_0 = arith.constant 0 : i32
    %c0_i32_1 = arith.constant 0 : i32
    return %c0_i32, %c0_i32_0 : i32, i32
  }
}

</mosaic_0001>

<sc_bundles>
// kernel: kernel.11.cloned.1.call-start
scs
__scs_entry_jumppad:
0x0: {  	(pc) =	sbr.rel $0x88, $3  }
0x1: {  	(tag) =	ssettag $0x0;
	lr =	simm.s32 $0x1  }
0x2: {  	[smem:$0x3F99] =	sst lr;
	_ =	strace $0xD0000000  }
0x3: {  	_ = 	snop  }
0x4: {  	_ = 	snop  }
0x5: {  	_ = 	snop  }
0x6: {  	_ = 	snop  }
0x7: {  	_ = 	snop  }
__scs_overlays_trampoline_lowered:
0x8: {  	[smem:$0x3FA8] =	sst s0  }
0x9: {  	[smem:$0x3FA9] =	sst s1  }
0xa: {  	[smem:$0x3FAA] =	sst s2  }
0xb: {  	[smem:$0x3FAB] =	sst s3  }
0xc: {  	[smem:$0x3FAC] =	sst s4  }
0xd: {  	[smem:$0x3FAD] =	sst s5  }
0xe: {  	[smem:$0x3FAE] =	sst s6  }
0xf: {  	[smem:$0x3FAF] =	sst s7  }
0x10: {  	[smem:$0x3FB0] =	sst s8  }
0x11: {  	[smem:$0x3FB1] =	sst s9;
	s0 =	simm.s32 @!p0 $0x0  }
0x12: {  	s1 =	sld [smem:$0x3F97];
	s0 =	simm.s32 @p0 $0x1  }
0x13: {  	[smem:$0x3FB2] =	sst s0;
	s0 =	simm.s32 @!p1 $0x0  }
0x14: {  	s2 =	sld [smem:$0x3F96];
	s0 =	simm.s32 @p1 $0x1  }
0x15: {  	[smem:$0x3FB3] =	sst s0;
	s0 =	simm.s32 @!p2 $0x0  }
0x16: {  	s3 =	sld [smem:$0x3FDB];
	s0 =	simm.s32 @p2 $0x1  }
0x17: {  	s4 =	simm.s32 $0x1BF5;
	[smem:$0x3FB5] =	sst s0  }
0x18: {  	s0 =	sld [smem:$0x3F98];
	_ =	swait.ge [sflag:s4], $0x0  }
0x19: {  	s7 =	sld [smem:$0x3F99]  }
0x1a: {  	s8 =	sadd.s32 $0xFFFFE003, lr  }
0x1b: {  	s9 =	sadd.s32 $0xFFFFFEF7, lr;
	s5 =	simm.s32 $0xFFFFFFFF;
	p2 =	slt.u32 s8, $0xFFFFF086  }
0x1c: {  	p1 =	slt.u32 s9, $0xF7A;
	s5 =	simm.s32 @!p2 $0x0  }
0x1d: {  	s5 =	simm.s32 @p1 $0x1;
	p0 =	seq.s32 s7, s2  }
0x1e: {  	s7 =	smul.u32 @!p0 $0xF7A, s2;
	p2 =	seq.s32 @!p0 s5, $0x0  }
0x1f: {  	s9 =	smul.u32 $0xF7A, s1;
	s8 =	simm.s32 @!p0 $0x1BF5;
	p2 =	por !p2, p0  }
0x20: {  	[sflag:s8] =	ssyncset.s32 @!p0 $0xFFFFF086;
	s6 =	sadd.s32 @!p0 s3, s7;
	s7 =	simm.s32 @!p0 $0x108  }
0x21: {  	s3 =	sadd.s32 s3, s9;
	s6 =	sadd.s32 @!p0 $0x88, s6;
	s7 =	simm.s32 @p2 $0x1082  }
0x22: {  	[simem:s7], [sflag:s8] =	dma.local @!p0 [hbm:s6], $0xF7A  }
0x23: {  	s9 =	sor.u32 $0xD0000000, s2;
	s6 =	simm.s32 $0x108;
	_ =	swait.ge @!p0 [sflag:s8], $0x0  }
0x24: {  	s3 =	sadd.s32 $0x88, s3;
	s6 =	simm.s32 @!p1 $0x1082;
	[sflag:s4] =	ssyncset.s32 $0xFFFFF086  }
0x25: {  	[simem:s6], [sflag:s4] =	dma.local [hbm:s3], $0xF7A  }
0x26: {  	[smem:$0x3F99] =	sst s1;
	(tag) =	ssettag s2;
	_ =	strace s9  }
0x27: {  	s1 =	sld [smem:$0x3FA9]  }
0x28: {  	s2 =	sld [smem:$0x3FAA]  }
0x29: {  	s4 =	sld [smem:$0x3FAC]  }
0x2a: {  	p0 =	seq.s32 s5, $0x0;
	s5 =	sld [smem:$0x3FAD]  }
0x2b: {  	s6 =	sld [smem:$0x3FAE]  }
0x2c: {  	s7 =	sld [smem:$0x3FAF]  }
0x2d: {  	s3 =	simm.s32 $0x108;
	s8 =	sld [smem:$0x3FB0]  }
0x2e: {  	s3 =	simm.s32 @!p0 $0x1082;
	s9 =	sld [smem:$0x3FB1]  }
0x2f: {  	lr =	sadd.s32 s0, s3;
	s0 =	sld [smem:$0x3FA8]  }
0x30: {  	s3 =	sld [smem:$0x3FAB]  }
0x31: {  	[smem:$0x3FB4] =	sst s10  }
0x32: {  	s10 =	sld [smem:$0x3FB2];
	_ =	sdelay $0x3  }
0x33: {  	p0 =	seq.s32 s10, $0x1;
	s10 =	sld [smem:$0x3FB4];
	_ =	sdelay $0x3  }
0x34: {  	[smem:$0x3FB4] =	sst s10  }
0x35: {  	s10 =	sld [smem:$0x3FB3];
	_ =	sdelay $0x3  }
0x36: {  	p1 =	seq.s32 s10, $0x1;
	s10 =	sld [smem:$0x3FB4];
	_ =	sdelay $0x3  }
0x37: {  	[smem:$0x3FB4] =	sst s10  }
0x38: {  	s10 =	sld [smem:$0x3FB5]  }
0x39: {  	_ = 	snop;
	(pc) =	sbr.ind lr, $3  }
0x3a: {  	_ = 	snop  }
0x3b: {  	_ = 	snop  }
0x3c: {  	p2 =	seq.s32 s10, $0x1;
	s10 =	sld [smem:$0x3FB4]  }
0x3d: {  	_ =	shalt  }
0x3e: {  	_ =	shalt  }
0x3f: {  	_ =	shalt  }
0x40: {  	_ =	shalt  }
0x41: {  	_ =	shalt  }
0x42: {  	_ =	shalt  }
0x43: {  	_ =	shalt  }
0x44: {  	_ =	shalt  }
0x45: {  	_ =	shalt  }
0x46: {  	_ =	shalt  }
0x47: {  	_ =	shalt  }
0x48: {  	_ =	shalt  }
0x49: {  	_ =	shalt  }
0x4a: {  	_ =	shalt  }
0x4b: {  	_ =	shalt  }
0x4c: {  	_ =	shalt  }
0x4d: {  	_ =	shalt  }
0x4e: {  	_ =	shalt  }
0x4f: {  	_ =	shalt  }
0x50: {  	_ =	shalt  }
0x51: {  	_ =	shalt  }
0x52: {  	_ =	shalt  }
0x53: {  	_ =	shalt  }
0x54: {  	_ =	shalt  }
0x55: {  	_ =	shalt  }
0x56: {  	_ =	shalt  }
0x57: {  	_ =	shalt  }
0x58: {  	_ =	shalt  }
0x59: {  	_ =	shalt  }
0x5a: {  	_ =	shalt  }
0x5b: {  	_ =	shalt  }
0x5c: {  	_ =	shalt  }
0x5d: {  	_ =	shalt  }
0x5e: {  	_ =	shalt  }
0x5f: {  	_ =	shalt  }
0x60: {  	_ =	shalt  }
0x61: {  	_ =	shalt  }
0x62: {  	_ =	shalt  }
0x63: {  	_ =	shalt  }
0x64: {  	_ =	shalt  }
0x65: {  	_ =	shalt  }
0x66: {  	_ =	shalt  }
0x67: {  	_ =	shalt  }
0x68: {  	_ =	shalt  }
0x69: {  	_ =	shalt  }
0x6a: {  	_ =	shalt  }
0x6b: {  	_ =	shalt  }
0x6c: {  	_ =	shalt  }
0x6d: {  	_ =	shalt  }
0x6e: {  	_ =	shalt  }
0x6f: {  	_ =	shalt  }
0x70: {  	_ =	shalt  }
0x71: {  	_ =	shalt  }
0x72: {  	_ =	shalt  }
0x73: {  	_ =	shalt  }
0x74: {  	_ =	shalt  }
0x75: {  	_ =	shalt  }
0x76: {  	_ =	shalt  }
0x77: {  	_ =	shalt  }
0x78: {  	_ =	shalt  }
0x79: {  	_ =	shalt  }
0x7a: {  	_ =	shalt  }
0x7b: {  	_ =	shalt  }
0x7c: {  	_ =	shalt  }
0x7d: {  	_ =	shalt  }
0x7e: {  	_ =	shalt  }
0x7f: {  	_ =	shalt  }
0x80: {  	_ =	shalt  }
0x81: {  	_ =	shalt  }
0x82: {  	_ =	shalt  }
0x83: {  	_ =	shalt  }
0x84: {  	_ =	shalt  }
0x85: {  	_ =	shalt  }
0x86: {  	_ =	shalt  }
0x87: {  	_ =	shalt  }
.Lfunc_end0:
.L_simem_size_0:
called_computation.1_lowered:
.L_overlay_start_0:
0x88: {  	s2 =	sld [smem:$0x3FD9]  }
0x89: {  	s3 =	sld [smem:$0x3FFE];
	_ =	sdelay $0x1  }
0x8a: {  	s1 =	srdreg.scid  }
0x8b: {  	s0 =	sand.u32 $0x1, s1  }
0x8c: {  	s16 =	sshll.u32 s0, $0xA;
	s2 =	sadd.s32 s3, s2  }
0x8d: {  	s2 =	sadd.s32 s2, s16  }
0x8e: {  	[smem:$0x3FC0] =	sst s2  }
0x8f: {  	_ = 	snop  }
0x90: {  	(tm) =	ssettm $0x1  }
0x91: {  	s17 =	sld [smem:$0x3FFB];
	_ =	sdelay $0x3  }
0x92: {  	_ =	strace s17  }
0x93: {  	s2 =	sld [smem:$0x3FFC];
	_ =	sdelay $0x3  }
0x94: {  	_ =	strace s2  }
0x95: {  	s2 =	sld [smem:$0x3FFD];
	_ =	sdelay $0x3  }
0x96: {  	_ =	strace s2  }
0x97: {  	_ =	strace $0x8FFFFFFF  }
0x98: {  	s18 =	sld [smem:$0x3FDB];
	_ =	sdelay $0x1  }
0x99: {  	s19 =	simm.s32 $_scs_section_size  }
0x9a: {  	s4 =	simm.s32 $_size__tile_overlayer_lowered;
	s5 =	simm.s32 $_tile_overlayer_lowered  }
0x9b: {  	s22 =	simm.s32 $0x1BFF;
	s21 =	sshll.u32 s5, $0x1;
	s2 =	sadd.s32 s19, s18  }
0x9c: {  	s6 =	simm.s32 $0x0;
	s20 =	sshll.u32 s4, $0x1;
	s4 =	sadd.s32 s21, s2  }
0x9d: {  	[timem:s6], [sflag:s22] =	dma.local [hbm:s4], s20  }
0x9e: {  	_ =	swait.ge [sflag:s22], s20  }
0x9f: {  	s3 =	ssub.s32 $0x0, s20;
	[sflag:s22] =	ssyncset.done $0x0  }
0xa0: {  	[sflag:s22] =	ssyncadd.s32 s3;
	_ =	sdelay $0x1  }
0xa1: {  	s23 =	simm.s32 $0x1B8B  }
0xa2: {  	_ =	swait.ge [sflag:s23], $0x1  }
0xa3: {  	[sflag:s23] =	ssyncset.done $0x0  }
0xa4: {  	s25 =	simm.s32 $0x1B8E;
	s24 =	sld [smem:$0x3FFE];
	[sflag:s23] =	ssyncadd.s32 $0xFFFFFFFF  }
0xa5: {  	s26 =	simm.s32 $execute0_lowered;
	[smem:$0x3FD2] =	sst s25  }
0xa6: {  	s4 =	sshll.u32 s26, $0x1;
	_ =	strace $0x80000049;
	[dreg:$0x1] =	wrdreg $0xFFFFFFFF  }
0xa7: {  	s28 =	simm.s32 $_size_execute0_lowered;
	s2 =	sadd.s32 s2, s4;
	[dreg:$0x0] =	wrdreg $0x0  }
0xa8: {  	s4 =	sshll.u32 s28, $0x1;
	[dreg:$0x2] =	wrdreg s2  }
0xa9: {  	[dreg:$0x3] =	wrdreg s4  }
0xaa: {  	[dreg:$0x4] =	wrdreg $0xC0  }
0xab: {  	_ =	task [dreg:s6], $0x5FFFF  }
0xac: {  	[dreg:$0x1] =	wrdreg $0xFFFFFFFF  }
0xad: {  	[dreg:$0x0] =	wrdreg $0x60  }
0xae: {  	[dreg:$0x2] =	wrdreg s24  }
0xaf: {  	[dreg:$0x3] =	wrdreg $0xB0000  }
0xb0: {  	[dreg:$0x4] =	wrdreg $0x9  }
0xb1: {  	_ =	task.clear_ibuf [dreg:s6], $0x5FFFF;
	_ =	strace $0x90000049  }
0xb2: {  	s29 =	simm.s32 $0x9;
	_ =	strace $0x8000004B  }
0xb3: {  	_ =	swait.ge [sflag:s29], $0x1  }
0xb4: {  	[sflag:s29] =	ssyncadd.s32 $0xFFFFFFFF  }
0xb5: {  	_ =	strace $0x9000004B  }
0xb6: {  	_ =	sfence  }
0xb7: {  	s30 =	sld [smem:$0x0];
	_ =	sdelay $0x2  }
0xb8: {  	s31 =	sshll.u32 s1, $0xD;
	s1 =	sshrl.u32 s1, $0x2  }
0xb9: {  	s3 =	sand.u32 $0x4000, s31;
	s1 =	sadd.s32 s1, s30  }
0xba: {  	s0 =	sor.u32 s3, s0;
	s1 =	sshll.u32 s1, $0x11  }
0xbb: {  	s0 =	sor.u32 s1, s0  }
0xbc: {  	s0 =	sadd.s32 $0x8F2B, s0  }
0xbd: {  	[sflag:s0] =	ssyncadd.remote.s32 $0x1  }
0xbe: {  	_ =	sfence.sel $0xFFFF  }
0xbf: {  	[dreg:$0x0] =	wrdreg $0xFFFFFFFF;
	(pc) =	sbr.abs _section_cstart, $3  }
0xc0: {  	[dreg:$0x1] =	wrdreg $0xFFFFFFFF  }
0xc1: {  	_ =	task.clear_ibuf [dreg:s6], $0x2FFFF;
	_ =	strace $0x9FFFFFFF  }
0xc2: {  	(tm) =	ssettm $0x7FFFFFFF  }
0xc3: {  	_ =	shalt  }
tec
execute0_lowered:
.L_overlay_start_1:
0x0: {  	(tag) =	ssettag $0x1  }
0x1: {  	s3 =	srdreg.scid;
	s9 =	stileid.u32  }
0x2: {  	s0 =	rddreg [dreg:$0x0];
	s3 =	sand.u32 $0x1, s3;
	s6 =	smul.u32 $0x50000, s9  }
0x3: {  	s1 =	rddreg [dreg:$0x1];
	s5 =	smul.u32 $0x5000, s3  }
0x4: {  	s2 =	simm.s32 $0x0;
	s7 =	smul.u32 $0x28000, s3;
	s3 =	ssub.s32 $0x2, s3  }
0x5: {  	[smem:$0x7FF] =	sst s2;
	s8 =	sadd.s32 $0x3E400, s0;
	s11 =	sshrl.u32 s3, $0x1  }
0x6: {  	_ =	strace $0x8000004A;
	s6 =	sshrl.u32 s6, $0x2;
	s3 =	ssub.s32 s3, s11  }
0x7: {  	[dreg:$0x3] =	wrdreg s8;
	s6 =	sadd.s32 s6, s1;
	s3 =	smax.u32 s3, $0x1  }
0x8: {  	s14 =	sadd.s32 $0x800, s6;
	[dreg:$0x4] =	wrdreg s3  }
0x9: {  	s15 =	sadd.s32 $0x1000, s6;
	[dreg:$0x5] =	wrdreg s14  }
0xa: {  	s16 =	sadd.s32 $0x1800, s6;
	[dreg:$0x6] =	wrdreg s15  }
0xb: {  	s17 =	sadd.s32 $0x2000, s6;
	[dreg:$0x7] =	wrdreg s16  }
0xc: {  	s18 =	sadd.s32 $0x2800, s6;
	[dreg:$0x8] =	wrdreg s17  }
0xd: {  	s19 =	sadd.s32 $0x3000, s6;
	[dreg:$0x9] =	wrdreg s18  }
0xe: {  	s20 =	sadd.s32 $0x3800, s6;
	[dreg:$0xa] =	wrdreg s19  }
0xf: {  	s21 =	sadd.s32 $0x4000, s6;
	[dreg:$0xb] =	wrdreg s20  }
0x10: {  	s22 =	sadd.s32 $0x4800, s6;
	[dreg:$0xc] =	wrdreg s21  }
0x11: {  	s23 =	sadd.s32 $0x5000, s6;
	[dreg:$0xd] =	wrdreg s22  }
0x12: {  	s24 =	sadd.s32 $0x5800, s6;
	[dreg:$0xe] =	wrdreg s23  }
0x13: {  	s4 =	sadd.s32 $0x16400, s0;
	s25 =	sadd.s32 $0x6000, s6;
	[dreg:$0xf] =	wrdreg s24  }
0x14: {  	s5 =	sadd.s32 s5, s0;
	s26 =	sadd.s32 $0x6800, s6;
	[dreg:$0x10] =	wrdreg s25  }
0x15: {  	s0 =	sadd.s32 s7, s0;
	s7 =	sadd.s32 $0x7000, s6;
	[dreg:$0x11] =	wrdreg s26  }
0x16: {  	s13 =	smul.u32 $0x500, s9;
	s8 =	sadd.s32 $0x7800, s6;
	[dreg:$0x12] =	wrdreg s7  }
0x17: {  	s9 =	smul.u32 $0x2800, s9;
	s10 =	sadd.s32 $0x8800, s6;
	[dreg:$0x14] =	wrdreg s8  }
0x18: {  	s0 =	sadd.s32 $0x3E600, s0;
	s11 =	sadd.s32 $0x9000, s6;
	[dreg:$0x16] =	wrdreg s10  }
0x19: {  	s12 =	sadd.s32 $0xC400, s5;
	s0 =	sadd.s32 s9, s0;
	[dreg:$0x17] =	wrdreg s11  }
0x1a: {  	s5 =	sadd.s32 $0x2400, s5;
	s9 =	sadd.s32 $0x8000, s6;
	[dreg:$0x13] =	wrdreg s0  }
0x1b: {  	s21 =	sadd.s32 s13, s12;
	s12 =	sadd.s32 $0x9800, s6;
	[dreg:$0x15] =	wrdreg s9  }
0x1c: {  	s22 =	sadd.s32 s13, s5;
	s13 =	sadd.s32 $0xA000, s6;
	[dreg:$0x18] =	wrdreg s12  }
0x1d: {  	s14 =	sadd.s32 $0xA800, s6;
	[dreg:$0x19] =	wrdreg s13  }
0x1e: {  	s15 =	sadd.s32 $0xB000, s6;
	[dreg:$0x1a] =	wrdreg s14  }
0x1f: {  	s16 =	sadd.s32 $0xB800, s6;
	[dreg:$0x1b] =	wrdreg s15  }
0x20: {  	s17 =	sadd.s32 $0xC000, s6;
	[dreg:$0x1c] =	wrdreg s16  }
0x21: {  	s18 =	sadd.s32 $0xC800, s6;
	[dreg:$0x1d] =	wrdreg s17  }
0x22: {  	s28 =	simm.s32 $0x1400;
	s19 =	sadd.s32 $0xD000, s6;
	[dreg:$0x1e] =	wrdreg s18  }
0x23: {  	s29 =	simm.s32 $0x80;
	s20 =	sadd.s32 $0xD800, s6;
	[dreg:$0x1f] =	wrdreg s19  }
0x24: {  	s30 =	simm.s32 $0x2800;
	s23 =	sadd.s32 $0xE000, s6;
	[smem:$0x7F9] =	sst s20  }
0x25: {  	s31 =	simm.s32 $0x6800;
	s24 =	sadd.s32 $0xE800, s6;
	[smem:$0x7FA] =	sst s23  }
0x26: {  	s25 =	sadd.s32 $0xF000, s6;
	s26 =	sadd.s32 $0xF800, s6;
	[smem:$0x7FB] =	sst s24  }
0x27: {  	s3 =	simm.s32 $0x1;
	s5 =	simm.s32 $0x2;
	[smem:$0x7FC] =	sst s25  }
0x28: {  	s7 =	simm.s32 $0x2700;
	s8 =	simm.s32 $0x2780;
	[smem:$0x7FD] =	sst s26  }
0x29: {  	s15 =	sadd.s32 $0x10000, s6;
	s16 =	sadd.s32 $0x10800, s6;
	s17 =	sadd.s32 $0x11000, s6  }
0x2a: {  	s18 =	sadd.s32 $0x11800, s6;
	s19 =	sadd.s32 $0x12000, s6;
	s20 =	sadd.s32 $0x12800, s6  }
0x2b: {  	s23 =	sadd.s32 $0x13000, s6;
	s24 =	sadd.s32 $0x13800, s6;
	s25 =	simm.s32 $0xA800  }
0x2c: {  	s26 =	simm.s32 $0x4;
	s0 =	simm.s32 $0x3;
	s9 =	simm.s32 $0x0  }
.LBB2_1:
0x2d: {  	s10 =	rddreg [dreg:$0x3]  }
0x2e: {  	[tilespmem:s25], [sflag:$0x4] =	stream.linear.gather [hbm4b:s10+s2], $0x800, $0x38;
	[tilespmem:$0x1F000] =	vst v63  }
0x2f: {  	_ =	swait.ge [sflag:s26], $0x800  }
0x30: {  	[sflag:s26] =	ssyncset.done $0x0  }
0x31: {  	s13 =	rddreg [dreg:$0x5];
	[sflag:s26] =	ssyncadd.s32 $0xFFFFF800  }
0x32: {  	[spmem:s6] =	stream.linear.scatter [tilespmem:s25], [sflag:$0x3], $0x800, $0x38;
	[tilespmem:$0x1F000] =	vst v63  }
0x33: {  	s14 =	rddreg [dreg:$0x6]  }
0x34: {  	[spmem:s13] =	stream.linear.scatter [tilespmem:s25], [sflag:$0x3], $0x800, $0x38;
	[tilespmem:$0x1F000] =	vst v63  }
0x35: {  	s11 =	rddreg [dreg:$0x7]  }
0x36: {  	[spmem:s14] =	stream.linear.scatter [tilespmem:s25], [sflag:$0x3], $0x800, $0x38;
	[tilespmem:$0x1F000] =	vst v63  }
0x37: {  	s12 =	rddreg [dreg:$0x8]  }
0x38: {  	[spmem:s11] =	stream.linear.scatter [tilespmem:s25], [sflag:$0x3], $0x800, $0x38;
	[tilespmem:$0x1F000] =	vst v63  }
0x39: {  	s13 =	rddreg [dreg:$0x9]  }
0x3a: {  	[spmem:s12] =	stream.linear.scatter [tilespmem:s25], [sflag:$0x3], $0x800, $0x38;
	[tilespmem:$0x1F000] =	vst v63  }
0x3b: {  	s14 =	rddreg [dreg:$0xa]  }
0x3c: {  	[spmem:s13] =	stream.linear.scatter [tilespmem:s25], [sflag:$0x3], $0x800, $0x38;
	[tilespmem:$0x1F000] =	vst v63  }
0x3d: {  	s11 =	rddreg [dreg:$0xb]  }
0x3e: {  	[spmem:s14] =	stream.linear.scatter [tilespmem:s25], [sflag:$0x3], $0x800, $0x38;
	[tilespmem:$0x1F000] =	vst v63  }
0x3f: {  	s12 =	rddreg [dreg:$0xc]  }
0x40: {  	[spmem:s11] =	stream.linear.scatter [tilespmem:s25], [sflag:$0x3], $0x800, $0x38;
	[tilespmem:$0x1F000] =	vst v63  }
0x41: {  	s13 =	rddreg [dreg:$0xd]  }
0x42: {  	[spmem:s12] =	stream.linear.scatter [tilespmem:s25], [sflag:$0x3], $0x800, $0x38;
	[tilespmem:$0x1F000] =	vst v63  }
0x43: {  	s14 =	rddreg [dreg:$0xe]  }
0x44: {  	[spmem:s13] =	stream.linear.scatter [tilespmem:s25], [sflag:$0x3], $0x800, $0x38;
	[tilespmem:$0x1F000] =	vst v63  }
0x45: {  	s11 =	rddreg [dreg:$0xf]  }
0x46: {  	[spmem:s14] =	stream.linear.scatter [tilespmem:s25], [sflag:$0x3], $0x800, $0x38;
	[tilespmem:$0x1F000] =	vst v63  }
0x47: {  	s12 =	rddreg [dreg:$0x10]  }
0x48: {  	[spmem:s11] =	stream.linear.scatter [tilespmem:s25], [sflag:$0x3], $0x800, $0x38;
	[tilespmem:$0x1F000] =	vst v63  }
0x49: {  	s13 =	rddreg [dreg:$0x11]  }
0x4a: {  	[spmem:s12] =	stream.linear.scatter [tilespmem:s25], [sflag:$0x3], $0x800, $0x38;
	[tilespmem:$0x1F000] =	vst v63  }
0x4b: {  	s14 =	rddreg [dreg:$0x12]  }
0x4c: {  	[spmem:s13] =	stream.linear.scatter [tilespmem:s25], [sflag:$0x3], $0x800, $0x38;
	[tilespmem:$0x1F000] =	vst v63  }
0x4d: {  	s11 =	rddreg [dreg:$0x14]  }
0x4e: {  	[spmem:s14] =	stream.linear.scatter [tilespmem:s25], [sflag:$0x3], $0x800, $0x38;
	[tilespmem:$0x1F000] =	vst v63  }
0x4f: {  	s12 =	rddreg [dreg:$0x15]  }
0x50: {  	[spmem:s11] =	stream.linear.scatter [tilespmem:s25], [sflag:$0x3], $0x800, $0x38;
	[tilespmem:$0x1F000] =	vst v63  }
0x51: {  	s13 =	rddreg [dreg:$0x16]  }
0x52: {  	[spmem:s12] =	stream.linear.scatter [tilespmem:s25], [sflag:$0x3], $0x800, $0x38;
	[tilespmem:$0x1F000] =	vst v63  }
0x53: {  	s14 =	rddreg [dreg:$0x17]  }
0x54: {  	[spmem:s13] =	stream.linear.scatter [tilespmem:s25], [sflag:$0x3], $0x800, $0x38;
	[tilespmem:$0x1F000] =	vst v63  }
0x55: {  	s11 =	rddreg [dreg:$0x18]  }
0x56: {  	[spmem:s14] =	stream.linear.scatter [tilespmem:s25], [sflag:$0x3], $0x800, $0x38;
	[tilespmem:$0x1F000] =	vst v63  }
0x57: {  	s12 =	rddreg [dreg:$0x19]  }
0x58: {  	[spmem:s11] =	stream.linear.scatter [tilespmem:s25], [sflag:$0x3], $0x800, $0x38;
	[tilespmem:$0x1F000] =	vst v63  }
0x59: {  	s13 =	rddreg [dreg:$0x1a]  }
0x5a: {  	[spmem:s12] =	stream.linear.scatter [tilespmem:s25], [sflag:$0x3], $0x800, $0x38;
	[tilespmem:$0x1F000] =	vst v63  }
0x5b: {  	s14 =	rddreg [dreg:$0x1b]  }
0x5c: {  	[spmem:s13] =	stream.linear.scatter [tilespmem:s25], [sflag:$0x3], $0x800, $0x38;
	[tilespmem:$0x1F000] =	vst v63  }
0x5d: {  	s11 =	rddreg [dreg:$0x1c]  }
0x5e: {  	[spmem:s14] =	stream.linear.scatter [tilespmem:s25], [sflag:$0x3], $0x800, $0x38;
	[tilespmem:$0x1F000] =	vst v63  }
0x5f: {  	s12 =	rddreg [dreg:$0x1d]  }
0x60: {  	[spmem:s11] =	stream.linear.scatter [tilespmem:s25], [sflag:$0x3], $0x800, $0x38;
	[tilespmem:$0x1F000] =	vst v63  }
0x61: {  	s13 =	rddreg [dreg:$0x1e]  }
0x62: {  	[spmem:s12] =	stream.linear.scatter [tilespmem:s25], [sflag:$0x3], $0x800, $0x38;
	[tilespmem:$0x1F000] =	vst v63  }
0x63: {  	s14 =	rddreg [dreg:$0x1f]  }
0x64: {  	[spmem:s13] =	stream.linear.scatter [tilespmem:s25], [sflag:$0x3], $0x800, $0x38;
	[tilespmem:$0x1F000] =	vst v63  }
0x65: {  	s11 =	sld [smem:$0x7F9]  }
0x66: {  	[spmem:s14] =	stream.linear.scatter [tilespmem:s25], [sflag:$0x3], $0x800, $0x38;
	[tilespmem:$0x1F000] =	vst v63  }
0x67: {  	s12 =	sld [smem:$0x7FA]  }
0x68: {  	[spmem:s11] =	stream.linear.scatter [tilespmem:s25], [sflag:$0x3], $0x800, $0x38;
	[tilespmem:$0x1F000] =	vst v63  }
0x69: {  	s13 =	sld [smem:$0x7FB]  }
0x6a: {  	[spmem:s12] =	stream.linear.scatter [tilespmem:s25], [sflag:$0x3], $0x800, $0x38;
	[tilespmem:$0x1F000] =	vst v63  }
0x6b: {  	s14 =	sld [smem:$0x7FC]  }
0x6c: {  	[spmem:s13] =	stream.linear.scatter [tilespmem:s25], [sflag:$0x3], $0x800, $0x38;
	[tilespmem:$0x1F000] =	vst v63  }
0x6d: {  	s11 =	sld [smem:$0x7FD]  }
0x6e: {  	[spmem:s14] =	stream.linear.scatter [tilespmem:s25], [sflag:$0x3], $0x800, $0x38;
	[tilespmem:$0x1F000] =	vst v63  }
0x6f: {  	_ = 	snop  }
0x70: {  	[spmem:s11] =	stream.linear.scatter [tilespmem:s25], [sflag:$0x3], $0x800, $0x38;
	[tilespmem:$0x1F000] =	vst v63  }
0x71: {  	_ = 	snop  }
0x72: {  	[spmem:s15] =	stream.linear.scatter [tilespmem:s25], [sflag:$0x3], $0x800, $0x38;
	[tilespmem:$0x1F000] =	vst v63  }
0x73: {  	_ = 	snop  }
0x74: {  	[spmem:s16] =	stream.linear.scatter [tilespmem:s25], [sflag:$0x3], $0x800, $0x38;
	[tilespmem:$0x1F000] =	vst v63  }
0x75: {  	_ = 	snop  }
0x76: {  	[spmem:s17] =	stream.linear.scatter [tilespmem:s25], [sflag:$0x3], $0x800, $0x38;
	[tilespmem:$0x1F000] =	vst v63  }
0x77: {  	_ = 	snop  }
0x78: {  	[spmem:s18] =	stream.linear.scatter [tilespmem:s25], [sflag:$0x3], $0x800, $0x38;
	[tilespmem:$0x1F000] =	vst v63  }
0x79: {  	_ = 	snop  }
0x7a: {  	[spmem:s19] =	stream.linear.scatter [tilespmem:s25], [sflag:$0x3], $0x800, $0x38;
	[tilespmem:$0x1F000] =	vst v63  }
0x7b: {  	_ = 	snop  }
0x7c: {  	[spmem:s20] =	stream.linear.scatter [tilespmem:s25], [sflag:$0x3], $0x800, $0x38;
	[tilespmem:$0x1F000] =	vst v63  }
0x7d: {  	_ = 	snop  }
0x7e: {  	[spmem:s23] =	stream.linear.scatter [tilespmem:s25], [sflag:$0x3], $0x800, $0x38;
	[tilespmem:$0x1F000] =	vst v63  }
0x7f: {  	_ = 	snop  }
0x80: {  	[spmem:s24] =	stream.linear.scatter [tilespmem:s25], [sflag:$0x3], $0x800, $0x38;
	[tilespmem:$0x1F000] =	vst v63  }
0x81: {  	_ = 	snop  }
0x82: {  	[tilespmem:s2], [sflag:$0x4] =	stream.linear.gather [hbm4b:s21+s2], $0x1400, $0x38;
	[tilespmem:$0x1F000] =	vst v63  }
0x83: {  	_ =	swait.ge [sflag:s26], $0x1400  }
0x84: {  	[sflag:s26] =	ssyncset.done $0x0  }
0x85: {  	[sflag:s26] =	ssyncadd.s32 $0xFFFFEC00  }
0x86: {  	[tilespmem:s28], [sflag:$0x4] =	stream.linear.gather [hbm4b:s22+s2], $0x1400, $0x38;
	[tilespmem:$0x1F000] =	vst v63  }
0x87: {  	_ =	swait.ge [sflag:s26], $0x1400  }
0x88: {  	[sflag:s26] =	ssyncset.done $0x0  }
0x89: {  	[sflag:s26] =	ssyncadd.s32 $0xFFFFEC00  }
0x8a: {  	[tilespmem:s30], [sflag:$0x1] =	stream.indirect.gather [hbm4b:s4+s29], $0x80, s2, s29, $0xb8;
	[tilespmem:$0x1F000] =	vst v63  }
0x8b: {  	_ = 	snop  }
0x8c: {  	[tilespmem:s31], [sflag:$0x2] =	stream.indirect.gather [hbm4b:s4+s29], $0x80, s29, s29, $0xb8;
	[tilespmem:$0x1F000] =	vst v63  }
0x8d: {  	_ =	swait.ge [sflag:s0], $0x2800  }
0x8e: {  	[sflag:s0] =	ssyncset.done $0x0  }
0x8f: {  	[sflag:s0] =	ssyncadd.s32 $0xFFFFD800  }
0x90: {  	[bflag:$0x0] =	sbarrier.arrive $0xFFFF  }
0x91: {  	_ =	swait.ge [sflag:s3], $0x4000  }
0x92: {  	[sflag:s3] =	ssyncset.done $0x0  }
0x93: {  	s12 =	simm.s32 $0x1400;
	[sflag:s3] =	ssyncadd.s32 $0xFFFFC000  }
0x94: {  	[spmem:s1] =	stream.indirect.scatter.add.f32 [tilespmem:s30], [sflag:$0x4], $0x80, s12, s29, $0xb8;
	[tilespmem:$0x1F000] =	vst v63  }
0x95: {  	_ =	swait.ge [sflag:s26], $0x4000  }
0x96: {  	[sflag:s26] =	ssyncset.done $0x0  }
0x97: {  	s13 =	simm.s32 $0x100;
	[sflag:s26] =	ssyncadd.s32 $0xFFFFC000  }
0x98: {  	[tilespmem:s30], [sflag:$0x1] =	stream.indirect.gather [hbm4b:s4+s29], $0x80, s13, s29, $0xb8;
	[tilespmem:$0x1F000] =	vst v63  }
0x99: {  	_ =	swait.ge [sflag:s5], $0x4000  }
0x9a: {  	[sflag:s5] =	ssyncset.done $0x0  }
0x9b: {  	s14 =	simm.s32 $0x1480;
	[sflag:s5] =	ssyncadd.s32 $0xFFFFC000  }
0x9c: {  	[spmem:s1] =	stream.indirect.scatter.add.f32 [tilespmem:s31], [sflag:$0x4], $0x80, s14, s29, $0xb8;
	[tilespmem:$0x1F000] =	vst v63  }
0x9d: {  	_ =	swait.ge [sflag:s26], $0x4000  }
0x9e: {  	s10 =	sadd.s32 $0x280, s22;
	s11 =	sadd.s32 $0x280, s21;
	[sflag:s26] =	ssyncset.done $0x0  }
0x9f: {  	s12 =	simm.s32 $0x400;
	s13 =	simm.s32 $0x180;
	[sflag:s26] =	ssyncadd.s32 $0xFFFFC000  }
.LBB2_2:
0xa0: {  	[tilespmem:s31], [sflag:$0x2] =	stream.indirect.gather [hbm4b:s4+s29], $0x80, s13, s29, $0xb8;
	[tilespmem:$0x1F000] =	vst v63  }
0xa1: {  	s13 =	smov.u32 s12  }
0xa2: {  	p0 =	sne.s32 s12, $0x4800;
	s12 =	sadd.s32 $0x400, s12;
	_ =	swait.ge [sflag:s3], $0x4000  }
0xa3: {  	s13 =	sshra.s32 s13, $0x2;
	[sflag:s3] =	ssyncset.done $0x0  }
0xa4: {  	s14 =	sadd.s32 $0x1400, s13;
	[sflag:s3] =	ssyncadd.s32 $0xFFFFC000  }
0xa5: {  	[spmem:s1] =	stream.indirect.scatter.add.f32 [tilespmem:s30], [sflag:$0x4], $0x80, s14, s29, $0xb8;
	[tilespmem:$0x1F000] =	vst v63  }
0xa6: {  	_ =	swait.ge [sflag:s26], $0x4000  }
0xa7: {  	[sflag:s26] =	ssyncset.done $0x0  }
0xa8: {  	s14 =	sadd.s32 $0x100, s13;
	[sflag:s26] =	ssyncadd.s32 $0xFFFFC000  }
0xa9: {  	[tilespmem:s30], [sflag:$0x1] =	stream.indirect.gather [hbm4b:s4+s29], $0x80, s14, s29, $0xb8;
	[tilespmem:$0x1F000] =	vst v63  }
0xaa: {  	_ =	swait.ge [sflag:s5], $0x4000  }
0xab: {  	[sflag:s5] =	ssyncset.done $0x0  }
.Ltmp0:
0xac: {  	s14 =	sadd.s32 $0x1480, s13;
	[sflag:s5] =	ssyncadd.s32 $0xFFFFC000;
	(pc) =	sbr.rel @p0 .LBB2_2-.Ltmp0, $4  }
0xad: {  	[spmem:s1] =	stream.indirect.scatter.add.f32 [tilespmem:s31], [sflag:$0x4], $0x80, s14, s29, $0xb8;
	[tilespmem:$0x1F000] =	vst v63  }
0xae: {  	_ =	swait.ge [sflag:s26], $0x4000  }
0xaf: {  	[sflag:s26] =	ssyncset.done $0x0  }
0xb0: {  	s13 =	sadd.s32 $0x180, s13;
	[sflag:s26] =	ssyncadd.s32 $0xFFFFC000  }
0xb1: {  	[tilespmem:s31], [sflag:$0x2] =	stream.indirect.gather [hbm4b:s4+s29], $0x80, s13, s29, $0xb8;
	[tilespmem:$0x1F000] =	vst v63  }
0xb2: {  	_ =	swait.ge [sflag:s3], $0x4000  }
0xb3: {  	[sflag:s3] =	ssyncset.done $0x0  }
0xb4: {  	[sflag:s3] =	ssyncadd.s32 $0xFFFFC000  }
0xb5: {  	[spmem:s1] =	stream.indirect.scatter.add.f32 [tilespmem:s30], [sflag:$0x4], $0x80, s7, s29, $0xb8;
	[tilespmem:$0x1F000] =	vst v63  }
0xb6: {  	_ =	swait.ge [sflag:s26], $0x4000  }
0xb7: {  	[sflag:s26] =	ssyncset.done $0x0  }
0xb8: {  	[sflag:s26] =	ssyncadd.s32 $0xFFFFC000  }
0xb9: {  	_ =	swait.ge [sflag:s5], $0x4000  }
0xba: {  	[sflag:s5] =	ssyncset.done $0x0  }
0xbb: {  	[sflag:s5] =	ssyncadd.s32 $0xFFFFC000  }
0xbc: {  	[spmem:s1] =	stream.indirect.scatter.add.f32 [tilespmem:s31], [sflag:$0x4], $0x80, s8, s29, $0xb8;
	[tilespmem:$0x1F000] =	vst v63  }
0xbd: {  	_ =	swait.ge [sflag:s26], $0x4000  }
0xbe: {  	[sflag:s26] =	ssyncset.done $0x0  }
0xbf: {  	s12 =	simm.s32 $0x0;
	[sflag:s26] =	ssyncadd.s32 $0xFFFFC000  }
0xc0: {  	[tilespmem:s12], [sflag:$0x4] =	stream.linear.gather [hbm4b:s11+s12], $0x1400, $0x38;
	[tilespmem:$0x1F000] =	vst v63  }
0xc1: {  	_ =	swait.ge [sflag:s26], $0x1400  }
0xc2: {  	[sflag:s26] =	ssyncset.done $0x0  }
0xc3: {  	[sflag:s26] =	ssyncadd.s32 $0xFFFFEC00  }
0xc4: {  	[tilespmem:s28], [sflag:$0x4] =	stream.linear.gather [hbm4b:s10+s12], $0x1400, $0x38;
	[tilespmem:$0x1F000] =	vst v63  }
0xc5: {  	_ =	swait.ge [sflag:s26], $0x1400  }
0xc6: {  	[sflag:s26] =	ssyncset.done $0x0  }
0xc7: {  	[sflag:s26] =	ssyncadd.s32 $0xFFFFEC00  }
0xc8: {  	[tilespmem:s30], [sflag:$0x1] =	stream.indirect.gather [hbm4b:s4+s29], $0x80, s12, s29, $0xb8;
	[tilespmem:$0x1F000] =	vst v63  }
0xc9: {  	_ = 	snop  }
0xca: {  	[tilespmem:s31], [sflag:$0x2] =	stream.indirect.gather [hbm4b:s4+s29], $0x80, s29, s29, $0xb8;
	[tilespmem:$0x1F000] =	vst v63  }
0xcb: {  	_ =	swait.ge [sflag:s3], $0x4000  }
0xcc: {  	[sflag:s3] =	ssyncset.done $0x0  }
0xcd: {  	s12 =	simm.s32 $0x1400;
	[sflag:s3] =	ssyncadd.s32 $0xFFFFC000  }
0xce: {  	[spmem:s1] =	stream.indirect.scatter.add.f32 [tilespmem:s30], [sflag:$0x4], $0x80, s12, s29, $0xb8;
	[tilespmem:$0x1F000] =	vst v63  }
0xcf: {  	_ =	swait.ge [sflag:s26], $0x4000  }
0xd0: {  	[sflag:s26] =	ssyncset.done $0x0  }
0xd1: {  	s13 =	simm.s32 $0x100;
	[sflag:s26] =	ssyncadd.s32 $0xFFFFC000  }
0xd2: {  	[tilespmem:s30], [sflag:$0x1] =	stream.indirect.gather [hbm4b:s4+s29], $0x80, s13, s29, $0xb8;
	[tilespmem:$0x1F000] =	vst v63  }
0xd3: {  	_ =	swait.ge [sflag:s5], $0x4000  }
0xd4: {  	[sflag:s5] =	ssyncset.done $0x0  }
0xd5: {  	s14 =	simm.s32 $0x1480;
	[sflag:s5] =	ssyncadd.s32 $0xFFFFC000  }
0xd6: {  	[spmem:s1] =	stream.indirect.scatter.add.f32 [tilespmem:s31], [sflag:$0x4], $0x80, s14, s29, $0xb8;
	[tilespmem:$0x1F000] =	vst v63  }
0xd7: {  	_ =	swait.ge [sflag:s26], $0x4000  }
0xd8: {  	[sflag:s26] =	ssyncset.done $0x0  }
0xd9: {  	s11 =	simm.s32 $0x180;
	s10 =	simm.s32 $0x400;
	[sflag:s26] =	ssyncadd.s32 $0xFFFFC000  }
.LBB2_4:
0xda: {  	[tilespmem:s31], [sflag:$0x2] =	stream.indirect.gather [hbm4b:s4+s29], $0x80, s11, s29, $0xb8;
	[tilespmem:$0x1F000] =	vst v63  }
0xdb: {  	s11 =	smov.u32 s10  }
0xdc: {  	p0 =	sne.s32 s10, $0x4800;
	s10 =	sadd.s32 $0x400, s10;
	_ =	swait.ge [sflag:s3], $0x4000  }
0xdd: {  	s11 =	sshra.s32 s11, $0x2;
	[sflag:s3] =	ssyncset.done $0x0  }
0xde: {  	s12 =	sadd.s32 $0x1400, s11;
	[sflag:s3] =	ssyncadd.s32 $0xFFFFC000  }
0xdf: {  	[spmem:s1] =	stream.indirect.scatter.add.f32 [tilespmem:s30], [sflag:$0x4], $0x80, s12, s29, $0xb8;
	[tilespmem:$0x1F000] =	vst v63  }
0xe0: {  	_ =	swait.ge [sflag:s26], $0x4000  }
0xe1: {  	[sflag:s26] =	ssyncset.done $0x0  }
0xe2: {  	s12 =	sadd.s32 $0x100, s11;
	[sflag:s26] =	ssyncadd.s32 $0xFFFFC000  }
0xe3: {  	[tilespmem:s30], [sflag:$0x1] =	stream.indirect.gather [hbm4b:s4+s29], $0x80, s12, s29, $0xb8;
	[tilespmem:$0x1F000] =	vst v63  }
0xe4: {  	_ =	swait.ge [sflag:s5], $0x4000  }
0xe5: {  	[sflag:s5] =	ssyncset.done $0x0  }
.Ltmp1:
0xe6: {  	s12 =	sadd.s32 $0x1480, s11;
	[sflag:s5] =	ssyncadd.s32 $0xFFFFC000;
	(pc) =	sbr.rel @p0 .LBB2_4-.Ltmp1, $4  }
0xe7: {  	[spmem:s1] =	stream.indirect.scatter.add.f32 [tilespmem:s31], [sflag:$0x4], $0x80, s12, s29, $0xb8;
	[tilespmem:$0x1F000] =	vst v63  }
0xe8: {  	_ =	swait.ge [sflag:s26], $0x4000  }
0xe9: {  	[sflag:s26] =	ssyncset.done $0x0  }
0xea: {  	s11 =	sadd.s32 $0x180, s11;
	[sflag:s26] =	ssyncadd.s32 $0xFFFFC000  }
0xeb: {  	[tilespmem:s31], [sflag:$0x2] =	stream.indirect.gather [hbm4b:s4+s29], $0x80, s11, s29, $0xb8;
	[tilespmem:$0x1F000] =	vst v63  }
0xec: {  	_ =	swait.ge [sflag:s3], $0x4000  }
0xed: {  	[sflag:s3] =	ssyncset.done $0x0  }
0xee: {  	[sflag:s3] =	ssyncadd.s32 $0xFFFFC000  }
0xef: {  	[spmem:s1] =	stream.indirect.scatter.add.f32 [tilespmem:s30], [sflag:$0x4], $0x80, s7, s29, $0xb8;
	[tilespmem:$0x1F000] =	vst v63  }
0xf0: {  	_ =	swait.ge [sflag:s26], $0x4000  }
0xf1: {  	[sflag:s26] =	ssyncset.done $0x0  }
0xf2: {  	[sflag:s26] =	ssyncadd.s32 $0xFFFFC000  }
0xf3: {  	_ =	swait.ge [sflag:s5], $0x4000  }
0xf4: {  	[sflag:s5] =	ssyncset.done $0x0  }
0xf5: {  	[sflag:s5] =	ssyncadd.s32 $0xFFFFC000  }
0xf6: {  	[spmem:s1] =	stream.indirect.scatter.add.f32 [tilespmem:s31], [sflag:$0x4], $0x80, s8, s29, $0xb8;
	[tilespmem:$0x1F000] =	vst v63  }
0xf7: {  	_ =	swait.ge [sflag:s26], $0x4000  }
0xf8: {  	[sflag:s26] =	ssyncset.done $0x0  }
0xf9: {  	s10 =	stileid.u32;
	[sflag:s26] =	ssyncadd.s32 $0xFFFFC000  }
0xfa: {  	s10 =	sshll.u32 s10, $0x6;
	[bflag:$0x0] =	sbarrier.arrive $0xFFFF  }
0xfb: {  	s13 =	sshrl.u32 s6, $0x3;
	s10 =	sor.u32 $0x1C04, s10;
	s12 =	rddreg [dreg:$0x13]  }
0xfc: {  	[hbm:s12], [sflag:s10] =	dma.local [spmem:s13], $0x2800  }
0xfd: {  	_ =	swait.ge [sflag:s26], $0x2800  }
0xfe: {  	s9 =	sadd.s32 $0x1, s9;
	s14 =	rddreg [dreg:$0x4]  }
0xff: {  	p0 =	sne.s32 s9, s14  }
.Ltmp2:
0x100: {  	_ = 	snop;
	(pc) =	sbr.rel @p0 .LBB2_1-.Ltmp2, $3  }
0x101: {  	_ =	sdelay $0x1  }
0x102: {  	[sflag:s26] =	ssyncset.done $0x0  }
0x103: {  	[sflag:s26] =	ssyncadd.s32 $0xFFFFD800  }
0x104: {  	_ =	sfence.sel $0x180000  }
0x105: {  	[bflag:$0x0] =	sbarrier.arrive $0xFFFF  }
0x106: {  	_ =	strace $0x9000004A  }
0x107: {  	s0 =	stileid.u32;
	[bflag:$0x2] =	sbarrier.arrive $0xFFFF  }
0x108: {  	p0 =	sne.s32 s0, $0x0;
	s0 =	rddreg [dreg:$0x2]  }
0x109: {  	s0 =	sadd.s32 @!p0 $0x100000, s0  }
0x10a: {  	[sflag:s0] =	ssyncadd.tile.s32 @!p0 $0x1;
	_ =	shalt  }
.Lfunc_end2:
_tile_overlayer_lowered:
.L_overlay_start_2:
0x10b: {  	(tag) =	ssettag $0x2  }
0x10c: {  	s0 =	rddreg [dreg:$0x0];
	s2 =	stileid.u32  }
0x10d: {  	s1 =	rddreg [dreg:$0x1];
	p0 =	sne.s32 s2, $0x0  }
0x10e: {  	s3 =	rddreg [dreg:$0x2];
	[bflag:$0x3] =	sbarrier.arrive $0xFFFF;
	s2 =	simm.s32 @!p0 $0x1C04  }
0x10f: {  	[timem:s3], [sflag:s2] =	dma.local @!p0 [hbm:s0], s1  }
0x110: {  	s0 =	simm.s32 @!p0 $0x4  }
0x111: {  	_ =	swait.ge @!p0 [sflag:s0], s1  }
0x112: {  	s1 =	ssub.s32 @!p0 $0x0, s1;
	[sflag:s0] =	ssyncset.done @!p0 $0x0  }
0x113: {  	[sflag:s0] =	ssyncadd.s32 @!p0 s1  }
0x114: {  	[bflag:$0x3] =	sbarrier.arrive $0xFFFF  }
0x115: {  	_ =	shalt  }

// kernel: kernel.14.cloned.1.call-start
scs
__scs_entry_jumppad:
0x0: {  	(pc) =	sbr.rel $0x88, $3  }
0x1: {  	(tag) =	ssettag $0x0;
	lr =	simm.s32 $0x1  }
0x2: {  	[smem:$0x3F99] =	sst lr;
	_ =	strace $0xD0000000  }
0x3: {  	_ = 	snop  }
0x4: {  	_ = 	snop  }
0x5: {  	_ = 	snop  }
0x6: {  	_ = 	snop  }
0x7: {  	_ = 	snop  }
__scs_overlays_trampoline_lowered:
0x8: {  	[smem:$0x3FA8] =	sst s0  }
0x9: {  	[smem:$0x3FA9] =	sst s1  }
0xa: {  	[smem:$0x3FAA] =	sst s2  }
0xb: {  	[smem:$0x3FAB] =	sst s3  }
0xc: {  	[smem:$0x3FAC] =	sst s4  }
0xd: {  	[smem:$0x3FAD] =	sst s5  }
0xe: {  	[smem:$0x3FAE] =	sst s6  }
0xf: {  	[smem:$0x3FAF] =	sst s7  }
0x10: {  	[smem:$0x3FB0] =	sst s8  }
0x11: {  	[smem:$0x3FB1] =	sst s9;
	s0 =	simm.s32 @!p0 $0x0  }
0x12: {  	s1 =	sld [smem:$0x3F97];
	s0 =	simm.s32 @p0 $0x1  }
0x13: {  	[smem:$0x3FB2] =	sst s0;
	s0 =	simm.s32 @!p1 $0x0  }
0x14: {  	s2 =	sld [smem:$0x3F96];
	s0 =	simm.s32 @p1 $0x1  }
0x15: {  	[smem:$0x3FB3] =	sst s0;
	s0 =	simm.s32 @!p2 $0x0  }
0x16: {  	s3 =	sld [smem:$0x3FDB];
	s0 =	simm.s32 @p2 $0x1  }
0x17: {  	s4 =	simm.s32 $0x1BF5;
	[smem:$0x3FB5] =	sst s0  }
0x18: {  	s0 =	sld [smem:$0x3F98];
	_ =	swait.ge [sflag:s4], $0x0  }
0x19: {  	s7 =	sld [smem:$0x3F99]  }
0x1a: {  	s8 =	sadd.s32 $0xFFFFE003, lr  }
0x1b: {  	s9 =	sadd.s32 $0xFFFFFEF7, lr;
	s5 =	simm.s32 $0xFFFFFFFF;
	p2 =	slt.u32 s8, $0xFFFFF086  }
0x1c: {  	p1 =	slt.u32 s9, $0xF7A;
	s5 =	simm.s32 @!p2 $0x0  }
0x1d: {  	s5 =	simm.s32 @p1 $0x1;
	p0 =	seq.s32 s7, s2  }
0x1e: {  	s7 =	smul.u32 @!p0 $0xF7A, s2;
	p2 =	seq.s32 @!p0 s5, $0x0  }
0x1f: {  	s9 =	smul.u32 $0xF7A, s1;
	s8 =	simm.s32 @!p0 $0x1BF5;
	p2 =	por !p2, p0  }
0x20: {  	[sflag:s8] =	ssyncset.s32 @!p0 $0xFFFFF086;
	s6 =	sadd.s32 @!p0 s3, s7;
	s7 =	simm.s32 @!p0 $0x108  }
0x21: {  	s3 =	sadd.s32 s3, s9;
	s6 =	sadd.s32 @!p0 $0x88, s6;
	s7 =	simm.s32 @p2 $0x1082  }
0x22: {  	[simem:s7], [sflag:s8] =	dma.local @!p0 [hbm:s6], $0xF7A  }
0x23: {  	s9 =	sor.u32 $0xD0000000, s2;
	s6 =	simm.s32 $0x108;
	_ =	swait.ge @!p0 [sflag:s8], $0x0  }
0x24: {  	s3 =	sadd.s32 $0x88, s3;
	s6 =	simm.s32 @!p1 $0x1082;
	[sflag:s4] =	ssyncset.s32 $0xFFFFF086  }
0x25: {  	[simem:s6], [sflag:s4] =	dma.local [hbm:s3], $0xF7A  }
0x26: {  	[smem:$0x3F99] =	sst s1;
	(tag) =	ssettag s2;
	_ =	strace s9  }
0x27: {  	s1 =	sld [smem:$0x3FA9]  }
0x28: {  	s2 =	sld [smem:$0x3FAA]  }
0x29: {  	s4 =	sld [smem:$0x3FAC]  }
0x2a: {  	p0 =	seq.s32 s5, $0x0;
	s5 =	sld [smem:$0x3FAD]  }
0x2b: {  	s6 =	sld [smem:$0x3FAE]  }
0x2c: {  	s7 =	sld [smem:$0x3FAF]  }
0x2d: {  	s3 =	simm.s32 $0x108;
	s8 =	sld [smem:$0x3FB0]  }
0x2e: {  	s3 =	simm.s32 @!p0 $0x1082;
	s9 =	sld [smem:$0x3FB1]  }
0x2f: {  	lr =	sadd.s32 s0, s3;
	s0 =	sld [smem:$0x3FA8]  }
0x30: {  	s3 =	sld [smem:$0x3FAB]  }
0x31: {  	[smem:$0x3FB4] =	sst s10  }
0x32: {  	s10 =	sld [smem:$0x3FB2];
	_ =	sdelay $0x3  }
0x33: {  	p0 =	seq.s32 s10, $0x1;
	s10 =	sld [smem:$0x3FB4];
	_ =	sdelay $0x3  }
0x34: {  	[smem:$0x3FB4] =	sst s10  }
0x35: {  	s10 =	sld [smem:$0x3FB3];
	_ =	sdelay $0x3  }
0x36: {  	p1 =	seq.s32 s10, $0x1;
	s10 =	sld [smem:$0x3FB4];
	_ =	sdelay $0x3  }
0x37: {  	[smem:$0x3FB4] =	sst s10  }
0x38: {  	s10 =	sld [smem:$0x3FB5]  }
0x39: {  	_ = 	snop;
	(pc) =	sbr.ind lr, $3  }
0x3a: {  	_ = 	snop  }
0x3b: {  	_ = 	snop  }
0x3c: {  	p2 =	seq.s32 s10, $0x1;
	s10 =	sld [smem:$0x3FB4]  }
0x3d: {  	_ =	shalt  }
0x3e: {  	_ =	shalt  }
0x3f: {  	_ =	shalt  }
0x40: {  	_ =	shalt  }
0x41: {  	_ =	shalt  }
0x42: {  	_ =	shalt  }
0x43: {  	_ =	shalt  }
0x44: {  	_ =	shalt  }
0x45: {  	_ =	shalt  }
0x46: {  	_ =	shalt  }
0x47: {  	_ =	shalt  }
0x48: {  	_ =	shalt  }
0x49: {  	_ =	shalt  }
0x4a: {  	_ =	shalt  }
0x4b: {  	_ =	shalt  }
0x4c: {  	_ =	shalt  }
0x4d: {  	_ =	shalt  }
0x4e: {  	_ =	shalt  }
0x4f: {  	_ =	shalt  }
0x50: {  	_ =	shalt  }
0x51: {  	_ =	shalt  }
0x52: {  	_ =	shalt  }
0x53: {  	_ =	shalt  }
0x54: {  	_ =	shalt  }
0x55: {  	_ =	shalt  }
0x56: {  	_ =	shalt  }
0x57: {  	_ =	shalt  }
0x58: {  	_ =	shalt  }
0x59: {  	_ =	shalt  }
0x5a: {  	_ =	shalt  }
0x5b: {  	_ =	shalt  }
0x5c: {  	_ =	shalt  }
0x5d: {  	_ =	shalt  }
0x5e: {  	_ =	shalt  }
0x5f: {  	_ =	shalt  }
0x60: {  	_ =	shalt  }
0x61: {  	_ =	shalt  }
0x62: {  	_ =	shalt  }
0x63: {  	_ =	shalt  }
0x64: {  	_ =	shalt  }
0x65: {  	_ =	shalt  }
0x66: {  	_ =	shalt  }
0x67: {  	_ =	shalt  }
0x68: {  	_ =	shalt  }
0x69: {  	_ =	shalt  }
0x6a: {  	_ =	shalt  }
0x6b: {  	_ =	shalt  }
0x6c: {  	_ =	shalt  }
0x6d: {  	_ =	shalt  }
0x6e: {  	_ =	shalt  }
0x6f: {  	_ =	shalt  }
0x70: {  	_ =	shalt  }
0x71: {  	_ =	shalt  }
0x72: {  	_ =	shalt  }
0x73: {  	_ =	shalt  }
0x74: {  	_ =	shalt  }
0x75: {  	_ =	shalt  }
0x76: {  	_ =	shalt  }
0x77: {  	_ =	shalt  }
0x78: {  	_ =	shalt  }
0x79: {  	_ =	shalt  }
0x7a: {  	_ =	shalt  }
0x7b: {  	_ =	shalt  }
0x7c: {  	_ =	shalt  }
0x7d: {  	_ =	shalt  }
0x7e: {  	_ =	shalt  }
0x7f: {  	_ =	shalt  }
0x80: {  	_ =	shalt  }
0x81: {  	_ =	shalt  }
0x82: {  	_ =	shalt  }
0x83: {  	_ =	shalt  }
0x84: {  	_ =	shalt  }
0x85: {  	_ =	shalt  }
0x86: {  	_ =	shalt  }
0x87: {  	_ =	shalt  }
.Lfunc_end0:
.L_simem_size_0:
called_computation.2_lowered:
.L_overlay_start_0:
0x88: {  	s2 =	sld [smem:$0x3FD9]  }
0x89: {  	s3 =	sld [smem:$0x3FFE];
	_ =	sdelay $0x1  }
0x8a: {  	s1 =	srdreg.scid  }
0x8b: {  	s0 =	sand.u32 $0x1, s1  }
0x8c: {  	s16 =	sshll.u32 s0, $0xA;
	s2 =	sadd.s32 s3, s2  }
0x8d: {  	s2 =	sadd.s32 s2, s16  }
0x8e: {  	[smem:$0x3FC0] =	sst s2  }
0x8f: {  	_ = 	snop  }
0x90: {  	(tm) =	ssettm $0x1  }
0x91: {  	s17 =	sld [smem:$0x3FFB];
	_ =	sdelay $0x3  }
0x92: {  	_ =	strace s17  }
0x93: {  	s2 =	sld [smem:$0x3FFC];
	_ =	sdelay $0x3  }
0x94: {  	_ =	strace s2  }
0x95: {  	s2 =	sld [smem:$0x3FFD];
	_ =	sdelay $0x3  }
0x96: {  	_ =	strace s2  }
0x97: {  	_ =	strace $0x8FFFFFFF  }
0x98: {  	s18 =	sld [smem:$0x3FDB];
	_ =	sdelay $0x1  }
0x99: {  	s19 =	simm.s32 $_scs_section_size  }
0x9a: {  	s4 =	simm.s32 $_size__tile_overlayer_lowered;
	s5 =	simm.s32 $_tile_overlayer_lowered  }
0x9b: {  	s22 =	simm.s32 $0x1BFF;
	s21 =	sshll.u32 s5, $0x1;
	s2 =	sadd.s32 s19, s18  }
0x9c: {  	s6 =	simm.s32 $0x0;
	s20 =	sshll.u32 s4, $0x1;
	s4 =	sadd.s32 s21, s2  }
0x9d: {  	[timem:s6], [sflag:s22] =	dma.local [hbm:s4], s20  }
0x9e: {  	_ =	swait.ge [sflag:s22], s20  }
0x9f: {  	s3 =	ssub.s32 $0x0, s20;
	[sflag:s22] =	ssyncset.done $0x0  }
0xa0: {  	[sflag:s22] =	ssyncadd.s32 s3;
	_ =	sdelay $0x1  }
0xa1: {  	s23 =	simm.s32 $0x1B8B  }
0xa2: {  	_ =	swait.ge [sflag:s23], $0x1  }
0xa3: {  	[sflag:s23] =	ssyncset.done $0x0  }
0xa4: {  	s25 =	simm.s32 $0x1B8E;
	s24 =	sld [smem:$0x3FFE];
	[sflag:s23] =	ssyncadd.s32 $0xFFFFFFFF  }
0xa5: {  	s26 =	simm.s32 $execute0_lowered;
	[smem:$0x3FD2] =	sst s25  }
0xa6: {  	s4 =	sshll.u32 s26, $0x1;
	_ =	strace $0x8000004C;
	[dreg:$0x1] =	wrdreg $0xFFFFFFFF  }
0xa7: {  	s28 =	simm.s32 $_size_execute0_lowered;
	s2 =	sadd.s32 s2, s4;
	[dreg:$0x0] =	wrdreg $0x0  }
0xa8: {  	s4 =	sshll.u32 s28, $0x1;
	[dreg:$0x2] =	wrdreg s2  }
0xa9: {  	[dreg:$0x3] =	wrdreg s4  }
0xaa: {  	[dreg:$0x4] =	wrdreg $0xC0  }
0xab: {  	_ =	task [dreg:s6], $0x5FFFF  }
0xac: {  	[dreg:$0x1] =	wrdreg $0xFFFFFFFF  }
0xad: {  	[dreg:$0x0] =	wrdreg $0x60  }
0xae: {  	[dreg:$0x2] =	wrdreg s24  }
0xaf: {  	[dreg:$0x3] =	wrdreg $0xB0000  }
0xb0: {  	[dreg:$0x4] =	wrdreg $0x9  }
0xb1: {  	_ =	task.clear_ibuf [dreg:s6], $0x5FFFF;
	_ =	strace $0x9000004C  }
0xb2: {  	s29 =	simm.s32 $0x9;
	_ =	strace $0x8000004E  }
0xb3: {  	_ =	swait.ge [sflag:s29], $0x1  }
0xb4: {  	[sflag:s29] =	ssyncadd.s32 $0xFFFFFFFF  }
0xb5: {  	_ =	strace $0x9000004E  }
0xb6: {  	_ =	sfence  }
0xb7: {  	s30 =	sld [smem:$0x0];
	_ =	sdelay $0x2  }
0xb8: {  	s31 =	sshll.u32 s1, $0xD;
	s1 =	sshrl.u32 s1, $0x2  }
0xb9: {  	s3 =	sand.u32 $0x4000, s31;
	s1 =	sadd.s32 s1, s30  }
0xba: {  	s0 =	sor.u32 s3, s0;
	s1 =	sshll.u32 s1, $0x11  }
0xbb: {  	s0 =	sor.u32 s1, s0  }
0xbc: {  	s0 =	sadd.s32 $0x8F2B, s0  }
0xbd: {  	[sflag:s0] =	ssyncadd.remote.s32 $0x1  }
0xbe: {  	_ =	sfence.sel $0xFFFF  }
0xbf: {  	[dreg:$0x0] =	wrdreg $0xFFFFFFFF;
	(pc) =	sbr.abs _section_cstart, $3  }
0xc0: {  	[dreg:$0x1] =	wrdreg $0xFFFFFFFF  }
0xc1: {  	_ =	task.clear_ibuf [dreg:s6], $0x2FFFF;
	_ =	strace $0x9FFFFFFF  }
0xc2: {  	(tm) =	ssettm $0x7FFFFFFF  }
0xc3: {  	_ =	shalt  }
tec
execute0_lowered:
.L_overlay_start_1:
0x0: {  	(tag) =	ssettag $0x1  }
0x1: {  	s0 =	rddreg [dreg:$0x0]  }
0x2: {  	s1 =	rddreg [dreg:$0x1]  }
0x3: {  	s2 =	srdreg.scid;
	s3 =	simm.s32 $0x0;
	s8 =	stileid.u32  }
0x4: {  	s2 =	sand.u32 $0x1, s2;
	[smem:$0x7FF] =	sst s3;
	s12 =	smul.u32 $0x50000, s8  }
0x5: {  	s4 =	sadd.s32 $0x3E600, s0;
	s5 =	sadd.s32 $0x3E400, s0;
	s16 =	smul.u32 $0x2800, s8  }
0x6: {  	s11 =	smul.u32 $0x5000, s2;
	_ =	strace $0x8000004D;
	[dreg:$0x3] =	wrdreg s4  }
0x7: {  	[dreg:$0x4] =	wrdreg s5;
	s13 =	ssub.s32 $0x2, s2;
	s2 =	smul.u32 $0x28000, s2  }
0x8: {  	s4 =	sshrl.u32 s12, $0x2;
	[dreg:$0x7] =	wrdreg s16;
	s3 =	sadd.s32 s11, s0  }
0x9: {  	s0 =	sadd.s32 $0x8E600, s0;
	s7 =	sadd.s32 s4, s1;
	[dreg:$0x6] =	wrdreg s2  }
0xa: {  	[dreg:$0x5] =	wrdreg s0;
	s17 =	sadd.s32 $0x800, s7  }
0xb: {  	s18 =	sadd.s32 $0x1000, s7;
	[dreg:$0x9] =	wrdreg s17  }
0xc: {  	s19 =	sadd.s32 $0x1800, s7;
	[dreg:$0xa] =	wrdreg s18  }
0xd: {  	s20 =	sadd.s32 $0x2000, s7;
	[dreg:$0xb] =	wrdreg s19  }
0xe: {  	s21 =	sadd.s32 $0x2800, s7;
	[dreg:$0xc] =	wrdreg s20  }
0xf: {  	s22 =	sadd.s32 $0x3000, s7;
	[dreg:$0xd] =	wrdreg s21  }
0x10: {  	s23 =	sadd.s32 $0x3800, s7;
	[dreg:$0xe] =	wrdreg s22  }
0x11: {  	s24 =	sadd.s32 $0x4000, s7;
	[dreg:$0xf] =	wrdreg s23  }
0x12: {  	s25 =	sadd.s32 $0x4800, s7;
	[dreg:$0x10] =	wrdreg s24  }
0x13: {  	s26 =	sadd.s32 $0x5000, s7;
	[dreg:$0x11] =	wrdreg s25  }
0x14: {  	s4 =	sadd.s32 $0x5800, s7;
	[dreg:$0x12] =	wrdreg s26  }
0x15: {  	s5 =	sadd.s32 $0x6000, s7;
	[dreg:$0x13] =	wrdreg s4  }
0x16: {  	s9 =	sadd.s32 $0x6800, s7;
	[dreg:$0x14] =	wrdreg s5  }
0x17: {  	s10 =	sadd.s32 $0x7000, s7;
	[dreg:$0x16] =	wrdreg s9  }
0x18: {  	s28 =	simm.s32 $0x1400;
	s11 =	sadd.s32 $0x7800, s7;
	[dreg:$0x17] =	wrdreg s10  }
0x19: {  	s14 =	sshrl.u32 s13, $0x1;
	s12 =	sadd.s32 $0x8000, s7;
	[dreg:$0x18] =	wrdreg s11  }
0x1a: {  	s0 =	ssub.s32 s13, s14;
	s13 =	sadd.s32 $0x8800, s7;
	[dreg:$0x19] =	wrdreg s12  }
0x1b: {  	s29 =	simm.s32 $0x80;
	s14 =	sadd.s32 $0x9000, s7;
	[dreg:$0x1a] =	wrdreg s13  }
0x1c: {  	s6 =	smul.u32 $0x500, s8;
	s16 =	sadd.s32 $0xA000, s7;
	[dreg:$0x1b] =	wrdreg s14  }
0x1d: {  	s15 =	sadd.s32 $0xC400, s3;
	s0 =	smax.u32 s0, $0x1;
	[dreg:$0x1d] =	wrdreg s16  }
0x1e: {  	s30 =	simm.s32 $0x2800;
	s8 =	sadd.s32 s6, s15;
	[dreg:$0x8] =	wrdreg s0  }
0x1f: {  	s31 =	simm.s32 $0x6800;
	s15 =	sadd.s32 $0x9800, s7;
	[dreg:$0x15] =	wrdreg s8  }
0x20: {  	s2 =	simm.s32 $0x1;
	s17 =	sadd.s32 $0xA800, s7;
	[dreg:$0x1c] =	wrdreg s15  }
0x21: {  	s3 =	sadd.s32 $0x2400, s3;
	s18 =	sadd.s32 $0xB000, s7;
	[dreg:$0x1e] =	wrdreg s17  }
0x22: {  	s24 =	sadd.s32 s6, s3;
	s19 =	sadd.s32 $0xB800, s7;
	[dreg:$0x1f] =	wrdreg s18  }
0x23: {  	s20 =	sadd.s32 $0xC000, s7;
	s21 =	sadd.s32 $0xC800, s7;
	[smem:$0x7F7] =	sst s19  }
0x24: {  	s22 =	sadd.s32 $0xD000, s7;
	s23 =	sadd.s32 $0xD800, s7;
	[smem:$0x7F8] =	sst s20  }
0x25: {  	s25 =	sadd.s32 $0xE000, s7;
	s26 =	sadd.s32 $0xE800, s7;
	[smem:$0x7F9] =	sst s21  }
0x26: {  	s13 =	sadd.s32 $0xF000, s7;
	s14 =	sadd.s32 $0xF800, s7;
	[smem:$0x7FA] =	sst s22  }
0x27: {  	s16 =	sadd.s32 $0x10800, s7;
	s5 =	simm.s32 $0x2700;
	[smem:$0x7FB] =	sst s23  }
0x28: {  	s10 =	simm.s32 $0x2780;
	s4 =	simm.s32 $0x0;
	[smem:$0x7FC] =	sst s25  }
0x29: {  	[smem:$0x7FD] =	sst s26;
	s15 =	sadd.s32 $0x10000, s7;
	s17 =	sadd.s32 $0x11000, s7  }
0x2a: {  	s18 =	sadd.s32 $0x11800, s7;
	s19 =	sadd.s32 $0x12000, s7;
	s20 =	sadd.s32 $0x12800, s7  }
0x2b: {  	s21 =	sadd.s32 $0x13000, s7;
	s22 =	sadd.s32 $0x13800, s7;
	s25 =	simm.s32 $0xA800  }
0x2c: {  	s26 =	simm.s32 $0x4;
	s0 =	simm.s32 $0x3;
	s23 =	simm.s32 $0x2  }
.LBB2_1:
0x2d: {  	[smem:$0x7F6] =	sst s4  }
0x2e: {  	s3 =	simm.s32 $0x0;
	s11 =	rddreg [dreg:$0x4]  }
0x2f: {  	[tilespmem:s25], [sflag:$0x4] =	stream.linear.gather [hbm4b:s11+s3], $0x800, $0x38;
	[tilespmem:$0x1F000] =	vst v63  }
0x30: {  	_ =	swait.ge [sflag:s26], $0x800  }
0x31: {  	p1 =	por $0x1, $0x1;
	[sflag:s26] =	ssyncset.done $0x0;
	s12 =	rddreg [dreg:$0x15]  }
0x32: {  	s4 =	simm.s32 $0x0;
	[sflag:s26] =	ssyncadd.s32 $0xFFFFF800;
	s3 =	sadd.s32 $0x280, s12  }
.LBB2_2:
0x33: {  	[spmem:s7] =	stream.linear.scatter [tilespmem:s25], [sflag:$0x3], $0x800, $0x38;
	[tilespmem:$0x1F000] =	vst v63  }
0x34: {  	s6 =	rddreg [dreg:$0x9]  }
0x35: {  	s11 =	rddreg [dreg:$0xa]  }
0x36: {  	[spmem:s6] =	stream.linear.scatter [tilespmem:s25], [sflag:$0x3], $0x800, $0x38;
	[tilespmem:$0x1F000] =	vst v63  }
0x37: {  	s12 =	rddreg [dreg:$0xb]  }
0x38: {  	[spmem:s11] =	stream.linear.scatter [tilespmem:s25], [sflag:$0x3], $0x800, $0x38;
	[tilespmem:$0x1F000] =	vst v63  }
0x39: {  	s8 =	rddreg [dreg:$0xc]  }
0x3a: {  	[spmem:s12] =	stream.linear.scatter [tilespmem:s25], [sflag:$0x3], $0x800, $0x38;
	[tilespmem:$0x1F000] =	vst v63  }
0x3b: {  	s9 =	rddreg [dreg:$0xd]  }
0x3c: {  	[spmem:s8] =	stream.linear.scatter [tilespmem:s25], [sflag:$0x3], $0x800, $0x38;
	[tilespmem:$0x1F000] =	vst v63  }
0x3d: {  	s11 =	rddreg [dreg:$0xe]  }
0x3e: {  	[spmem:s9] =	stream.linear.scatter [tilespmem:s25], [sflag:$0x3], $0x800, $0x38;
	[tilespmem:$0x1F000] =	vst v63  }
0x3f: {  	s12 =	rddreg [dreg:$0xf]  }
0x40: {  	[spmem:s11] =	stream.linear.scatter [tilespmem:s25], [sflag:$0x3], $0x800, $0x38;
	[tilespmem:$0x1F000] =	vst v63  }
0x41: {  	s8 =	rddreg [dreg:$0x10]  }
0x42: {  	[spmem:s12] =	stream.linear.scatter [tilespmem:s25], [sflag:$0x3], $0x800, $0x38;
	[tilespmem:$0x1F000] =	vst v63  }
0x43: {  	s9 =	rddreg [dreg:$0x11]  }
0x44: {  	[spmem:s8] =	stream.linear.scatter [tilespmem:s25], [sflag:$0x3], $0x800, $0x38;
	[tilespmem:$0x1F000] =	vst v63  }
0x45: {  	s11 =	rddreg [dreg:$0x12]  }
0x46: {  	[spmem:s9] =	stream.linear.scatter [tilespmem:s25], [sflag:$0x3], $0x800, $0x38;
	[tilespmem:$0x1F000] =	vst v63  }
0x47: {  	s12 =	rddreg [dreg:$0x13]  }
0x48: {  	[spmem:s11] =	stream.linear.scatter [tilespmem:s25], [sflag:$0x3], $0x800, $0x38;
	[tilespmem:$0x1F000] =	vst v63  }
0x49: {  	s8 =	rddreg [dreg:$0x14]  }
0x4a: {  	[spmem:s12] =	stream.linear.scatter [tilespmem:s25], [sflag:$0x3], $0x800, $0x38;
	[tilespmem:$0x1F000] =	vst v63  }
0x4b: {  	s9 =	rddreg [dreg:$0x16]  }
0x4c: {  	[spmem:s8] =	stream.linear.scatter [tilespmem:s25], [sflag:$0x3], $0x800, $0x38;
	[tilespmem:$0x1F000] =	vst v63  }
0x4d: {  	s11 =	rddreg [dreg:$0x17]  }
0x4e: {  	[spmem:s9] =	stream.linear.scatter [tilespmem:s25], [sflag:$0x3], $0x800, $0x38;
	[tilespmem:$0x1F000] =	vst v63  }
0x4f: {  	s12 =	rddreg [dreg:$0x18]  }
0x50: {  	[spmem:s11] =	stream.linear.scatter [tilespmem:s25], [sflag:$0x3], $0x800, $0x38;
	[tilespmem:$0x1F000] =	vst v63  }
0x51: {  	s8 =	rddreg [dreg:$0x19]  }
0x52: {  	[spmem:s12] =	stream.linear.scatter [tilespmem:s25], [sflag:$0x3], $0x800, $0x38;
	[tilespmem:$0x1F000] =	vst v63  }
0x53: {  	s9 =	rddreg [dreg:$0x1a]  }
0x54: {  	[spmem:s8] =	stream.linear.scatter [tilespmem:s25], [sflag:$0x3], $0x800, $0x38;
	[tilespmem:$0x1F000] =	vst v63  }
0x55: {  	s11 =	rddreg [dreg:$0x1b]  }
0x56: {  	[spmem:s9] =	stream.linear.scatter [tilespmem:s25], [sflag:$0x3], $0x800, $0x38;
	[tilespmem:$0x1F000] =	vst v63  }
0x57: {  	s12 =	rddreg [dreg:$0x1c]  }
0x58: {  	[spmem:s11] =	stream.linear.scatter [tilespmem:s25], [sflag:$0x3], $0x800, $0x38;
	[tilespmem:$0x1F000] =	vst v63  }
0x59: {  	s8 =	rddreg [dreg:$0x1d]  }
0x5a: {  	[spmem:s12] =	stream.linear.scatter [tilespmem:s25], [sflag:$0x3], $0x800, $0x38;
	[tilespmem:$0x1F000] =	vst v63  }
0x5b: {  	s9 =	rddreg [dreg:$0x1e]  }
0x5c: {  	[spmem:s8] =	stream.linear.scatter [tilespmem:s25], [sflag:$0x3], $0x800, $0x38;
	[tilespmem:$0x1F000] =	vst v63  }
0x5d: {  	s11 =	rddreg [dreg:$0x1f]  }
0x5e: {  	[spmem:s9] =	stream.linear.scatter [tilespmem:s25], [sflag:$0x3], $0x800, $0x38;
	[tilespmem:$0x1F000] =	vst v63  }
0x5f: {  	s12 =	sld [smem:$0x7F7]  }
0x60: {  	[spmem:s11] =	stream.linear.scatter [tilespmem:s25], [sflag:$0x3], $0x800, $0x38;
	[tilespmem:$0x1F000] =	vst v63  }
0x61: {  	s8 =	sld [smem:$0x7F8]  }
0x62: {  	[spmem:s12] =	stream.linear.scatter [tilespmem:s25], [sflag:$0x3], $0x800, $0x38;
	[tilespmem:$0x1F000] =	vst v63  }
0x63: {  	s9 =	sld [smem:$0x7F9]  }
0x64: {  	[spmem:s8] =	stream.linear.scatter [tilespmem:s25], [sflag:$0x3], $0x800, $0x38;
	[tilespmem:$0x1F000] =	vst v63  }
0x65: {  	s11 =	sld [smem:$0x7FA]  }
0x66: {  	[spmem:s9] =	stream.linear.scatter [tilespmem:s25], [sflag:$0x3], $0x800, $0x38;
	[tilespmem:$0x1F000] =	vst v63  }
0x67: {  	s12 =	sld [smem:$0x7FB]  }
0x68: {  	[spmem:s11] =	stream.linear.scatter [tilespmem:s25], [sflag:$0x3], $0x800, $0x38;
	[tilespmem:$0x1F000] =	vst v63  }
0x69: {  	s8 =	sld [smem:$0x7FC]  }
0x6a: {  	[spmem:s12] =	stream.linear.scatter [tilespmem:s25], [sflag:$0x3], $0x800, $0x38;
	[tilespmem:$0x1F000] =	vst v63  }
0x6b: {  	s9 =	sld [smem:$0x7FD]  }
0x6c: {  	[spmem:s8] =	stream.linear.scatter [tilespmem:s25], [sflag:$0x3], $0x800, $0x38;
	[tilespmem:$0x1F000] =	vst v63  }
0x6d: {  	_ = 	snop  }
0x6e: {  	[spmem:s9] =	stream.linear.scatter [tilespmem:s25], [sflag:$0x3], $0x800, $0x38;
	[tilespmem:$0x1F000] =	vst v63  }
0x6f: {  	_ = 	snop  }
0x70: {  	[spmem:s13] =	stream.linear.scatter [tilespmem:s25], [sflag:$0x3], $0x800, $0x38;
	[tilespmem:$0x1F000] =	vst v63  }
0x71: {  	_ = 	snop  }
0x72: {  	[spmem:s14] =	stream.linear.scatter [tilespmem:s25], [sflag:$0x3], $0x800, $0x38;
	[tilespmem:$0x1F000] =	vst v63  }
0x73: {  	_ = 	snop  }
0x74: {  	[spmem:s15] =	stream.linear.scatter [tilespmem:s25], [sflag:$0x3], $0x800, $0x38;
	[tilespmem:$0x1F000] =	vst v63  }
0x75: {  	_ = 	snop  }
0x76: {  	[spmem:s16] =	stream.linear.scatter [tilespmem:s25], [sflag:$0x3], $0x800, $0x38;
	[tilespmem:$0x1F000] =	vst v63  }
0x77: {  	_ = 	snop  }
0x78: {  	[spmem:s17] =	stream.linear.scatter [tilespmem:s25], [sflag:$0x3], $0x800, $0x38;
	[tilespmem:$0x1F000] =	vst v63  }
0x79: {  	_ = 	snop  }
0x7a: {  	[spmem:s18] =	stream.linear.scatter [tilespmem:s25], [sflag:$0x3], $0x800, $0x38;
	[tilespmem:$0x1F000] =	vst v63  }
0x7b: {  	_ = 	snop  }
0x7c: {  	[spmem:s19] =	stream.linear.scatter [tilespmem:s25], [sflag:$0x3], $0x800, $0x38;
	[tilespmem:$0x1F000] =	vst v63  }
0x7d: {  	_ = 	snop  }
0x7e: {  	[spmem:s20] =	stream.linear.scatter [tilespmem:s25], [sflag:$0x3], $0x800, $0x38;
	[tilespmem:$0x1F000] =	vst v63  }
0x7f: {  	_ = 	snop  }
0x80: {  	[spmem:s21] =	stream.linear.scatter [tilespmem:s25], [sflag:$0x3], $0x800, $0x38;
	[tilespmem:$0x1F000] =	vst v63  }
0x81: {  	_ = 	snop  }
0x82: {  	[spmem:s22] =	stream.linear.scatter [tilespmem:s25], [sflag:$0x3], $0x800, $0x38;
	[tilespmem:$0x1F000] =	vst v63  }
0x83: {  	s11 =	rddreg [dreg:$0x15];
	s8 =	simm.s32 $0x0  }
0x84: {  	[tilespmem:s8], [sflag:$0x4] =	stream.linear.gather [hbm4b:s11+s8], $0x1400, $0x38;
	[tilespmem:$0x1F000] =	vst v63  }
0x85: {  	_ =	swait.ge [sflag:s26], $0x1400  }
0x86: {  	[sflag:s26] =	ssyncset.done $0x0  }
0x87: {  	[sflag:s26] =	ssyncadd.s32 $0xFFFFEC00  }
0x88: {  	[tilespmem:s28], [sflag:$0x4] =	stream.linear.gather [hbm4b:s24+s8], $0x1400, $0x38;
	[tilespmem:$0x1F000] =	vst v63  }
0x89: {  	s12 =	smul.u32 $0x28000, s4;
	_ =	swait.ge [sflag:s26], $0x1400  }
0x8a: {  	[sflag:s26] =	ssyncset.done $0x0;
	s9 =	rddreg [dreg:$0x3]  }
0x8b: {  	[sflag:s26] =	ssyncadd.s32 $0xFFFFEC00;
	s6 =	sadd.s32 s9, s12  }
0x8c: {  	[tilespmem:s30], [sflag:$0x1] =	stream.indirect.gather [hbm4b:s6+s29], $0x80, s8, s29, $0xb8;
	[tilespmem:$0x1F000] =	vst v63  }
0x8d: {  	_ = 	snop  }
0x8e: {  	[tilespmem:s31], [sflag:$0x2] =	stream.indirect.gather [hbm4b:s6+s29], $0x80, s29, s29, $0xb8;
	[tilespmem:$0x1F000] =	vst v63  }
0x8f: {  	_ =	swait.ge [sflag:s0], $0x2800  }
0x90: {  	[sflag:s0] =	ssyncset.done $0x0  }
0x91: {  	[sflag:s0] =	ssyncadd.s32 $0xFFFFD800  }
0x92: {  	[bflag:$0x0] =	sbarrier.arrive $0xFFFF  }
0x93: {  	_ =	swait.ge [sflag:s2], $0x4000  }
0x94: {  	[sflag:s2] =	ssyncset.done $0x0  }
0x95: {  	s9 =	simm.s32 $0x1400;
	[sflag:s2] =	ssyncadd.s32 $0xFFFFC000  }
0x96: {  	[spmem:s1] =	stream.indirect.scatter.add.f32 [tilespmem:s30], [sflag:$0x4], $0x80, s9, s29, $0xb8;
	[tilespmem:$0x1F000] =	vst v63  }
0x97: {  	_ =	swait.ge [sflag:s26], $0x4000  }
0x98: {  	[sflag:s26] =	ssyncset.done $0x0  }
0x99: {  	s11 =	simm.s32 $0x100;
	[sflag:s26] =	ssyncadd.s32 $0xFFFFC000  }
0x9a: {  	[tilespmem:s30], [sflag:$0x1] =	stream.indirect.gather [hbm4b:s6+s29], $0x80, s11, s29, $0xb8;
	[tilespmem:$0x1F000] =	vst v63  }
0x9b: {  	_ =	swait.ge [sflag:s23], $0x4000  }
0x9c: {  	[sflag:s23] =	ssyncset.done $0x0  }
0x9d: {  	s12 =	simm.s32 $0x1480;
	[sflag:s23] =	ssyncadd.s32 $0xFFFFC000  }
0x9e: {  	[spmem:s1] =	stream.indirect.scatter.add.f32 [tilespmem:s31], [sflag:$0x4], $0x80, s12, s29, $0xb8;
	[tilespmem:$0x1F000] =	vst v63  }
0x9f: {  	_ =	swait.ge [sflag:s26], $0x4000  }
0xa0: {  	p0 =	por p1, p1;
	s8 =	sadd.s32 $0x280, s24;
	[sflag:s26] =	ssyncset.done $0x0  }
0xa1: {  	s9 =	simm.s32 $0x400;
	s11 =	simm.s32 $0x180;
	[sflag:s26] =	ssyncadd.s32 $0xFFFFC000  }
.LBB2_3:
0xa2: {  	[tilespmem:s31], [sflag:$0x2] =	stream.indirect.gather [hbm4b:s6+s29], $0x80, s11, s29, $0xb8;
	[tilespmem:$0x1F000] =	vst v63  }
0xa3: {  	s11 =	smov.u32 s9  }
0xa4: {  	p1 =	sne.s32 s9, $0x4800;
	s9 =	sadd.s32 $0x400, s9;
	_ =	swait.ge [sflag:s2], $0x4000  }
0xa5: {  	s11 =	sshra.s32 s11, $0x2;
	[sflag:s2] =	ssyncset.done $0x0  }
0xa6: {  	s12 =	sadd.s32 $0x1400, s11;
	[sflag:s2] =	ssyncadd.s32 $0xFFFFC000  }
0xa7: {  	[spmem:s1] =	stream.indirect.scatter.add.f32 [tilespmem:s30], [sflag:$0x4], $0x80, s12, s29, $0xb8;
	[tilespmem:$0x1F000] =	vst v63  }
0xa8: {  	_ =	swait.ge [sflag:s26], $0x4000  }
0xa9: {  	[sflag:s26] =	ssyncset.done $0x0  }
0xaa: {  	s12 =	sadd.s32 $0x100, s11;
	[sflag:s26] =	ssyncadd.s32 $0xFFFFC000  }
0xab: {  	[tilespmem:s30], [sflag:$0x1] =	stream.indirect.gather [hbm4b:s6+s29], $0x80, s12, s29, $0xb8;
	[tilespmem:$0x1F000] =	vst v63  }
0xac: {  	_ =	swait.ge [sflag:s23], $0x4000  }
0xad: {  	[sflag:s23] =	ssyncset.done $0x0  }
.Ltmp0:
0xae: {  	s12 =	sadd.s32 $0x1480, s11;
	[sflag:s23] =	ssyncadd.s32 $0xFFFFC000;
	(pc) =	sbr.rel @p1 .LBB2_3-.Ltmp0, $4  }
0xaf: {  	[spmem:s1] =	stream.indirect.scatter.add.f32 [tilespmem:s31], [sflag:$0x4], $0x80, s12, s29, $0xb8;
	[tilespmem:$0x1F000] =	vst v63  }
0xb0: {  	_ =	swait.ge [sflag:s26], $0x4000  }
0xb1: {  	[sflag:s26] =	ssyncset.done $0x0  }
0xb2: {  	s11 =	sadd.s32 $0x180, s11;
	[sflag:s26] =	ssyncadd.s32 $0xFFFFC000  }
0xb3: {  	[tilespmem:s31], [sflag:$0x2] =	stream.indirect.gather [hbm4b:s6+s29], $0x80, s11, s29, $0xb8;
	[tilespmem:$0x1F000] =	vst v63  }
0xb4: {  	_ =	swait.ge [sflag:s2], $0x4000  }
0xb5: {  	[sflag:s2] =	ssyncset.done $0x0  }
0xb6: {  	[sflag:s2] =	ssyncadd.s32 $0xFFFFC000  }
0xb7: {  	[spmem:s1] =	stream.indirect.scatter.add.f32 [tilespmem:s30], [sflag:$0x4], $0x80, s5, s29, $0xb8;
	[tilespmem:$0x1F000] =	vst v63  }
0xb8: {  	_ =	swait.ge [sflag:s26], $0x4000  }
0xb9: {  	[sflag:s26] =	ssyncset.done $0x0  }
0xba: {  	[sflag:s26] =	ssyncadd.s32 $0xFFFFC000  }
0xbb: {  	_ =	swait.ge [sflag:s23], $0x4000  }
0xbc: {  	[sflag:s23] =	ssyncset.done $0x0  }
0xbd: {  	[sflag:s23] =	ssyncadd.s32 $0xFFFFC000  }
0xbe: {  	[spmem:s1] =	stream.indirect.scatter.add.f32 [tilespmem:s31], [sflag:$0x4], $0x80, s10, s29, $0xb8;
	[tilespmem:$0x1F000] =	vst v63  }
0xbf: {  	_ =	swait.ge [sflag:s26], $0x4000  }
0xc0: {  	[sflag:s26] =	ssyncset.done $0x0  }
0xc1: {  	s9 =	simm.s32 $0x0;
	[sflag:s26] =	ssyncadd.s32 $0xFFFFC000  }
0xc2: {  	[tilespmem:s9], [sflag:$0x4] =	stream.linear.gather [hbm4b:s3+s9], $0x1400, $0x38;
	[tilespmem:$0x1F000] =	vst v63  }
0xc3: {  	_ =	swait.ge [sflag:s26], $0x1400  }
0xc4: {  	[sflag:s26] =	ssyncset.done $0x0  }
0xc5: {  	[sflag:s26] =	ssyncadd.s32 $0xFFFFEC00  }
0xc6: {  	[tilespmem:s28], [sflag:$0x4] =	stream.linear.gather [hbm4b:s8+s9], $0x1400, $0x38;
	[tilespmem:$0x1F000] =	vst v63  }
0xc7: {  	_ =	swait.ge [sflag:s26], $0x1400  }
0xc8: {  	[sflag:s26] =	ssyncset.done $0x0  }
0xc9: {  	[sflag:s26] =	ssyncadd.s32 $0xFFFFEC00  }
0xca: {  	[tilespmem:s30], [sflag:$0x1] =	stream.indirect.gather [hbm4b:s6+s29], $0x80, s9, s29, $0xb8;
	[tilespmem:$0x1F000] =	vst v63  }
0xcb: {  	_ = 	snop  }
0xcc: {  	[tilespmem:s31], [sflag:$0x2] =	stream.indirect.gather [hbm4b:s6+s29], $0x80, s29, s29, $0xb8;
	[tilespmem:$0x1F000] =	vst v63  }
0xcd: {  	_ =	swait.ge [sflag:s2], $0x4000  }
0xce: {  	[sflag:s2] =	ssyncset.done $0x0  }
0xcf: {  	s9 =	simm.s32 $0x1400;
	[sflag:s2] =	ssyncadd.s32 $0xFFFFC000  }
0xd0: {  	[spmem:s1] =	stream.indirect.scatter.add.f32 [tilespmem:s30], [sflag:$0x4], $0x80, s9, s29, $0xb8;
	[tilespmem:$0x1F000] =	vst v63  }
0xd1: {  	_ =	swait.ge [sflag:s26], $0x4000  }
0xd2: {  	[sflag:s26] =	ssyncset.done $0x0  }
0xd3: {  	s11 =	simm.s32 $0x100;
	[sflag:s26] =	ssyncadd.s32 $0xFFFFC000  }
0xd4: {  	[tilespmem:s30], [sflag:$0x1] =	stream.indirect.gather [hbm4b:s6+s29], $0x80, s11, s29, $0xb8;
	[tilespmem:$0x1F000] =	vst v63  }
0xd5: {  	_ =	swait.ge [sflag:s23], $0x4000  }
0xd6: {  	[sflag:s23] =	ssyncset.done $0x0  }
0xd7: {  	s12 =	simm.s32 $0x1480;
	[sflag:s23] =	ssyncadd.s32 $0xFFFFC000  }
0xd8: {  	[spmem:s1] =	stream.indirect.scatter.add.f32 [tilespmem:s31], [sflag:$0x4], $0x80, s12, s29, $0xb8;
	[tilespmem:$0x1F000] =	vst v63  }
0xd9: {  	_ =	swait.ge [sflag:s26], $0x4000  }
0xda: {  	[sflag:s26] =	ssyncset.done $0x0  }
0xdb: {  	s8 =	simm.s32 $0x400;
	s9 =	simm.s32 $0x180;
	[sflag:s26] =	ssyncadd.s32 $0xFFFFC000  }
.LBB2_5:
0xdc: {  	[tilespmem:s31], [sflag:$0x2] =	stream.indirect.gather [hbm4b:s6+s29], $0x80, s9, s29, $0xb8;
	[tilespmem:$0x1F000] =	vst v63  }
0xdd: {  	s9 =	smov.u32 s8  }
0xde: {  	p1 =	sne.s32 s8, $0x4800;
	s8 =	sadd.s32 $0x400, s8;
	_ =	swait.ge [sflag:s2], $0x4000  }
0xdf: {  	s9 =	sshra.s32 s9, $0x2;
	[sflag:s2] =	ssyncset.done $0x0  }
0xe0: {  	s11 =	sadd.s32 $0x1400, s9;
	[sflag:s2] =	ssyncadd.s32 $0xFFFFC000  }
0xe1: {  	[spmem:s1] =	stream.indirect.scatter.add.f32 [tilespmem:s30], [sflag:$0x4], $0x80, s11, s29, $0xb8;
	[tilespmem:$0x1F000] =	vst v63  }
0xe2: {  	_ =	swait.ge [sflag:s26], $0x4000  }
0xe3: {  	[sflag:s26] =	ssyncset.done $0x0  }
0xe4: {  	s11 =	sadd.s32 $0x100, s9;
	[sflag:s26] =	ssyncadd.s32 $0xFFFFC000  }
0xe5: {  	[tilespmem:s30], [sflag:$0x1] =	stream.indirect.gather [hbm4b:s6+s29], $0x80, s11, s29, $0xb8;
	[tilespmem:$0x1F000] =	vst v63  }
0xe6: {  	_ =	swait.ge [sflag:s23], $0x4000  }
0xe7: {  	[sflag:s23] =	ssyncset.done $0x0  }
.Ltmp1:
0xe8: {  	s11 =	sadd.s32 $0x1480, s9;
	[sflag:s23] =	ssyncadd.s32 $0xFFFFC000;
	(pc) =	sbr.rel @p1 .LBB2_5-.Ltmp1, $4  }
0xe9: {  	[spmem:s1] =	stream.indirect.scatter.add.f32 [tilespmem:s31], [sflag:$0x4], $0x80, s11, s29, $0xb8;
	[tilespmem:$0x1F000] =	vst v63  }
0xea: {  	_ =	swait.ge [sflag:s26], $0x4000  }
0xeb: {  	[sflag:s26] =	ssyncset.done $0x0  }
0xec: {  	s9 =	sadd.s32 $0x180, s9;
	[sflag:s26] =	ssyncadd.s32 $0xFFFFC000  }
0xed: {  	[tilespmem:s31], [sflag:$0x2] =	stream.indirect.gather [hbm4b:s6+s29], $0x80, s9, s29, $0xb8;
	[tilespmem:$0x1F000] =	vst v63  }
0xee: {  	s12 =	simm.s32 $0x1  }
0xef: {  	_ =	swait.ge [sflag:s12], $0x4000  }
0xf0: {  	[sflag:s12] =	ssyncset.done $0x0  }
0xf1: {  	[sflag:s12] =	ssyncadd.s32 $0xFFFFC000  }
0xf2: {  	[spmem:s1] =	stream.indirect.scatter.add.f32 [tilespmem:s30], [sflag:$0x4], $0x80, s5, s29, $0xb8;
	[tilespmem:$0x1F000] =	vst v63  }
0xf3: {  	_ =	swait.ge [sflag:s26], $0x4000  }
0xf4: {  	[sflag:s26] =	ssyncset.done $0x0  }
0xf5: {  	[sflag:s26] =	ssyncadd.s32 $0xFFFFC000  }
0xf6: {  	_ =	swait.ge [sflag:s23], $0x4000  }
0xf7: {  	[sflag:s23] =	ssyncset.done $0x0  }
0xf8: {  	[sflag:s23] =	ssyncadd.s32 $0xFFFFC000  }
0xf9: {  	[spmem:s1] =	stream.indirect.scatter.add.f32 [tilespmem:s31], [sflag:$0x4], $0x80, s10, s29, $0xb8;
	[tilespmem:$0x1F000] =	vst v63  }
0xfa: {  	_ =	swait.ge [sflag:s26], $0x4000  }
0xfb: {  	[sflag:s26] =	ssyncset.done $0x0  }
0xfc: {  	s4 =	smul.u32 $0x50000, s4;
	[sflag:s26] =	ssyncadd.s32 $0xFFFFC000  }
0xfd: {  	s11 =	stileid.u32;
	s8 =	rddreg [dreg:$0x5];
	[bflag:$0x0] =	sbarrier.arrive $0xFFFF  }
0xfe: {  	s6 =	sshll.u32 s11, $0x6;
	s4 =	sadd.s32 s8, s4;
	s9 =	rddreg [dreg:$0x6]  }
0xff: {  	s6 =	sor.u32 $0x1C04, s6;
	s8 =	rddreg [dreg:$0x7];
	s4 =	sadd.s32 s9, s4  }
.Ltmp2:
0x100: {  	s12 =	sshrl.u32 s7, $0x3;
	s4 =	sadd.s32 s8, s4;
	(pc) =	sbr.rel @p0 .LBB2_2-.Ltmp2, $4  }
0x101: {  	[hbm:s4], [sflag:s6] =	dma.local [spmem:s12], $0x2800  }
0x102: {  	_ =	swait.ge [sflag:s26], $0x2800  }
0x103: {  	[sflag:s26] =	ssyncset.done $0x0  }
0x104: {  	p1 =	por $0x0, $0x0;
	s4 =	simm.s32 $0x1;
	[sflag:s26] =	ssyncadd.s32 $0xFFFFD800  }
0x105: {  	s4 =	sld [smem:$0x7F6];
	_ =	sdelay $0x2  }
0x106: {  	s3 =	rddreg [dreg:$0x8];
	s4 =	sadd.s32 $0x1, s4  }
0x107: {  	p0 =	sne.s32 s4, s3  }
.Ltmp3:
0x108: {  	_ = 	snop;
	(pc) =	sbr.rel @p0 .LBB2_1-.Ltmp3, $1  }
0x109: {  	_ =	sdelay $0x3  }
0x10a: {  	_ =	sfence.sel $0x180000  }
0x10b: {  	[bflag:$0x0] =	sbarrier.arrive $0xFFFF  }
0x10c: {  	_ =	strace $0x9000004D  }
0x10d: {  	s0 =	stileid.u32;
	[bflag:$0x2] =	sbarrier.arrive $0xFFFF  }
0x10e: {  	p0 =	sne.s32 s0, $0x0;
	s0 =	rddreg [dreg:$0x2]  }
0x10f: {  	s0 =	sadd.s32 @!p0 $0x100000, s0  }
0x110: {  	[sflag:s0] =	ssyncadd.tile.s32 @!p0 $0x1;
	_ =	shalt  }
.Lfunc_end2:
_tile_overlayer_lowered:
.L_overlay_start_2:
0x111: {  	(tag) =	ssettag $0x2  }
0x112: {  	s0 =	rddreg [dreg:$0x0];
	s2 =	stileid.u32  }
0x113: {  	s1 =	rddreg [dreg:$0x1];
	p0 =	sne.s32 s2, $0x0  }
0x114: {  	s3 =	rddreg [dreg:$0x2];
	[bflag:$0x3] =	sbarrier.arrive $0xFFFF;
	s2 =	simm.s32 @!p0 $0x1C04  }
0x115: {  	[timem:s3], [sflag:s2] =	dma.local @!p0 [hbm:s0], s1  }
0x116: {  	s0 =	simm.s32 @!p0 $0x4  }
0x117: {  	_ =	swait.ge @!p0 [sflag:s0], s1  }
0x118: {  	s1 =	ssub.s32 @!p0 $0x0, s1;
	[sflag:s0] =	ssyncset.done @!p0 $0x0  }
0x119: {  	[sflag:s0] =	ssyncadd.s32 @!p0 s1  }
0x11a: {  	[bflag:$0x3] =	sbarrier.arrive $0xFFFF  }
0x11b: {  	_ =	shalt  }

// kernel: kernel.8.cloned.1.call-start
scs
__scs_entry_jumppad:
0x0: {  	(pc) =	sbr.rel $0x88, $3  }
0x1: {  	(tag) =	ssettag $0x0;
	lr =	simm.s32 $0x1  }
0x2: {  	[smem:$0x3F99] =	sst lr;
	_ =	strace $0xD0000000  }
0x3: {  	_ = 	snop  }
0x4: {  	_ = 	snop  }
0x5: {  	_ = 	snop  }
0x6: {  	_ = 	snop  }
0x7: {  	_ = 	snop  }
__scs_overlays_trampoline_lowered:
0x8: {  	[smem:$0x3FA8] =	sst s0  }
0x9: {  	[smem:$0x3FA9] =	sst s1  }
0xa: {  	[smem:$0x3FAA] =	sst s2  }
0xb: {  	[smem:$0x3FAB] =	sst s3  }
0xc: {  	[smem:$0x3FAC] =	sst s4  }
0xd: {  	[smem:$0x3FAD] =	sst s5  }
0xe: {  	[smem:$0x3FAE] =	sst s6  }
0xf: {  	[smem:$0x3FAF] =	sst s7  }
0x10: {  	[smem:$0x3FB0] =	sst s8  }
0x11: {  	[smem:$0x3FB1] =	sst s9;
	s0 =	simm.s32 @!p0 $0x0  }
0x12: {  	s1 =	sld [smem:$0x3F97];
	s0 =	simm.s32 @p0 $0x1  }
0x13: {  	[smem:$0x3FB2] =	sst s0;
	s0 =	simm.s32 @!p1 $0x0  }
0x14: {  	s2 =	sld [smem:$0x3F96];
	s0 =	simm.s32 @p1 $0x1  }
0x15: {  	[smem:$0x3FB3] =	sst s0;
	s0 =	simm.s32 @!p2 $0x0  }
0x16: {  	s3 =	sld [smem:$0x3FDB];
	s0 =	simm.s32 @p2 $0x1  }
0x17: {  	s4 =	simm.s32 $0x1BF5;
	[smem:$0x3FB5] =	sst s0  }
0x18: {  	s0 =	sld [smem:$0x3F98];
	_ =	swait.ge [sflag:s4], $0x0  }
0x19: {  	s7 =	sld [smem:$0x3F99]  }
0x1a: {  	s8 =	sadd.s32 $0xFFFFE003, lr  }
0x1b: {  	s9 =	sadd.s32 $0xFFFFFEF7, lr;
	s5 =	simm.s32 $0xFFFFFFFF;
	p2 =	slt.u32 s8, $0xFFFFF086  }
0x1c: {  	p1 =	slt.u32 s9, $0xF7A;
	s5 =	simm.s32 @!p2 $0x0  }
0x1d: {  	s5 =	simm.s32 @p1 $0x1;
	p0 =	seq.s32 s7, s2  }
0x1e: {  	s7 =	smul.u32 @!p0 $0xF7A, s2;
	p2 =	seq.s32 @!p0 s5, $0x0  }
0x1f: {  	s9 =	smul.u32 $0xF7A, s1;
	s8 =	simm.s32 @!p0 $0x1BF5;
	p2 =	por !p2, p0  }
0x20: {  	[sflag:s8] =	ssyncset.s32 @!p0 $0xFFFFF086;
	s6 =	sadd.s32 @!p0 s3, s7;
	s7 =	simm.s32 @!p0 $0x108  }
0x21: {  	s3 =	sadd.s32 s3, s9;
	s6 =	sadd.s32 @!p0 $0x88, s6;
	s7 =	simm.s32 @p2 $0x1082  }
0x22: {  	[simem:s7], [sflag:s8] =	dma.local @!p0 [hbm:s6], $0xF7A  }
0x23: {  	s9 =	sor.u32 $0xD0000000, s2;
	s6 =	simm.s32 $0x108;
	_ =	swait.ge @!p0 [sflag:s8], $0x0  }
0x24: {  	s3 =	sadd.s32 $0x88, s3;
	s6 =	simm.s32 @!p1 $0x1082;
	[sflag:s4] =	ssyncset.s32 $0xFFFFF086  }
0x25: {  	[simem:s6], [sflag:s4] =	dma.local [hbm:s3], $0xF7A  }
0x26: {  	[smem:$0x3F99] =	sst s1;
	(tag) =	ssettag s2;
	_ =	strace s9  }
0x27: {  	s1 =	sld [smem:$0x3FA9]  }
0x28: {  	s2 =	sld [smem:$0x3FAA]  }
0x29: {  	s4 =	sld [smem:$0x3FAC]  }
0x2a: {  	p0 =	seq.s32 s5, $0x0;
	s5 =	sld [smem:$0x3FAD]  }
0x2b: {  	s6 =	sld [smem:$0x3FAE]  }
0x2c: {  	s7 =	sld [smem:$0x3FAF]  }
0x2d: {  	s3 =	simm.s32 $0x108;
	s8 =	sld [smem:$0x3FB0]  }
0x2e: {  	s3 =	simm.s32 @!p0 $0x1082;
	s9 =	sld [smem:$0x3FB1]  }
0x2f: {  	lr =	sadd.s32 s0, s3;
	s0 =	sld [smem:$0x3FA8]  }
0x30: {  	s3 =	sld [smem:$0x3FAB]  }
0x31: {  	[smem:$0x3FB4] =	sst s10  }
0x32: {  	s10 =	sld [smem:$0x3FB2];
	_ =	sdelay $0x3  }
0x33: {  	p0 =	seq.s32 s10, $0x1;
	s10 =	sld [smem:$0x3FB4];
	_ =	sdelay $0x3  }
0x34: {  	[smem:$0x3FB4] =	sst s10  }
0x35: {  	s10 =	sld [smem:$0x3FB3];
	_ =	sdelay $0x3  }
0x36: {  	p1 =	seq.s32 s10, $0x1;
	s10 =	sld [smem:$0x3FB4];
	_ =	sdelay $0x3  }
0x37: {  	[smem:$0x3FB4] =	sst s10  }
0x38: {  	s10 =	sld [smem:$0x3FB5]  }
0x39: {  	_ = 	snop;
	(pc) =	sbr.ind lr, $3  }
0x3a: {  	_ = 	snop  }
0x3b: {  	_ = 	snop  }
0x3c: {  	p2 =	seq.s32 s10, $0x1;
	s10 =	sld [smem:$0x3FB4]  }
0x3d: {  	_ =	shalt  }
0x3e: {  	_ =	shalt  }
0x3f: {  	_ =	shalt  }
0x40: {  	_ =	shalt  }
0x41: {  	_ =	shalt  }
0x42: {  	_ =	shalt  }
0x43: {  	_ =	shalt  }
0x44: {  	_ =	shalt  }
0x45: {  	_ =	shalt  }
0x46: {  	_ =	shalt  }
0x47: {  	_ =	shalt  }
0x48: {  	_ =	shalt  }
0x49: {  	_ =	shalt  }
0x4a: {  	_ =	shalt  }
0x4b: {  	_ =	shalt  }
0x4c: {  	_ =	shalt  }
0x4d: {  	_ =	shalt  }
0x4e: {  	_ =	shalt  }
0x4f: {  	_ =	shalt  }
0x50: {  	_ =	shalt  }
0x51: {  	_ =	shalt  }
0x52: {  	_ =	shalt  }
0x53: {  	_ =	shalt  }
0x54: {  	_ =	shalt  }
0x55: {  	_ =	shalt  }
0x56: {  	_ =	shalt  }
0x57: {  	_ =	shalt  }
0x58: {  	_ =	shalt  }
0x59: {  	_ =	shalt  }
0x5a: {  	_ =	shalt  }
0x5b: {  	_ =	shalt  }
0x5c: {  	_ =	shalt  }
0x5d: {  	_ =	shalt  }
0x5e: {  	_ =	shalt  }
0x5f: {  	_ =	shalt  }
0x60: {  	_ =	shalt  }
0x61: {  	_ =	shalt  }
0x62: {  	_ =	shalt  }
0x63: {  	_ =	shalt  }
0x64: {  	_ =	shalt  }
0x65: {  	_ =	shalt  }
0x66: {  	_ =	shalt  }
0x67: {  	_ =	shalt  }
0x68: {  	_ =	shalt  }
0x69: {  	_ =	shalt  }
0x6a: {  	_ =	shalt  }
0x6b: {  	_ =	shalt  }
0x6c: {  	_ =	shalt  }
0x6d: {  	_ =	shalt  }
0x6e: {  	_ =	shalt  }
0x6f: {  	_ =	shalt  }
0x70: {  	_ =	shalt  }
0x71: {  	_ =	shalt  }
0x72: {  	_ =	shalt  }
0x73: {  	_ =	shalt  }
0x74: {  	_ =	shalt  }
0x75: {  	_ =	shalt  }
0x76: {  	_ =	shalt  }
0x77: {  	_ =	shalt  }
0x78: {  	_ =	shalt  }
0x79: {  	_ =	shalt  }
0x7a: {  	_ =	shalt  }
0x7b: {  	_ =	shalt  }
0x7c: {  	_ =	shalt  }
0x7d: {  	_ =	shalt  }
0x7e: {  	_ =	shalt  }
0x7f: {  	_ =	shalt  }
0x80: {  	_ =	shalt  }
0x81: {  	_ =	shalt  }
0x82: {  	_ =	shalt  }
0x83: {  	_ =	shalt  }
0x84: {  	_ =	shalt  }
0x85: {  	_ =	shalt  }
0x86: {  	_ =	shalt  }
0x87: {  	_ =	shalt  }
.Lfunc_end0:
.L_simem_size_0:
called_computation_lowered:
.L_overlay_start_0:
0x88: {  	s2 =	sld [smem:$0x3FD9]  }
0x89: {  	s3 =	sld [smem:$0x3FFE];
	_ =	sdelay $0x1  }
0x8a: {  	s1 =	srdreg.scid  }
0x8b: {  	s0 =	sand.u32 $0x1, s1  }
0x8c: {  	s17 =	sshll.u32 s0, $0xA;
	s2 =	sadd.s32 s3, s2  }
0x8d: {  	s2 =	sadd.s32 s2, s17  }
0x8e: {  	[smem:$0x3FC0] =	sst s2  }
0x8f: {  	_ = 	snop  }
0x90: {  	s2 =	sld [smem:$0x3FD0];
	(tm) =	ssettm $0x1  }
0x91: {  	s18 =	sld [smem:$0x3FFB];
	_ =	sdelay $0x3  }
0x92: {  	_ =	strace s18  }
0x93: {  	s3 =	sld [smem:$0x3FFC];
	_ =	sdelay $0x3  }
0x94: {  	_ =	strace s3  }
0x95: {  	s3 =	sld [smem:$0x3FFD];
	_ =	sdelay $0x3  }
0x96: {  	_ =	strace s3  }
0x97: {  	_ =	strace $0x8FFFFFFF  }
0x98: {  	s19 =	sld [smem:$0x3FDB];
	_ =	sdelay $0x1  }
0x99: {  	s4 =	simm.s32 $_scs_section_size  }
0x9a: {  	s5 =	simm.s32 $_size__tile_overlayer_lowered;
	s6 =	simm.s32 $_tile_overlayer_lowered  }
0x9b: {  	s22 =	simm.s32 $0x1BFF;
	s21 =	sshll.u32 s6, $0x1;
	s3 =	sadd.s32 s4, s19  }
0x9c: {  	s7 =	simm.s32 $0x0;
	s20 =	sshll.u32 s5, $0x1;
	s5 =	sadd.s32 s21, s3  }
0x9d: {  	[timem:s7], [sflag:s22] =	dma.local [hbm:s5], s20  }
0x9e: {  	_ =	swait.ge [sflag:s22], s20  }
0x9f: {  	s4 =	ssub.s32 $0x0, s20;
	[sflag:s22] =	ssyncset.done $0x0  }
0xa0: {  	[sflag:s22] =	ssyncadd.s32 s4;
	_ =	sdelay $0x1  }
0xa1: {  	s23 =	simm.s32 $0x1B8B  }
0xa2: {  	_ =	swait.ge [sflag:s23], $0x1  }
0xa3: {  	[sflag:s23] =	ssyncset.done $0x0  }
0xa4: {  	s25 =	simm.s32 $0x1B8E;
	s24 =	sld [smem:$0x3FFE];
	[sflag:s23] =	ssyncadd.s32 $0xFFFFFFFF  }
0xa5: {  	s26 =	simm.s32 $execute0_lowered;
	[smem:$0x3FD2] =	sst s25  }
0xa6: {  	s5 =	sshll.u32 s26, $0x1;
	_ =	strace $0x80000046;
	[dreg:$0x1] =	wrdreg $0xFFFFFFFF  }
0xa7: {  	s28 =	simm.s32 $_size_execute0_lowered;
	s3 =	sadd.s32 s3, s5;
	[dreg:$0x0] =	wrdreg $0x0  }
0xa8: {  	s5 =	sshll.u32 s28, $0x1;
	[dreg:$0x2] =	wrdreg s3  }
0xa9: {  	[dreg:$0x3] =	wrdreg s5  }
0xaa: {  	[dreg:$0x4] =	wrdreg $0xC0  }
0xab: {  	_ =	task [dreg:s7], $0x5FFFF  }
0xac: {  	[dreg:$0x1] =	wrdreg $0xFFFFFFFF  }
0xad: {  	[dreg:$0x0] =	wrdreg $0x60  }
0xae: {  	[dreg:$0x2] =	wrdreg s24  }
0xaf: {  	[dreg:$0x3] =	wrdreg s2  }
0xb0: {  	[dreg:$0x4] =	wrdreg $0x51000  }
0xb1: {  	[dreg:$0x5] =	wrdreg $0x53800  }
0xb2: {  	[dreg:$0x6] =	wrdreg $0x9  }
0xb3: {  	_ =	task.clear_ibuf [dreg:s7], $0x7FFFF;
	_ =	strace $0x90000046  }
0xb4: {  	s29 =	simm.s32 $0x9;
	_ =	strace $0x80000048  }
0xb5: {  	_ =	swait.ge [sflag:s29], $0x1  }
0xb6: {  	[sflag:s29] =	ssyncadd.s32 $0xFFFFFFFF  }
0xb7: {  	_ =	strace $0x90000048  }
0xb8: {  	_ =	sfence  }
0xb9: {  	s30 =	sld [smem:$0x0];
	_ =	sdelay $0x2  }
0xba: {  	s31 =	sshll.u32 s1, $0xD;
	s1 =	sshrl.u32 s1, $0x2  }
0xbb: {  	s3 =	sand.u32 $0x4000, s31;
	s1 =	sadd.s32 s1, s30  }
0xbc: {  	s0 =	sor.u32 s3, s0;
	s1 =	sshll.u32 s1, $0x11  }
0xbd: {  	s0 =	sor.u32 s1, s0  }
0xbe: {  	s0 =	sadd.s32 $0x8F2B, s0  }
0xbf: {  	[sflag:s0] =	ssyncadd.remote.s32 $0x1  }
0xc0: {  	_ =	sfence.sel $0xFFFF  }
0xc1: {  	[dreg:$0x0] =	wrdreg $0xFFFFFFFF;
	(pc) =	sbr.abs _section_cstart, $3  }
0xc2: {  	[dreg:$0x1] =	wrdreg $0xFFFFFFFF  }
0xc3: {  	_ =	task.clear_ibuf [dreg:s7], $0x2FFFF;
	_ =	strace $0x9FFFFFFF  }
0xc4: {  	(tm) =	ssettm $0x7FFFFFFF  }
0xc5: {  	_ =	shalt  }
tec
execute0_lowered:
.L_overlay_start_1:
0x0: {  	(tag) =	ssettag $0x1  }
0x1: {  	s0 =	rddreg [dreg:$0x0]  }
0x2: {  	s2 =	rddreg [dreg:$0x2]  }
0x3: {  	s4 =	srdreg.scid;
	s3 =	rddreg [dreg:$0x3];
	s18 =	simm.s32 $0x5000  }
0x4: {  	s19 =	simm.s32 $0x2;
	s20 =	simm.s32 $0x5080;
	s25 =	simm.s32 $0x1  }
0x5: {  	s26 =	simm.s32 $0x80;
	s28 =	simm.s32 $0x20;
	s29 =	simm.s32 $0x10  }
0x6: {  	s30 =	simm.s32 $0x0;
	s7 =	sand.u32 $0x1, s4;
	s4 =	simm.s32 $0x0  }
0x7: {  	s6 =	sadd.s32 $0x16400, s0;
	s5 =	smul.u32 $0x5000, s7;
	[smem:$0x7FF] =	sst s4  }
0x8: {  	s9 =	smul.u32 $0xA00, s7;
	s7 =	ssub.s32 $0x2, s7;
	_ =	strace $0x80000047  }
0x9: {  	s31 =	sshrl.u32 s7, $0x1;
	s8 =	sadd.s32 s5, s0;
	s5 =	stileid.u32  }
0xa: {  	s0 =	sadd.s32 s9, s0;
	s9 =	ssub.s32 s7, s31;
	s15 =	smul.u32 $0x280, s5  }
0xb: {  	s21 =	sadd.s32 $0xC400, s8;
	s22 =	smul.u32 $0x500, s5;
	s23 =	sadd.s32 $0x2400, s8  }
0xc: {  	s0 =	sadd.s32 $0x16600, s0;
	s24 =	smul.u32 $0xA0, s5;
	s9 =	smax.u32 s9, $0x1  }
0xd: {  	s7 =	sadd.s32 s15, s2;
	s8 =	sadd.s32 s15, s3;
	s11 =	sadd.s32 $0x80, s15  }
0xe: {  	s13 =	sadd.s32 $0x100, s15;
	s16 =	sadd.s32 $0x180, s15;
	s17 =	sadd.s32 $0x200, s15  }
0xf: {  	s21 =	sadd.s32 s22, s21;
	s22 =	sadd.s32 s22, s23;
	s23 =	simm.s32 $0x2800  }
0x10: {  	s24 =	sadd.s32 s24, s0;
	s10 =	sadd.s32 s11, s2;
	s11 =	sadd.s32 s11, s3  }
0x11: {  	s12 =	sadd.s32 s13, s2;
	s13 =	sadd.s32 s13, s3;
	s14 =	sadd.s32 s16, s2  }
0x12: {  	s15 =	sadd.s32 s16, s3;
	s16 =	sadd.s32 s17, s2;
	s17 =	sadd.s32 s17, s3  }
.LBB2_1:
0x13: {  	s0 =	rddreg [dreg:$0x1]  }
0x14: {  	[tilespmem:s18], [sflag:$0x2] =	stream.linear.gather [hbm4b:s0+s4], $0x80, $0x38;
	[tilespmem:$0x5600] =	vst v63  }
0x15: {  	_ =	swait.ge [sflag:s19], $0x80  }
0x16: {  	[sflag:s19] =	ssyncset.done $0x0  }
0x17: {  	[sflag:s19] =	ssyncadd.s32 $0xFFFFFF80  }
0x18: {  	[tilespmem:s20], [sflag:$0x2] =	stream.linear.gather [hbm4b:s6+s4], $0x80, $0x38;
	[tilespmem:$0x5600] =	vst v63  }
0x19: {  	_ =	swait.ge [sflag:s19], $0x80  }
0x1a: {  	[sflag:s19] =	ssyncset.done $0x0  }
0x1b: {  	[sflag:s19] =	ssyncadd.s32 $0xFFFFFF80  }
0x1c: {  	[spmem:s7] =	stream.linear.scatter [tilespmem:s20], [sflag:$0x1], $0x80, $0x38;
	[tilespmem:$0x5600] =	vst v63  }
0x1d: {  	_ = 	snop  }
0x1e: {  	[spmem:s8] =	stream.linear.scatter [tilespmem:s20], [sflag:$0x1], $0x80, $0x38;
	[tilespmem:$0x5600] =	vst v63  }
0x1f: {  	_ = 	snop  }
0x20: {  	[spmem:s10] =	stream.linear.scatter [tilespmem:s20], [sflag:$0x1], $0x80, $0x38;
	[tilespmem:$0x5600] =	vst v63  }
0x21: {  	_ = 	snop  }
0x22: {  	[spmem:s11] =	stream.linear.scatter [tilespmem:s20], [sflag:$0x1], $0x80, $0x38;
	[tilespmem:$0x5600] =	vst v63  }
0x23: {  	_ = 	snop  }
0x24: {  	[spmem:s12] =	stream.linear.scatter [tilespmem:s20], [sflag:$0x1], $0x80, $0x38;
	[tilespmem:$0x5600] =	vst v63  }
0x25: {  	_ = 	snop  }
0x26: {  	[spmem:s13] =	stream.linear.scatter [tilespmem:s20], [sflag:$0x1], $0x80, $0x38;
	[tilespmem:$0x5600] =	vst v63  }
0x27: {  	_ = 	snop  }
0x28: {  	[spmem:s14] =	stream.linear.scatter [tilespmem:s20], [sflag:$0x1], $0x80, $0x38;
	[tilespmem:$0x5600] =	vst v63  }
0x29: {  	_ = 	snop  }
0x2a: {  	[spmem:s15] =	stream.linear.scatter [tilespmem:s20], [sflag:$0x1], $0x80, $0x38;
	[tilespmem:$0x5600] =	vst v63  }
0x2b: {  	_ = 	snop  }
0x2c: {  	[spmem:s16] =	stream.linear.scatter [tilespmem:s20], [sflag:$0x1], $0x80, $0x38;
	[tilespmem:$0x5600] =	vst v63  }
0x2d: {  	_ = 	snop  }
0x2e: {  	[spmem:s17] =	stream.linear.scatter [tilespmem:s20], [sflag:$0x1], $0x80, $0x38;
	[tilespmem:$0x5600] =	vst v63  }
0x2f: {  	_ = 	snop  }
0x30: {  	[tilespmem:s4], [sflag:$0x2] =	stream.linear.gather [hbm4b:s21+s4], $0x2800, $0x38;
	[tilespmem:$0x5600] =	vst v63  }
0x31: {  	_ =	swait.ge [sflag:s19], $0x2800  }
0x32: {  	[sflag:s19] =	ssyncset.done $0x0  }
0x33: {  	[sflag:s19] =	ssyncadd.s32 $0xFFFFD800  }
0x34: {  	[tilespmem:s23], [sflag:$0x2] =	stream.linear.gather [hbm4b:s22+s4], $0x2800, $0x38;
	[tilespmem:$0x5600] =	vst v63  }
0x35: {  	_ =	swait.ge [sflag:s19], $0x2800  }
0x36: {  	[sflag:s19] =	ssyncset.done $0x0  }
0x37: {  	[sflag:s19] =	ssyncadd.s32 $0xFFFFD800  }
0x38: {  	_ =	swait.ge [sflag:s25], $0x80  }
0x39: {  	[sflag:s25] =	ssyncset.done $0x0  }
0x3a: {  	[sflag:s25] =	ssyncadd.s32 $0xFFFFFF80  }
0x3b: {  	_ =	swait.ge [sflag:s25], $0x80  }
0x3c: {  	[sflag:s25] =	ssyncset.done $0x0  }
0x3d: {  	[sflag:s25] =	ssyncadd.s32 $0xFFFFFF80  }
0x3e: {  	_ =	swait.ge [sflag:s25], $0x80  }
0x3f: {  	[sflag:s25] =	ssyncset.done $0x0  }
0x40: {  	[sflag:s25] =	ssyncadd.s32 $0xFFFFFF80  }
0x41: {  	_ =	swait.ge [sflag:s25], $0x80  }
0x42: {  	[sflag:s25] =	ssyncset.done $0x0  }
0x43: {  	[sflag:s25] =	ssyncadd.s32 $0xFFFFFF80  }
0x44: {  	_ =	swait.ge [sflag:s25], $0x80  }
0x45: {  	[sflag:s25] =	ssyncset.done $0x0  }
0x46: {  	[sflag:s25] =	ssyncadd.s32 $0xFFFFFF80  }
0x47: {  	_ =	swait.ge [sflag:s25], $0x80  }
0x48: {  	[sflag:s25] =	ssyncset.done $0x0  }
0x49: {  	[sflag:s25] =	ssyncadd.s32 $0xFFFFFF80  }
0x4a: {  	_ =	swait.ge [sflag:s25], $0x80  }
0x4b: {  	[sflag:s25] =	ssyncset.done $0x0  }
0x4c: {  	[sflag:s25] =	ssyncadd.s32 $0xFFFFFF80  }
0x4d: {  	_ =	swait.ge [sflag:s25], $0x80  }
0x4e: {  	[sflag:s25] =	ssyncset.done $0x0  }
0x4f: {  	[sflag:s25] =	ssyncadd.s32 $0xFFFFFF80  }
0x50: {  	_ =	swait.ge [sflag:s25], $0x80  }
0x51: {  	[sflag:s25] =	ssyncset.done $0x0  }
0x52: {  	[sflag:s25] =	ssyncadd.s32 $0xFFFFFF80  }
0x53: {  	_ =	swait.ge [sflag:s25], $0x80  }
0x54: {  	[sflag:s25] =	ssyncset.done $0x0  }
0x55: {  	s1 =	simm.s32 $0x0;
	[sflag:s25] =	ssyncadd.s32 $0xFFFFFF80  }
0x56: {  	s31 =	simm.s32 $0x200;
	s0 =	simm.s32 $0x2800;
	[bflag:$0x0] =	sbarrier.arrive $0xFFFF  }
0x57: {  	[spmem:s2] =	stream.indirect.scatter.add.f32 [tilespmem:s18], [sflag:$0x1], $0x1, s1, s26, $0xb8;
	[tilespmem:$0x5600] =	vst v63  }
.LBB2_2:
0x58: {  	[spmem:s3] =	stream.indirect.scatter.add.f32 [tilespmem:s18], [sflag:$0x1], $0x1, s0, s26, $0xb8;
	[tilespmem:$0x5600] =	vst v63  }
0x59: {  	s0 =	smov.u32 s31;
	p0 =	sne.s32 s31, $0x4E00  }
.Ltmp0:
0x5a: {  	s31 =	sadd.s32 $0x200, s31;
	(pc) =	sbr.rel @p0 .LBB2_2-.Ltmp0, $4  }
0x5b: {  	_ = 	snop  }
0x5c: {  	s0 =	sshra.s32 s0, $0x2  }
0x5d: {  	[spmem:s2] =	stream.indirect.scatter.add.f32 [tilespmem:s18], [sflag:$0x1], $0x1, s0, s26, $0xb8;
	[tilespmem:$0x5600] =	vst v63  }
0x5e: {  	s0 =	sadd.s32 $0x2800, s0  }
0x5f: {  	[spmem:s3] =	stream.indirect.scatter.add.f32 [tilespmem:s18], [sflag:$0x1], $0x1, s0, s26, $0xb8;
	[tilespmem:$0x5600] =	vst v63  }
0x60: {  	s1 =	simm.s32 $0x1400;
	s31 =	simm.s32 $0x200;
	s0 =	simm.s32 $0x3C00  }
0x61: {  	[spmem:s2] =	stream.indirect.scatter.add.f32 [tilespmem:s18], [sflag:$0x1], $0x1, s1, s26, $0xb8;
	[tilespmem:$0x5600] =	vst v63  }
.LBB2_4:
0x62: {  	[spmem:s3] =	stream.indirect.scatter.add.f32 [tilespmem:s18], [sflag:$0x1], $0x1, s0, s26, $0xb8;
	[tilespmem:$0x5600] =	vst v63  }
0x63: {  	s0 =	smov.u32 s31;
	p0 =	sne.s32 s31, $0x4E00  }
.Ltmp1:
0x64: {  	s31 =	sadd.s32 $0x200, s31;
	(pc) =	sbr.rel @p0 .LBB2_4-.Ltmp1, $4  }
0x65: {  	s0 =	sshra.s32 s0, $0x2  }
0x66: {  	s1 =	sadd.s32 $0x1400, s0  }
0x67: {  	[spmem:s2] =	stream.indirect.scatter.add.f32 [tilespmem:s18], [sflag:$0x1], $0x1, s1, s26, $0xb8;
	[tilespmem:$0x5600] =	vst v63  }
0x68: {  	s0 =	sadd.s32 $0x3C00, s0  }
0x69: {  	[spmem:s3] =	stream.indirect.scatter.add.f32 [tilespmem:s18], [sflag:$0x1], $0x1, s0, s26, $0xb8;
	[tilespmem:$0x5600] =	vst v63  }
0x6a: {  	_ =	swait.ge [sflag:s25], $0x1400  }
0x6b: {  	[sflag:s25] =	ssyncset.done $0x0  }
0x6c: {  	[sflag:s25] =	ssyncadd.s32 $0xFFFFEC00  }
0x6d: {  	_ =	swait.ge [sflag:s25], $0x1400  }
0x6e: {  	[sflag:s25] =	ssyncset.done $0x0  }
0x6f: {  	[sflag:s25] =	ssyncadd.s32 $0xFFFFEC00  }
0x70: {  	_ =	swait.ge [sflag:s25], $0x1400  }
0x71: {  	[sflag:s25] =	ssyncset.done $0x0  }
0x72: {  	[sflag:s25] =	ssyncadd.s32 $0xFFFFEC00  }
0x73: {  	_ =	swait.ge [sflag:s25], $0x1400  }
0x74: {  	[sflag:s25] =	ssyncset.done $0x0  }
0x75: {  	s31 =	sshll.u32 s5, $0x6;
	[sflag:s25] =	ssyncadd.s32 $0xFFFFEC00  }
0x76: {  	s1 =	sshrl.u32 s7, $0x3;
	s0 =	sor.u32 $0x1C02, s31;
	[bflag:$0x0] =	sbarrier.arrive $0xFFFF  }
0x77: {  	[hbm:s24@s28], [sflag:s0] =	dma.strided [spmem:s1@s29], $0x50, s25, $0x10   }
0x78: {  	s30 =	sadd.s32 $0x1, s30;
	_ =	swait.ge [sflag:s19], $0x50  }
0x79: {  	s31 =	sshrl.u32 s8, $0x3;
	p0 =	sne.s32 s30, s9;
	[sflag:s19] =	ssyncset.done $0x0  }
.Ltmp2:
0x7a: {  	s1 =	sadd.s32 $0x10, s24;
	[sflag:s19] =	ssyncadd.s32 $0xFFFFFFB0;
	(pc) =	sbr.rel @p0 .LBB2_1-.Ltmp2, $4  }
0x7b: {  	[hbm:s1@s28], [sflag:s0] =	dma.strided [spmem:s31@s29], $0x50, s25, $0x10   }
0x7c: {  	_ =	swait.ge [sflag:s19], $0x50  }
0x7d: {  	[sflag:s19] =	ssyncset.done $0x0  }
0x7e: {  	[sflag:s19] =	ssyncadd.s32 $0xFFFFFFB0  }
0x7f: {  	_ =	sfence.sel $0x180000  }
0x80: {  	[bflag:$0x0] =	sbarrier.arrive $0xFFFF  }
0x81: {  	_ =	strace $0x90000047  }
0x82: {  	[bflag:$0x2] =	sbarrier.arrive $0xFFFF  }
0x83: {  	p0 =	sne.s32 s5, $0x0;
	s0 =	rddreg [dreg:$0x4]  }
0x84: {  	s0 =	sadd.s32 @!p0 $0x100000, s0  }
0x85: {  	[sflag:s0] =	ssyncadd.tile.s32 @!p0 $0x1;
	_ =	shalt  }
.Lfunc_end2:
_tile_overlayer_lowered:
.L_overlay_start_2:
0x86: {  	(tag) =	ssettag $0x2  }
0x87: {  	s0 =	rddreg [dreg:$0x0];
	s2 =	stileid.u32  }
0x88: {  	s1 =	rddreg [dreg:$0x1];
	p0 =	sne.s32 s2, $0x0  }
0x89: {  	s3 =	rddreg [dreg:$0x2];
	[bflag:$0x3] =	sbarrier.arrive $0xFFFF;
	s2 =	simm.s32 @!p0 $0x1C02  }
0x8a: {  	[timem:s3], [sflag:s2] =	dma.local @!p0 [hbm:s0], s1  }
0x8b: {  	s0 =	simm.s32 @!p0 $0x2  }
0x8c: {  	_ =	swait.ge @!p0 [sflag:s0], s1  }
0x8d: {  	s1 =	ssub.s32 @!p0 $0x0, s1;
	[sflag:s0] =	ssyncset.done @!p0 $0x0  }
0x8e: {  	[sflag:s0] =	ssyncadd.s32 @!p0 s1  }
0x8f: {  	[bflag:$0x3] =	sbarrier.arrive $0xFFFF  }
0x90: {  	_ =	shalt  }

</sc_bundles>
